<compile_context>
chip_gen: v7x
topology: tpu7x:2x2x1
jax: 0.10.2.dev20260603
libtpu: 0.0.44.dev20260713+nightly
codegen_flags: <defaults>
</compile_context>

<pallas_src>
import functools

import jax
import jax.numpy as jnp
from jax import lax
from jax.experimental import pallas as pl
from jax.experimental.pallas import tpu as pltpu
from jax.experimental.pallas import tpu_sc as plsc

N = 10000
E = 320000
D = 128
NEXP = 8
NLAYERS = 2
TAU = 0.8

NC = 2
NS = 16
NW = NC * NS
CHUNK = 128
CPT = -(-E // (NW * CHUNK))
E_PAD = NW * CPT * CHUNK
N_PAD = 10240
RPS = N_PAD // NS


def _mesh():
  return plsc.VectorSubcoreMesh(
      core_axis_name="c", subcore_axis_name="s", num_cores=NC, num_subcores=NS)


def _zero_block(ref):
  @pl.loop(0, CHUNK)
  def _z(j):
    for k in range(D // 16):
      ref[j, pl.ds(k * 16, 16)] = jnp.zeros((16,), jnp.float32)


@functools.lru_cache(maxsize=None)
def _make_agg_call():
  def body(h_hbm, srcm, dstm, agg_out, acc_sh, sidx, didx, rows, sem):
    c = lax.axis_index("c")
    s = lax.axis_index("s")
    wid = c * NS + s

    _zero_block(rows)
    r0 = s * RPS
    for i in range(RPS // CHUNK):
      pltpu.sync_copy(rows, acc_sh.at[pl.ds(r0 + i * CHUNK, CHUNK)])
    plsc.subcore_barrier()

    @pl.loop(0, CPT)
    def _edges(j):
      pltpu.sync_copy(srcm.at[wid, j], sidx)
      pltpu.sync_copy(dstm.at[wid, j], didx)
      pltpu.async_copy(h_hbm.at[sidx], rows, sem).wait()
      pltpu.sync_copy(rows, acc_sh.at[didx], add=True)

    plsc.subcore_barrier()
    pltpu.sync_copy(acc_sh.at[pl.ds(r0, RPS)], agg_out.at[c, pl.ds(r0, RPS)])

  return pl.kernel(
      body,
      out_type=[jax.ShapeDtypeStruct((NC, N_PAD, D), jnp.float32)],
      mesh=_mesh(),
      scratch_types=[
          pltpu.VMEM_SHARED((N_PAD, D), jnp.float32),
          pltpu.VMEM((CHUNK,), jnp.int32),
          pltpu.VMEM((CHUNK,), jnp.int32),
          pltpu.VMEM((CHUNK, D), jnp.float32),
          pltpu.SemaphoreType.DMA,
      ],
  )


@functools.lru_cache(maxsize=None)
def _make_deg_call():
  def body(dstm, deg_out, acc_sh, didx, rows, sem):
    c = lax.axis_index("c")
    s = lax.axis_index("s")
    wid = c * NS + s

    _zero_block(rows)
    r0 = s * RPS
    for i in range(RPS // CHUNK):
      pltpu.sync_copy(rows, acc_sh.at[pl.ds(r0 + i * CHUNK, CHUNK)])

    @pl.loop(0, CHUNK)
    def _ones(j):
      for k in range(D // 16):
        rows[j, pl.ds(k * 16, 16)] = jnp.full((16,), 1.0, jnp.float32)

    plsc.subcore_barrier()

    @pl.loop(0, CPT)
    def _edges(j):
      pltpu.sync_copy(dstm.at[wid, j], didx)
      pltpu.sync_copy(rows, acc_sh.at[didx], add=True)

    plsc.subcore_barrier()
    pltpu.sync_copy(acc_sh.at[pl.ds(r0, RPS)], deg_out.at[c, pl.ds(r0, RPS)])

  return pl.kernel(
      body,
      out_type=[jax.ShapeDtypeStruct((NC, N_PAD, D), jnp.float32)],
      mesh=_mesh(),
      scratch_types=[
          pltpu.VMEM_SHARED((N_PAD, D), jnp.float32),
          pltpu.VMEM((CHUNK,), jnp.int32),
          pltpu.VMEM((CHUNK, D), jnp.float32),
          pltpu.SemaphoreType.DMA,
      ],
  )


BN = 1000


def _make_tc_call(final):
  def tc_body(h, a, dg, g, wr, w1, b1, w2, b2, out):
    deg = jnp.maximum(dg[0, :, :1] + dg[1, :, :1], 1.0)
    agg = (a[0] + a[1]) / deg
    xin = jnp.concatenate([h[...], agg], axis=1)
    logits = jnp.dot(xin, wr[...], preferred_element_type=jnp.float32)
    z = (logits + g[...]) * (1.0 / TAU)
    z = z - jnp.max(z, axis=1, keepdims=True)
    ez = jnp.exp(z)
    gates = ez / jnp.sum(ez, axis=1, keepdims=True)
    acc = jnp.zeros((BN, D), jnp.float32)
    for e in range(NEXP):
      he = jnp.maximum(
          jnp.dot(xin, w1[e], preferred_element_type=jnp.float32)
          + b1[e][None, :], 0.0)
      oe = jnp.dot(he, w2[e], preferred_element_type=jnp.float32) + b2[e][None, :]
      acc = acc + gates[:, e:e + 1] * oe
    out[...] = acc if final else jnp.maximum(acc, 0.0)

  return pl.pallas_call(
      tc_body,
      grid=(N // BN,),
      in_specs=[
          pl.BlockSpec((BN, D), lambda i: (i, 0)),
          pl.BlockSpec((NC, BN, D), lambda i: (0, i, 0)),
          pl.BlockSpec((NC, BN, D), lambda i: (0, i, 0)),
          pl.BlockSpec((BN, NEXP), lambda i: (i, 0)),
          pl.BlockSpec((2 * D, NEXP), lambda i: (0, 0)),
          pl.BlockSpec((NEXP, 2 * D, D), lambda i: (0, 0, 0)),
          pl.BlockSpec((NEXP, D), lambda i: (0, 0)),
          pl.BlockSpec((NEXP, D, D), lambda i: (0, 0, 0)),
          pl.BlockSpec((NEXP, D), lambda i: (0, 0)),
      ],
      out_specs=pl.BlockSpec((BN, D), lambda i: (i, 0)),
      out_shape=jax.ShapeDtypeStruct((N, D), jnp.float32),
  )


def kernel(x, edge_index, Wr, W1, b1, W2, b2):
  src = edge_index[0]
  dst = edge_index[1]
  pad = E_PAD - E
  srcm = jnp.concatenate([src, jnp.zeros((pad,), jnp.int32)]).reshape(
      NW, CPT, CHUNK)
  dstm = jnp.concatenate([dst, jnp.full((pad,), N, jnp.int32)]).reshape(
      NW, CPT, CHUNK)
  gkey = jax.random.key(42)
  (degp,) = _make_deg_call()(dstm)
  degp = degp[:, :N]
  h = x
  for l in range(NLAYERS):
    (aggp,) = _make_agg_call()(h, srcm, dstm)
    aggp = aggp[:, :N]
    u = jax.random.uniform(jax.random.fold_in(gkey, l), (N, NEXP),
                           minval=1e-6, maxval=1.0 - 1e-6)
    g = -jnp.log(-jnp.log(u))
    tc = _make_tc_call(l == NLAYERS - 1)
    h = tc(h, aggp, degp, g, Wr[l], W1[l], b1[l], W2[l], b2[l])
  return h

# --- scband reference (transcript-rebuilt; emitter-appended) ---
"""Pipeline reference for scband-graph-moe-v07-gumbel-18700287607127 (READ-ONLY COPY).

The authoritative reference and input builder live on the scoring server;
editing this copy changes nothing except your own understanding.
"""

import jax, jax.numpy as jnp
import numpy as np

N = 10000
E_EDGES = 320000
D = 128        # in_dim == hidden_dim == out_dim
HID = 128      # expert hidden width
NEXP = 8       # number of experts
NLAYERS = 2
TAU = 0.8      # gumbel temperature


def setup_inputs(seed: int = 0) -> dict:
    key = jax.random.key(seed)
    ks = jax.random.split(key, 8)
    x = jax.random.normal(ks[0], (N, D), dtype=jnp.float32)
    edge_index = jax.random.randint(ks[1], (2, E_EDGES), 0, N, dtype=jnp.int32)
    # Router weights: 'combined' router consumes concat(self_feat, neighbor_agg) -> 2*D
    Wr = jax.random.normal(ks[2], (NLAYERS, 2 * D, NEXP), dtype=jnp.float32) * 0.05
    # Expert MLP weights (per layer, per expert): [2D -> HID -> D]
    W1 = jax.random.normal(ks[3], (NLAYERS, NEXP, 2 * D, HID), dtype=jnp.float32) * (1.0 / np.sqrt(2 * D))
    b1 = jnp.zeros((NLAYERS, NEXP, HID), dtype=jnp.float32)
    W2 = jax.random.normal(ks[4], (NLAYERS, NEXP, HID, D), dtype=jnp.float32) * (1.0 / np.sqrt(HID))
    b2 = jnp.zeros((NLAYERS, NEXP, D), dtype=jnp.float32)
    return {"x": x, "edge_index": edge_index, "Wr": Wr, "W1": W1, "b1": b1, "W2": W2, "b2": b2}


def reference(x, edge_index, Wr, W1, b1, W2, b2):
    src = edge_index[0]
    dst = edge_index[1]
    gkey = jax.random.key(42)  # deterministic gumbel noise
    h = x
    for l in range(NLAYERS):
        # mean aggregation of neighbor messages (gather by src, scatter-add by dst)
        msgs = jnp.take(h, src, axis=0)
        agg = jax.ops.segment_sum(msgs, dst, num_segments=N)
        deg = jax.ops.segment_sum(jnp.ones((E_EDGES, 1), dtype=h.dtype), dst, num_segments=N)
        agg = agg / jnp.maximum(deg, 1.0)
        # 'combined' router: self features + aggregated neighborhood
        xin = jnp.concatenate([h, agg], axis=-1)          # [N, 2D]
        logits = xin @ Wr[l]                               # [N, NEXP]
        u = jax.random.uniform(jax.random.fold_in(gkey, l), logits.shape,
                               minval=1e-6, maxval=1.0 - 1e-6)
        gumbel = -jnp.log(-jnp.log(u))
        gates = jax.nn.softmax((logits + gumbel) / TAU, axis=-1)  # gumbel-softmax gating
        # expert MLPs (dense evaluation, gumbel-softmax mixture)
        hexp = jax.nn.relu(jnp.einsum('nd,edh->neh', xin, W1[l]) + b1[l])
        oexp = jnp.einsum('neh,eho->neo', hexp, W2[l]) + b2[l]
        y = jnp.einsum('ne,neo->no', gates, oexp)
        h = jax.nn.relu(y) if l < NLAYERS - 1 else y
    return h

if __name__ == "__main__":
    import jax
    _d = setup_inputs()
    print(jax.jit(kernel)(*tuple(_d.values())))

</pallas_src>

<mosaic_0001>
#map = affine_map<(d0, d1) -> (0, 0, 0)>
module attributes {stable_mosaic.version = 14 : i64} {
  func.func @body(%arg0: i32, %arg1: i32, %arg2: memref<32x79x128xi32, #tpu.memory_space<hbm>>, %arg3: memref<2x10240x128xf32, #tpu.memory_space<hbm>>, %arg4: memref<10240x128xf32, #tpu.memory_space<vmem_shared>>, %arg5: memref<128xi32, #tpu.memory_space<vmem>>, %arg6: memref<128x128xf32, #tpu.memory_space<vmem>>, %arg7: memref<!tpu.dma_semaphore, #tpu.memory_space<semaphore_mem>>) attributes {dimension_semantics = [#tpu.dimension_semantics<core_parallel>, #tpu.dimension_semantics<subcore_parallel>], iteration_bounds = array<i64: 2, 16>, scalar_prefetch = 0 : i64, scratch_operands = 4 : i64, tpu.core_type = #tpu.core_type<sc_vector_subcore>, window_params = [{transform_indices = #map}, {transform_indices = #map}]} {
    %mul3A = arith.constant 16 : i32
    %mul3A_0 = arith.muli %arg0, %mul3A : i32
    %add3A = arith.addi %mul3A_0, %arg1 : i32
    %scan3A = arith.constant 0 : i32
    %scan3A_1 = arith.constant 128 : i32
    %scan3A_2 = arith.addi %scan3A, %scan3A_1 : i32
    %scan3A_3 = arith.constant 1 : i32
    scf.for %scan3A_28 = %scan3A to %scan3A_2 step %scan3A_3  : i32 {
      %mul3A_29 = arith.constant 1 : i32
      %mul3A_30 = arith.muli %scan3A_28, %mul3A_29 : i32
      %add3A_31 = arith.constant 0 : i32
      %add3A_32 = arith.addi %add3A_31, %mul3A_30 : i32
      %broadcast_in_dim3A = arith.constant 0.000000e+00 : f32
      %broadcast_in_dim3A_33 = vector.broadcast %broadcast_in_dim3A : f32 to vector<16xf32>
      %swap3A = arith.index_cast %add3A_32 : i32 to index
      %swap3A_34 = arith.constant 0 : index
      %swap3A_35 = tpu.vector_load %arg6[%swap3A, %swap3A_34] {strides = array<i32>} : memref<128x128xf32, #tpu.memory_space<vmem>>, vector<1x16xf32>,
      %swap3A_36 = vector.shape_cast %swap3A_35 : vector<1x16xf32> to vector<16xf32>
      %swap3A_37 = vector.shape_cast %broadcast_in_dim3A_33 : vector<16xf32> to vector<1x16xf32>
      tpu.vector_store %arg6[%swap3A, %swap3A_34], %swap3A_37 {strides = array<i32>} : memref<128x128xf32, #tpu.memory_space<vmem>>, vector<1x16xf32>,
      %broadcast_in_dim3A_38 = arith.constant 0.000000e+00 : f32
      %broadcast_in_dim3A_39 = vector.broadcast %broadcast_in_dim3A_38 : f32 to vector<16xf32>
      %swap3A_40 = arith.index_cast %add3A_32 : i32 to index
      %swap3A_41 = arith.constant 16 : index
      %swap3A_42 = tpu.vector_load %arg6[%swap3A_40, %swap3A_41] {strides = array<i32>} : memref<128x128xf32, #tpu.memory_space<vmem>>, vector<1x16xf32>,
      %swap3A_43 = vector.shape_cast %swap3A_42 : vector<1x16xf32> to vector<16xf32>
      %swap3A_44 = vector.shape_cast %broadcast_in_dim3A_39 : vector<16xf32> to vector<1x16xf32>
      tpu.vector_store %arg6[%swap3A_40, %swap3A_41], %swap3A_44 {strides = array<i32>} : memref<128x128xf32, #tpu.memory_space<vmem>>, vector<1x16xf32>,
      %broadcast_in_dim3A_45 = arith.constant 0.000000e+00 : f32
      %broadcast_in_dim3A_46 = vector.broadcast %broadcast_in_dim3A_45 : f32 to vector<16xf32>
      %swap3A_47 = arith.index_cast %add3A_32 : i32 to index
      %swap3A_48 = arith.constant 32 : index
      %swap3A_49 = tpu.vector_load %arg6[%swap3A_47, %swap3A_48] {strides = array<i32>} : memref<128x128xf32, #tpu.memory_space<vmem>>, vector<1x16xf32>,
      %swap3A_50 = vector.shape_cast %swap3A_49 : vector<1x16xf32> to vector<16xf32>
      %swap3A_51 = vector.shape_cast %broadcast_in_dim3A_46 : vector<16xf32> to vector<1x16xf32>
      tpu.vector_store %arg6[%swap3A_47, %swap3A_48], %swap3A_51 {strides = array<i32>} : memref<128x128xf32, #tpu.memory_space<vmem>>, vector<1x16xf32>,
      %broadcast_in_dim3A_52 = arith.constant 0.000000e+00 : f32
      %broadcast_in_dim3A_53 = vector.broadcast %broadcast_in_dim3A_52 : f32 to vector<16xf32>
      %swap3A_54 = arith.index_cast %add3A_32 : i32 to index
      %swap3A_55 = arith.constant 48 : index
      %swap3A_56 = tpu.vector_load %arg6[%swap3A_54, %swap3A_55] {strides = array<i32>} : memref<128x128xf32, #tpu.memory_space<vmem>>, vector<1x16xf32>,
      %swap3A_57 = vector.shape_cast %swap3A_56 : vector<1x16xf32> to vector<16xf32>
      %swap3A_58 = vector.shape_cast %broadcast_in_dim3A_53 : vector<16xf32> to vector<1x16xf32>
      tpu.vector_store %arg6[%swap3A_54, %swap3A_55], %swap3A_58 {strides = array<i32>} : memref<128x128xf32, #tpu.memory_space<vmem>>, vector<1x16xf32>,
      %broadcast_in_dim3A_59 = arith.constant 0.000000e+00 : f32
      %broadcast_in_dim3A_60 = vector.broadcast %broadcast_in_dim3A_59 : f32 to vector<16xf32>
      %swap3A_61 = arith.index_cast %add3A_32 : i32 to index
      %swap3A_62 = arith.constant 64 : index
      %swap3A_63 = tpu.vector_load %arg6[%swap3A_61, %swap3A_62] {strides = array<i32>} : memref<128x128xf32, #tpu.memory_space<vmem>>, vector<1x16xf32>,
      %swap3A_64 = vector.shape_cast %swap3A_63 : vector<1x16xf32> to vector<16xf32>
      %swap3A_65 = vector.shape_cast %broadcast_in_dim3A_60 : vector<16xf32> to vector<1x16xf32>
      tpu.vector_store %arg6[%swap3A_61, %swap3A_62], %swap3A_65 {strides = array<i32>} : memref<128x128xf32, #tpu.memory_space<vmem>>, vector<1x16xf32>,
      %broadcast_in_dim3A_66 = arith.constant 0.000000e+00 : f32
      %broadcast_in_dim3A_67 = vector.broadcast %broadcast_in_dim3A_66 : f32 to vector<16xf32>
      %swap3A_68 = arith.index_cast %add3A_32 : i32 to index
      %swap3A_69 = arith.constant 80 : index
      %swap3A_70 = tpu.vector_load %arg6[%swap3A_68, %swap3A_69] {strides = array<i32>} : memref<128x128xf32, #tpu.memory_space<vmem>>, vector<1x16xf32>,
      %swap3A_71 = vector.shape_cast %swap3A_70 : vector<1x16xf32> to vector<16xf32>
      %swap3A_72 = vector.shape_cast %broadcast_in_dim3A_67 : vector<16xf32> to vector<1x16xf32>
      tpu.vector_store %arg6[%swap3A_68, %swap3A_69], %swap3A_72 {strides = array<i32>} : memref<128x128xf32, #tpu.memory_space<vmem>>, vector<1x16xf32>,
      %broadcast_in_dim3A_73 = arith.constant 0.000000e+00 : f32
      %broadcast_in_dim3A_74 = vector.broadcast %broadcast_in_dim3A_73 : f32 to vector<16xf32>
      %swap3A_75 = arith.index_cast %add3A_32 : i32 to index
      %swap3A_76 = arith.constant 96 : index
      %swap3A_77 = tpu.vector_load %arg6[%swap3A_75, %swap3A_76] {strides = array<i32>} : memref<128x128xf32, #tpu.memory_space<vmem>>, vector<1x16xf32>,
      %swap3A_78 = vector.shape_cast %swap3A_77 : vector<1x16xf32> to vector<16xf32>
      %swap3A_79 = vector.shape_cast %broadcast_in_dim3A_74 : vector<16xf32> to vector<1x16xf32>
      tpu.vector_store %arg6[%swap3A_75, %swap3A_76], %swap3A_79 {strides = array<i32>} : memref<128x128xf32, #tpu.memory_space<vmem>>, vector<1x16xf32>,
      %broadcast_in_dim3A_80 = arith.constant 0.000000e+00 : f32
      %broadcast_in_dim3A_81 = vector.broadcast %broadcast_in_dim3A_80 : f32 to vector<16xf32>
      %swap3A_82 = arith.index_cast %add3A_32 : i32 to index
      %swap3A_83 = arith.constant 112 : index
      %swap3A_84 = tpu.vector_load %arg6[%swap3A_82, %swap3A_83] {strides = array<i32>} : memref<128x128xf32, #tpu.memory_space<vmem>>, vector<1x16xf32>,
      %swap3A_85 = vector.shape_cast %swap3A_84 : vector<1x16xf32> to vector<16xf32>
      %swap3A_86 = vector.shape_cast %broadcast_in_dim3A_81 : vector<16xf32> to vector<1x16xf32>
      tpu.vector_store %arg6[%swap3A_82, %swap3A_83], %swap3A_86 {strides = array<i32>} : memref<128x128xf32, #tpu.memory_space<vmem>>, vector<1x16xf32>,
    }
    %scan3A_4 = arith.constant 128 : i32
    %mul3A_5 = arith.constant 640 : i32
    %mul3A_6 = arith.muli %arg1, %mul3A_5 : i32
    %add3A_7 = arith.constant 0 : i32
    %add3A_8 = arith.addi %mul3A_6, %add3A_7 : i32
    "tpu.region"() ({
      %run_scoped3A = tpu.sem_alloc : memref<!tpu.dma_semaphore, #tpu.memory_space<semaphore_mem>>
      %dma_start3A = arith.constant 0 : i32
      %dma_start3A_28 = tpu.memref_slice %arg4[%add3A_8, %dma_start3A] : memref<10240x128xf32, #tpu.memory_space<vmem_shared>> -> memref<128x128xf32, #tpu.memory_space<vmem_shared>>
      %dma_start3A_29 = arith.constant 0 : i32
      %dma_start3A_30 = tpu.memref_slice %arg4[%add3A_8, %dma_start3A_29] : memref<10240x128xf32, #tpu.memory_space<vmem_shared>> -> memref<128x128xf32, #tpu.memory_space<vmem_shared>>
      tpu.enqueue_dma source(%arg6 : memref<128x128xf32, #tpu.memory_space<vmem>>) target(%dma_start3A_30 : memref<128x128xf32, #tpu.memory_space<vmem_shared>>) target_semaphore(%run_scoped3A : memref<!tpu.dma_semaphore, #tpu.memory_space<semaphore_mem>>)
      %dma_wait3A = arith.constant 0 : i32
      %dma_wait3A_31 = tpu.memref_slice %arg4[%add3A_8, %dma_wait3A] : memref<10240x128xf32, #tpu.memory_space<vmem_shared>> -> memref<128x128xf32, #tpu.memory_space<vmem_shared>>
      %dma_wait3A_32 = arith.constant 0 : i32
      %dma_wait3A_33 = tpu.memref_slice %arg4[%add3A_8, %dma_wait3A_32] : memref<10240x128xf32, #tpu.memory_space<vmem_shared>> -> memref<128x128xf32, #tpu.memory_space<vmem_shared>>
      tpu.wait_dma2 semaphore(%run_scoped3A : memref<!tpu.dma_semaphore, #tpu.memory_space<semaphore_mem>>) src(%arg6 : memref<128x128xf32, #tpu.memory_space<vmem>>) dst(%dma_wait3A_33 : memref<128x128xf32, #tpu.memory_space<vmem_shared>>)
      tpu.yield
    }) : () -> ()
    %add3A_9 = arith.constant 128 : i32
    %add3A_10 = arith.addi %mul3A_6, %add3A_9 : i32
    "tpu.region"() ({
      %run_scoped3A = tpu.sem_alloc : memref<!tpu.dma_semaphore, #tpu.memory_space<semaphore_mem>>
      %dma_start3A = arith.constant 0 : i32
      %dma_start3A_28 = tpu.memref_slice %arg4[%add3A_10, %dma_start3A] : memref<10240x128xf32, #tpu.memory_space<vmem_shared>> -> memref<128x128xf32, #tpu.memory_space<vmem_shared>>
      %dma_start3A_29 = arith.constant 0 : i32
      %dma_start3A_30 = tpu.memref_slice %arg4[%add3A_10, %dma_start3A_29] : memref<10240x128xf32, #tpu.memory_space<vmem_shared>> -> memref<128x128xf32, #tpu.memory_space<vmem_shared>>
      tpu.enqueue_dma source(%arg6 : memref<128x128xf32, #tpu.memory_space<vmem>>) target(%dma_start3A_30 : memref<128x128xf32, #tpu.memory_space<vmem_shared>>) target_semaphore(%run_scoped3A : memref<!tpu.dma_semaphore, #tpu.memory_space<semaphore_mem>>)
      %dma_wait3A = arith.constant 0 : i32
      %dma_wait3A_31 = tpu.memref_slice %arg4[%add3A_10, %dma_wait3A] : memref<10240x128xf32, #tpu.memory_space<vmem_shared>> -> memref<128x128xf32, #tpu.memory_space<vmem_shared>>
      %dma_wait3A_32 = arith.constant 0 : i32
      %dma_wait3A_33 = tpu.memref_slice %arg4[%add3A_10, %dma_wait3A_32] : memref<10240x128xf32, #tpu.memory_space<vmem_shared>> -> memref<128x128xf32, #tpu.memory_space<vmem_shared>>
      tpu.wait_dma2 semaphore(%run_scoped3A : memref<!tpu.dma_semaphore, #tpu.memory_space<semaphore_mem>>) src(%arg6 : memref<128x128xf32, #tpu.memory_space<vmem>>) dst(%dma_wait3A_33 : memref<128x128xf32, #tpu.memory_space<vmem_shared>>)
      tpu.yield
    }) : () -> ()
    %add3A_11 = arith.constant 256 : i32
    %add3A_12 = arith.addi %mul3A_6, %add3A_11 : i32
    "tpu.region"() ({
      %run_scoped3A = tpu.sem_alloc : memref<!tpu.dma_semaphore, #tpu.memory_space<semaphore_mem>>
      %dma_start3A = arith.constant 0 : i32
      %dma_start3A_28 = tpu.memref_slice %arg4[%add3A_12, %dma_start3A] : memref<10240x128xf32, #tpu.memory_space<vmem_shared>> -> memref<128x128xf32, #tpu.memory_space<vmem_shared>>
      %dma_start3A_29 = arith.constant 0 : i32
      %dma_start3A_30 = tpu.memref_slice %arg4[%add3A_12, %dma_start3A_29] : memref<10240x128xf32, #tpu.memory_space<vmem_shared>> -> memref<128x128xf32, #tpu.memory_space<vmem_shared>>
      tpu.enqueue_dma source(%arg6 : memref<128x128xf32, #tpu.memory_space<vmem>>) target(%dma_start3A_30 : memref<128x128xf32, #tpu.memory_space<vmem_shared>>) target_semaphore(%run_scoped3A : memref<!tpu.dma_semaphore, #tpu.memory_space<semaphore_mem>>)
      %dma_wait3A = arith.constant 0 : i32
      %dma_wait3A_31 = tpu.memref_slice %arg4[%add3A_12, %dma_wait3A] : memref<10240x128xf32, #tpu.memory_space<vmem_shared>> -> memref<128x128xf32, #tpu.memory_space<vmem_shared>>
      %dma_wait3A_32 = arith.constant 0 : i32
      %dma_wait3A_33 = tpu.memref_slice %arg4[%add3A_12, %dma_wait3A_32] : memref<10240x128xf32, #tpu.memory_space<vmem_shared>> -> memref<128x128xf32, #tpu.memory_space<vmem_shared>>
      tpu.wait_dma2 semaphore(%run_scoped3A : memref<!tpu.dma_semaphore, #tpu.memory_space<semaphore_mem>>) src(%arg6 : memref<128x128xf32, #tpu.memory_space<vmem>>) dst(%dma_wait3A_33 : memref<128x128xf32, #tpu.memory_space<vmem_shared>>)
      tpu.yield
    }) : () -> ()
    %add3A_13 = arith.constant 384 : i32
    %add3A_14 = arith.addi %mul3A_6, %add3A_13 : i32
    "tpu.region"() ({
      %run_scoped3A = tpu.sem_alloc : memref<!tpu.dma_semaphore, #tpu.memory_space<semaphore_mem>>
      %dma_start3A = arith.constant 0 : i32
      %dma_start3A_28 = tpu.memref_slice %arg4[%add3A_14, %dma_start3A] : memref<10240x128xf32, #tpu.memory_space<vmem_shared>> -> memref<128x128xf32, #tpu.memory_space<vmem_shared>>
      %dma_start3A_29 = arith.constant 0 : i32
      %dma_start3A_30 = tpu.memref_slice %arg4[%add3A_14, %dma_start3A_29] : memref<10240x128xf32, #tpu.memory_space<vmem_shared>> -> memref<128x128xf32, #tpu.memory_space<vmem_shared>>
      tpu.enqueue_dma source(%arg6 : memref<128x128xf32, #tpu.memory_space<vmem>>) target(%dma_start3A_30 : memref<128x128xf32, #tpu.memory_space<vmem_shared>>) target_semaphore(%run_scoped3A : memref<!tpu.dma_semaphore, #tpu.memory_space<semaphore_mem>>)
      %dma_wait3A = arith.constant 0 : i32
      %dma_wait3A_31 = tpu.memref_slice %arg4[%add3A_14, %dma_wait3A] : memref<10240x128xf32, #tpu.memory_space<vmem_shared>> -> memref<128x128xf32, #tpu.memory_space<vmem_shared>>
      %dma_wait3A_32 = arith.constant 0 : i32
      %dma_wait3A_33 = tpu.memref_slice %arg4[%add3A_14, %dma_wait3A_32] : memref<10240x128xf32, #tpu.memory_space<vmem_shared>> -> memref<128x128xf32, #tpu.memory_space<vmem_shared>>
      tpu.wait_dma2 semaphore(%run_scoped3A : memref<!tpu.dma_semaphore, #tpu.memory_space<semaphore_mem>>) src(%arg6 : memref<128x128xf32, #tpu.memory_space<vmem>>) dst(%dma_wait3A_33 : memref<128x128xf32, #tpu.memory_space<vmem_shared>>)
      tpu.yield
    }) : () -> ()
    %add3A_15 = arith.constant 512 : i32
    %add3A_16 = arith.addi %mul3A_6, %add3A_15 : i32
    "tpu.region"() ({
      %run_scoped3A = tpu.sem_alloc : memref<!tpu.dma_semaphore, #tpu.memory_space<semaphore_mem>>
      %dma_start3A = arith.constant 0 : i32
      %dma_start3A_28 = tpu.memref_slice %arg4[%add3A_16, %dma_start3A] : memref<10240x128xf32, #tpu.memory_space<vmem_shared>> -> memref<128x128xf32, #tpu.memory_space<vmem_shared>>
      %dma_start3A_29 = arith.constant 0 : i32
      %dma_start3A_30 = tpu.memref_slice %arg4[%add3A_16, %dma_start3A_29] : memref<10240x128xf32, #tpu.memory_space<vmem_shared>> -> memref<128x128xf32, #tpu.memory_space<vmem_shared>>
      tpu.enqueue_dma source(%arg6 : memref<128x128xf32, #tpu.memory_space<vmem>>) target(%dma_start3A_30 : memref<128x128xf32, #tpu.memory_space<vmem_shared>>) target_semaphore(%run_scoped3A : memref<!tpu.dma_semaphore, #tpu.memory_space<semaphore_mem>>)
      %dma_wait3A = arith.constant 0 : i32
      %dma_wait3A_31 = tpu.memref_slice %arg4[%add3A_16, %dma_wait3A] : memref<10240x128xf32, #tpu.memory_space<vmem_shared>> -> memref<128x128xf32, #tpu.memory_space<vmem_shared>>
      %dma_wait3A_32 = arith.constant 0 : i32
      %dma_wait3A_33 = tpu.memref_slice %arg4[%add3A_16, %dma_wait3A_32] : memref<10240x128xf32, #tpu.memory_space<vmem_shared>> -> memref<128x128xf32, #tpu.memory_space<vmem_shared>>
      tpu.wait_dma2 semaphore(%run_scoped3A : memref<!tpu.dma_semaphore, #tpu.memory_space<semaphore_mem>>) src(%arg6 : memref<128x128xf32, #tpu.memory_space<vmem>>) dst(%dma_wait3A_33 : memref<128x128xf32, #tpu.memory_space<vmem_shared>>)
      tpu.yield
    }) : () -> ()
    %scan3A_17 = arith.constant 0 : i32
    %scan3A_18 = arith.constant 128 : i32
    %scan3A_19 = arith.addi %scan3A_17, %scan3A_18 : i32
    %scan3A_20 = arith.constant 1 : i32
    scf.for %scan3A_28 = %scan3A_17 to %scan3A_19 step %scan3A_20  : i32 {
      %mul3A_29 = arith.constant 1 : i32
      %mul3A_30 = arith.muli %scan3A_28, %mul3A_29 : i32
      %add3A_31 = arith.constant 0 : i32
      %add3A_32 = arith.addi %add3A_31, %mul3A_30 : i32
      %broadcast_in_dim3A = arith.constant 1.000000e+00 : f32
      %broadcast_in_dim3A_33 = vector.broadcast %broadcast_in_dim3A : f32 to vector<16xf32>
      %swap3A = arith.index_cast %add3A_32 : i32 to index
      %swap3A_34 = arith.constant 0 : index
      %swap3A_35 = tpu.vector_load %arg6[%swap3A, %swap3A_34] {strides = array<i32>} : memref<128x128xf32, #tpu.memory_space<vmem>>, vector<1x16xf32>,
      %swap3A_36 = vector.shape_cast %swap3A_35 : vector<1x16xf32> to vector<16xf32>
      %swap3A_37 = vector.shape_cast %broadcast_in_dim3A_33 : vector<16xf32> to vector<1x16xf32>
      tpu.vector_store %arg6[%swap3A, %swap3A_34], %swap3A_37 {strides = array<i32>} : memref<128x128xf32, #tpu.memory_space<vmem>>, vector<1x16xf32>,
      %broadcast_in_dim3A_38 = arith.constant 1.000000e+00 : f32
      %broadcast_in_dim3A_39 = vector.broadcast %broadcast_in_dim3A_38 : f32 to vector<16xf32>
      %swap3A_40 = arith.index_cast %add3A_32 : i32 to index
      %swap3A_41 = arith.constant 16 : index
      %swap3A_42 = tpu.vector_load %arg6[%swap3A_40, %swap3A_41] {strides = array<i32>} : memref<128x128xf32, #tpu.memory_space<vmem>>, vector<1x16xf32>,
      %swap3A_43 = vector.shape_cast %swap3A_42 : vector<1x16xf32> to vector<16xf32>
      %swap3A_44 = vector.shape_cast %broadcast_in_dim3A_39 : vector<16xf32> to vector<1x16xf32>
      tpu.vector_store %arg6[%swap3A_40, %swap3A_41], %swap3A_44 {strides = array<i32>} : memref<128x128xf32, #tpu.memory_space<vmem>>, vector<1x16xf32>,
      %broadcast_in_dim3A_45 = arith.constant 1.000000e+00 : f32
      %broadcast_in_dim3A_46 = vector.broadcast %broadcast_in_dim3A_45 : f32 to vector<16xf32>
      %swap3A_47 = arith.index_cast %add3A_32 : i32 to index
      %swap3A_48 = arith.constant 32 : index
      %swap3A_49 = tpu.vector_load %arg6[%swap3A_47, %swap3A_48] {strides = array<i32>} : memref<128x128xf32, #tpu.memory_space<vmem>>, vector<1x16xf32>,
      %swap3A_50 = vector.shape_cast %swap3A_49 : vector<1x16xf32> to vector<16xf32>
      %swap3A_51 = vector.shape_cast %broadcast_in_dim3A_46 : vector<16xf32> to vector<1x16xf32>
      tpu.vector_store %arg6[%swap3A_47, %swap3A_48], %swap3A_51 {strides = array<i32>} : memref<128x128xf32, #tpu.memory_space<vmem>>, vector<1x16xf32>,
      %broadcast_in_dim3A_52 = arith.constant 1.000000e+00 : f32
      %broadcast_in_dim3A_53 = vector.broadcast %broadcast_in_dim3A_52 : f32 to vector<16xf32>
      %swap3A_54 = arith.index_cast %add3A_32 : i32 to index
      %swap3A_55 = arith.constant 48 : index
      %swap3A_56 = tpu.vector_load %arg6[%swap3A_54, %swap3A_55] {strides = array<i32>} : memref<128x128xf32, #tpu.memory_space<vmem>>, vector<1x16xf32>,
      %swap3A_57 = vector.shape_cast %swap3A_56 : vector<1x16xf32> to vector<16xf32>
      %swap3A_58 = vector.shape_cast %broadcast_in_dim3A_53 : vector<16xf32> to vector<1x16xf32>
      tpu.vector_store %arg6[%swap3A_54, %swap3A_55], %swap3A_58 {strides = array<i32>} : memref<128x128xf32, #tpu.memory_space<vmem>>, vector<1x16xf32>,
      %broadcast_in_dim3A_59 = arith.constant 1.000000e+00 : f32
      %broadcast_in_dim3A_60 = vector.broadcast %broadcast_in_dim3A_59 : f32 to vector<16xf32>
      %swap3A_61 = arith.index_cast %add3A_32 : i32 to index
      %swap3A_62 = arith.constant 64 : index
      %swap3A_63 = tpu.vector_load %arg6[%swap3A_61, %swap3A_62] {strides = array<i32>} : memref<128x128xf32, #tpu.memory_space<vmem>>, vector<1x16xf32>,
      %swap3A_64 = vector.shape_cast %swap3A_63 : vector<1x16xf32> to vector<16xf32>
      %swap3A_65 = vector.shape_cast %broadcast_in_dim3A_60 : vector<16xf32> to vector<1x16xf32>
      tpu.vector_store %arg6[%swap3A_61, %swap3A_62], %swap3A_65 {strides = array<i32>} : memref<128x128xf32, #tpu.memory_space<vmem>>, vector<1x16xf32>,
      %broadcast_in_dim3A_66 = arith.constant 1.000000e+00 : f32
      %broadcast_in_dim3A_67 = vector.broadcast %broadcast_in_dim3A_66 : f32 to vector<16xf32>
      %swap3A_68 = arith.index_cast %add3A_32 : i32 to index
      %swap3A_69 = arith.constant 80 : index
      %swap3A_70 = tpu.vector_load %arg6[%swap3A_68, %swap3A_69] {strides = array<i32>} : memref<128x128xf32, #tpu.memory_space<vmem>>, vector<1x16xf32>,
      %swap3A_71 = vector.shape_cast %swap3A_70 : vector<1x16xf32> to vector<16xf32>
      %swap3A_72 = vector.shape_cast %broadcast_in_dim3A_67 : vector<16xf32> to vector<1x16xf32>
      tpu.vector_store %arg6[%swap3A_68, %swap3A_69], %swap3A_72 {strides = array<i32>} : memref<128x128xf32, #tpu.memory_space<vmem>>, vector<1x16xf32>,
      %broadcast_in_dim3A_73 = arith.constant 1.000000e+00 : f32
      %broadcast_in_dim3A_74 = vector.broadcast %broadcast_in_dim3A_73 : f32 to vector<16xf32>
      %swap3A_75 = arith.index_cast %add3A_32 : i32 to index
      %swap3A_76 = arith.constant 96 : index
      %swap3A_77 = tpu.vector_load %arg6[%swap3A_75, %swap3A_76] {strides = array<i32>} : memref<128x128xf32, #tpu.memory_space<vmem>>, vector<1x16xf32>,
      %swap3A_78 = vector.shape_cast %swap3A_77 : vector<1x16xf32> to vector<16xf32>
      %swap3A_79 = vector.shape_cast %broadcast_in_dim3A_74 : vector<16xf32> to vector<1x16xf32>
      tpu.vector_store %arg6[%swap3A_75, %swap3A_76], %swap3A_79 {strides = array<i32>} : memref<128x128xf32, #tpu.memory_space<vmem>>, vector<1x16xf32>,
      %broadcast_in_dim3A_80 = arith.constant 1.000000e+00 : f32
      %broadcast_in_dim3A_81 = vector.broadcast %broadcast_in_dim3A_80 : f32 to vector<16xf32>
      %swap3A_82 = arith.index_cast %add3A_32 : i32 to index
      %swap3A_83 = arith.constant 112 : index
      %swap3A_84 = tpu.vector_load %arg6[%swap3A_82, %swap3A_83] {strides = array<i32>} : memref<128x128xf32, #tpu.memory_space<vmem>>, vector<1x16xf32>,
      %swap3A_85 = vector.shape_cast %swap3A_84 : vector<1x16xf32> to vector<16xf32>
      %swap3A_86 = vector.shape_cast %broadcast_in_dim3A_81 : vector<16xf32> to vector<1x16xf32>
      tpu.vector_store %arg6[%swap3A_82, %swap3A_83], %swap3A_86 {strides = array<i32>} : memref<128x128xf32, #tpu.memory_space<vmem>>, vector<1x16xf32>,
    }
    %scan3A_21 = arith.constant 128 : i32
    %barrier3A = arith.constant 0 : index
    tpu.barrier barrier_id(%barrier3A)
    %scan3A_22 = arith.constant 0 : i32
    %scan3A_23 = arith.constant 79 : i32
    %scan3A_24 = arith.addi %scan3A_22, %scan3A_23 : i32
    %scan3A_25 = arith.constant 1 : i32
    scf.for %scan3A_28 = %scan3A_22 to %scan3A_24 step %scan3A_25  : i32 {
      %mul3A_29 = arith.constant 1 : i32
      %mul3A_30 = arith.muli %scan3A_28, %mul3A_29 : i32
      %add3A_31 = arith.constant 0 : i32
      %add3A_32 = arith.addi %add3A_31, %mul3A_30 : i32
      "tpu.region"() ({
        %run_scoped3A = tpu.sem_alloc : memref<!tpu.dma_semaphore, #tpu.memory_space<semaphore_mem>>
        %dma_start3A = arith.constant 0 : i32
        %dma_start3A_33 = tpu.memref_slice %arg2[%add3A, %add3A_32, %dma_start3A] : memref<32x79x128xi32, #tpu.memory_space<hbm>> -> memref<1x1x128xi32, #tpu.memory_space<hbm>>
        %dma_start3A_34 = tpu.memref_squeeze %dma_start3A_33 : memref<1x1x128xi32, #tpu.memory_space<hbm>> -> memref<128xi32, #tpu.memory_space<hbm>>
        %dma_start3A_35 = arith.constant 0 : i32
        %dma_start3A_36 = tpu.memref_slice %arg2[%add3A, %add3A_32, %dma_start3A_35] : memref<32x79x128xi32, #tpu.memory_space<hbm>> -> memref<1x1x128xi32, #tpu.memory_space<hbm>>
        %dma_start3A_37 = tpu.memref_squeeze %dma_start3A_36 : memref<1x1x128xi32, #tpu.memory_space<hbm>> -> memref<128xi32, #tpu.memory_space<hbm>>
        tpu.enqueue_dma source(%dma_start3A_37 : memref<128xi32, #tpu.memory_space<hbm>>) target(%arg5 : memref<128xi32, #tpu.memory_space<vmem>>) target_semaphore(%run_scoped3A : memref<!tpu.dma_semaphore, #tpu.memory_space<semaphore_mem>>)
        %dma_wait3A = arith.constant 0 : i32
        %dma_wait3A_38 = tpu.memref_slice %arg2[%add3A, %add3A_32, %dma_wait3A] : memref<32x79x128xi32, #tpu.memory_space<hbm>> -> memref<1x1x128xi32, #tpu.memory_space<hbm>>
        %dma_wait3A_39 = tpu.memref_squeeze %dma_wait3A_38 : memref<1x1x128xi32, #tpu.memory_space<hbm>> -> memref<128xi32, #tpu.memory_space<hbm>>
        %dma_wait3A_40 = arith.constant 0 : i32
        %dma_wait3A_41 = tpu.memref_slice %arg2[%add3A, %add3A_32, %dma_wait3A_40] : memref<32x79x128xi32, #tpu.memory_space<hbm>> -> memref<1x1x128xi32, #tpu.memory_space<hbm>>
        %dma_wait3A_42 = tpu.memref_squeeze %dma_wait3A_41 : memref<1x1x128xi32, #tpu.memory_space<hbm>> -> memref<128xi32, #tpu.memory_space<hbm>>
        tpu.wait_dma2 semaphore(%run_scoped3A : memref<!tpu.dma_semaphore, #tpu.memory_space<semaphore_mem>>) src(%dma_wait3A_42 : memref<128xi32, #tpu.memory_space<hbm>>) dst(%arg5 : memref<128xi32, #tpu.memory_space<vmem>>)
        tpu.yield
      }) : () -> ()
      "tpu.region"() ({
        %run_scoped3A = tpu.sem_alloc : memref<!tpu.dma_semaphore, #tpu.memory_space<semaphore_mem>>
        %dma_start3A = arith.constant 0 : i32
        %dma_start3A_33 = arith.constant 0 : i32
        %dma_start3A_34 = tpu.memref_slice %arg4[%dma_start3A, %dma_start3A_33] : memref<10240x128xf32, #tpu.memory_space<vmem_shared>> -> memref<10240x128xf32, #tpu.memory_space<vmem_shared>>
        tpu.enqueue_indirect_dma source(%arg6 : memref<128x128xf32, #tpu.memory_space<vmem>>) target(%dma_start3A_34 : memref<10240x128xf32, #tpu.memory_space<vmem_shared>>) offsets(%arg5 : memref<128xi32, #tpu.memory_space<vmem>>) semaphore(%run_scoped3A : memref<!tpu.dma_semaphore, #tpu.memory_space<semaphore_mem>>) {add = true}
        %dma_wait3A = arith.constant 0 : i32
        %dma_wait3A_35 = arith.constant 0 : i32
        %dma_wait3A_36 = tpu.memref_slice %arg4[%dma_wait3A, %dma_wait3A_35] : memref<10240x128xf32, #tpu.memory_space<vmem_shared>> -> memref<10240x128xf32, #tpu.memory_space<vmem_shared>>
        tpu.wait_indirect_dma semaphore(%run_scoped3A : memref<!tpu.dma_semaphore, #tpu.memory_space<semaphore_mem>>) src(%arg6 : memref<128x128xf32, #tpu.memory_space<vmem>>) dst(%dma_wait3A_36 : memref<10240x128xf32, #tpu.memory_space<vmem_shared>>)
        tpu.yield
      }) : () -> ()
    }
    %scan3A_26 = arith.constant 79 : i32
    %barrier3A_27 = arith.constant 0 : index
    tpu.barrier barrier_id(%barrier3A_27)
    "tpu.region"() ({
      %run_scoped3A = tpu.sem_alloc : memref<!tpu.dma_semaphore, #tpu.memory_space<semaphore_mem>>
      %dma_start3A = arith.constant 0 : i32
      %dma_start3A_28 = tpu.memref_slice %arg3[%arg0, %mul3A_6, %dma_start3A] : memref<2x10240x128xf32, #tpu.memory_space<hbm>> -> memref<1x640x128xf32, #tpu.memory_space<hbm>>
      %dma_start3A_29 = tpu.memref_squeeze %dma_start3A_28 : memref<1x640x128xf32, #tpu.memory_space<hbm>> -> memref<640x128xf32, #tpu.memory_space<hbm>>
      %dma_start3A_30 = arith.constant 0 : i32
      %dma_start3A_31 = tpu.memref_slice %arg4[%mul3A_6, %dma_start3A_30] : memref<10240x128xf32, #tpu.memory_space<vmem_shared>> -> memref<640x128xf32, #tpu.memory_space<vmem_shared>>
      tpu.enqueue_dma source(%dma_start3A_31 : memref<640x128xf32, #tpu.memory_space<vmem_shared>>) target(%dma_start3A_29 : memref<640x128xf32, #tpu.memory_space<hbm>>) target_semaphore(%run_scoped3A : memref<!tpu.dma_semaphore, #tpu.memory_space<semaphore_mem>>)
      %dma_wait3A = arith.constant 0 : i32
      %dma_wait3A_32 = tpu.memref_slice %arg3[%arg0, %mul3A_6, %dma_wait3A] : memref<2x10240x128xf32, #tpu.memory_space<hbm>> -> memref<1x640x128xf32, #tpu.memory_space<hbm>>
      %dma_wait3A_33 = tpu.memref_squeeze %dma_wait3A_32 : memref<1x640x128xf32, #tpu.memory_space<hbm>> -> memref<640x128xf32, #tpu.memory_space<hbm>>
      %dma_wait3A_34 = arith.constant 0 : i32
      %dma_wait3A_35 = tpu.memref_slice %arg4[%mul3A_6, %dma_wait3A_34] : memref<10240x128xf32, #tpu.memory_space<vmem_shared>> -> memref<640x128xf32, #tpu.memory_space<vmem_shared>>
      tpu.wait_dma2 semaphore(%run_scoped3A : memref<!tpu.dma_semaphore, #tpu.memory_space<semaphore_mem>>) src(%dma_wait3A_35 : memref<640x128xf32, #tpu.memory_space<vmem_shared>>) dst(%dma_wait3A_33 : memref<640x128xf32, #tpu.memory_space<hbm>>)
      tpu.yield
    }) : () -> ()
    return
  }
}

#map = affine_map<(d0, d1) -> (0, 0)>
#map1 = affine_map<(d0, d1) -> (0, 0, 0)>
module attributes {stable_mosaic.version = 14 : i64} {
  func.func @body(%arg0: i32, %arg1: i32, %arg2: memref<10000x128xf32, #tpu.memory_space<hbm>>, %arg3: memref<32x79x128xi32, #tpu.memory_space<hbm>>, %arg4: memref<32x79x128xi32, #tpu.memory_space<hbm>>, %arg5: memref<2x10240x128xf32, #tpu.memory_space<hbm>>, %arg6: memref<10240x128xf32, #tpu.memory_space<vmem_shared>>, %arg7: memref<128xi32, #tpu.memory_space<vmem>>, %arg8: memref<128xi32, #tpu.memory_space<vmem>>, %arg9: memref<128x128xf32, #tpu.memory_space<vmem>>, %arg10: memref<!tpu.dma_semaphore, #tpu.memory_space<semaphore_mem>>) attributes {dimension_semantics = [#tpu.dimension_semantics<core_parallel>, #tpu.dimension_semantics<subcore_parallel>], iteration_bounds = array<i64: 2, 16>, scalar_prefetch = 0 : i64, scratch_operands = 5 : i64, tpu.core_type = #tpu.core_type<sc_vector_subcore>, window_params = [{transform_indices = #map}, {transform_indices = #map1}, {transform_indices = #map1}, {transform_indices = #map1}]} {
    %mul3A = arith.constant 16 : i32
    %mul3A_0 = arith.muli %arg0, %mul3A : i32
    %add3A = arith.addi %mul3A_0, %arg1 : i32
    %scan3A = arith.constant 0 : i32
    %scan3A_1 = arith.constant 128 : i32
    %scan3A_2 = arith.addi %scan3A, %scan3A_1 : i32
    %scan3A_3 = arith.constant 1 : i32
    scf.for %scan3A_23 = %scan3A to %scan3A_2 step %scan3A_3  : i32 {
      %mul3A_24 = arith.constant 1 : i32
      %mul3A_25 = arith.muli %scan3A_23, %mul3A_24 : i32
      %add3A_26 = arith.constant 0 : i32
      %add3A_27 = arith.addi %add3A_26, %mul3A_25 : i32
      %broadcast_in_dim3A = arith.constant 0.000000e+00 : f32
      %broadcast_in_dim3A_28 = vector.broadcast %broadcast_in_dim3A : f32 to vector<16xf32>
      %swap3A = arith.index_cast %add3A_27 : i32 to index
      %swap3A_29 = arith.constant 0 : index
      %swap3A_30 = tpu.vector_load %arg9[%swap3A, %swap3A_29] {strides = array<i32>} : memref<128x128xf32, #tpu.memory_space<vmem>>, vector<1x16xf32>,
      %swap3A_31 = vector.shape_cast %swap3A_30 : vector<1x16xf32> to vector<16xf32>
      %swap3A_32 = vector.shape_cast %broadcast_in_dim3A_28 : vector<16xf32> to vector<1x16xf32>
      tpu.vector_store %arg9[%swap3A, %swap3A_29], %swap3A_32 {strides = array<i32>} : memref<128x128xf32, #tpu.memory_space<vmem>>, vector<1x16xf32>,
      %broadcast_in_dim3A_33 = arith.constant 0.000000e+00 : f32
      %broadcast_in_dim3A_34 = vector.broadcast %broadcast_in_dim3A_33 : f32 to vector<16xf32>
      %swap3A_35 = arith.index_cast %add3A_27 : i32 to index
      %swap3A_36 = arith.constant 16 : index
      %swap3A_37 = tpu.vector_load %arg9[%swap3A_35, %swap3A_36] {strides = array<i32>} : memref<128x128xf32, #tpu.memory_space<vmem>>, vector<1x16xf32>,
      %swap3A_38 = vector.shape_cast %swap3A_37 : vector<1x16xf32> to vector<16xf32>
      %swap3A_39 = vector.shape_cast %broadcast_in_dim3A_34 : vector<16xf32> to vector<1x16xf32>
      tpu.vector_store %arg9[%swap3A_35, %swap3A_36], %swap3A_39 {strides = array<i32>} : memref<128x128xf32, #tpu.memory_space<vmem>>, vector<1x16xf32>,
      %broadcast_in_dim3A_40 = arith.constant 0.000000e+00 : f32
      %broadcast_in_dim3A_41 = vector.broadcast %broadcast_in_dim3A_40 : f32 to vector<16xf32>
      %swap3A_42 = arith.index_cast %add3A_27 : i32 to index
      %swap3A_43 = arith.constant 32 : index
      %swap3A_44 = tpu.vector_load %arg9[%swap3A_42, %swap3A_43] {strides = array<i32>} : memref<128x128xf32, #tpu.memory_space<vmem>>, vector<1x16xf32>,
      %swap3A_45 = vector.shape_cast %swap3A_44 : vector<1x16xf32> to vector<16xf32>
      %swap3A_46 = vector.shape_cast %broadcast_in_dim3A_41 : vector<16xf32> to vector<1x16xf32>
      tpu.vector_store %arg9[%swap3A_42, %swap3A_43], %swap3A_46 {strides = array<i32>} : memref<128x128xf32, #tpu.memory_space<vmem>>, vector<1x16xf32>,
      %broadcast_in_dim3A_47 = arith.constant 0.000000e+00 : f32
      %broadcast_in_dim3A_48 = vector.broadcast %broadcast_in_dim3A_47 : f32 to vector<16xf32>
      %swap3A_49 = arith.index_cast %add3A_27 : i32 to index
      %swap3A_50 = arith.constant 48 : index
      %swap3A_51 = tpu.vector_load %arg9[%swap3A_49, %swap3A_50] {strides = array<i32>} : memref<128x128xf32, #tpu.memory_space<vmem>>, vector<1x16xf32>,
      %swap3A_52 = vector.shape_cast %swap3A_51 : vector<1x16xf32> to vector<16xf32>
      %swap3A_53 = vector.shape_cast %broadcast_in_dim3A_48 : vector<16xf32> to vector<1x16xf32>
      tpu.vector_store %arg9[%swap3A_49, %swap3A_50], %swap3A_53 {strides = array<i32>} : memref<128x128xf32, #tpu.memory_space<vmem>>, vector<1x16xf32>,
      %broadcast_in_dim3A_54 = arith.constant 0.000000e+00 : f32
      %broadcast_in_dim3A_55 = vector.broadcast %broadcast_in_dim3A_54 : f32 to vector<16xf32>
      %swap3A_56 = arith.index_cast %add3A_27 : i32 to index
      %swap3A_57 = arith.constant 64 : index
      %swap3A_58 = tpu.vector_load %arg9[%swap3A_56, %swap3A_57] {strides = array<i32>} : memref<128x128xf32, #tpu.memory_space<vmem>>, vector<1x16xf32>,
      %swap3A_59 = vector.shape_cast %swap3A_58 : vector<1x16xf32> to vector<16xf32>
      %swap3A_60 = vector.shape_cast %broadcast_in_dim3A_55 : vector<16xf32> to vector<1x16xf32>
      tpu.vector_store %arg9[%swap3A_56, %swap3A_57], %swap3A_60 {strides = array<i32>} : memref<128x128xf32, #tpu.memory_space<vmem>>, vector<1x16xf32>,
      %broadcast_in_dim3A_61 = arith.constant 0.000000e+00 : f32
      %broadcast_in_dim3A_62 = vector.broadcast %broadcast_in_dim3A_61 : f32 to vector<16xf32>
      %swap3A_63 = arith.index_cast %add3A_27 : i32 to index
      %swap3A_64 = arith.constant 80 : index
      %swap3A_65 = tpu.vector_load %arg9[%swap3A_63, %swap3A_64] {strides = array<i32>} : memref<128x128xf32, #tpu.memory_space<vmem>>, vector<1x16xf32>,
      %swap3A_66 = vector.shape_cast %swap3A_65 : vector<1x16xf32> to vector<16xf32>
      %swap3A_67 = vector.shape_cast %broadcast_in_dim3A_62 : vector<16xf32> to vector<1x16xf32>
      tpu.vector_store %arg9[%swap3A_63, %swap3A_64], %swap3A_67 {strides = array<i32>} : memref<128x128xf32, #tpu.memory_space<vmem>>, vector<1x16xf32>,
      %broadcast_in_dim3A_68 = arith.constant 0.000000e+00 : f32
      %broadcast_in_dim3A_69 = vector.broadcast %broadcast_in_dim3A_68 : f32 to vector<16xf32>
      %swap3A_70 = arith.index_cast %add3A_27 : i32 to index
      %swap3A_71 = arith.constant 96 : index
      %swap3A_72 = tpu.vector_load %arg9[%swap3A_70, %swap3A_71] {strides = array<i32>} : memref<128x128xf32, #tpu.memory_space<vmem>>, vector<1x16xf32>,
      %swap3A_73 = vector.shape_cast %swap3A_72 : vector<1x16xf32> to vector<16xf32>
      %swap3A_74 = vector.shape_cast %broadcast_in_dim3A_69 : vector<16xf32> to vector<1x16xf32>
      tpu.vector_store %arg9[%swap3A_70, %swap3A_71], %swap3A_74 {strides = array<i32>} : memref<128x128xf32, #tpu.memory_space<vmem>>, vector<1x16xf32>,
      %broadcast_in_dim3A_75 = arith.constant 0.000000e+00 : f32
      %broadcast_in_dim3A_76 = vector.broadcast %broadcast_in_dim3A_75 : f32 to vector<16xf32>
      %swap3A_77 = arith.index_cast %add3A_27 : i32 to index
      %swap3A_78 = arith.constant 112 : index
      %swap3A_79 = tpu.vector_load %arg9[%swap3A_77, %swap3A_78] {strides = array<i32>} : memref<128x128xf32, #tpu.memory_space<vmem>>, vector<1x16xf32>,
      %swap3A_80 = vector.shape_cast %swap3A_79 : vector<1x16xf32> to vector<16xf32>
      %swap3A_81 = vector.shape_cast %broadcast_in_dim3A_76 : vector<16xf32> to vector<1x16xf32>
      tpu.vector_store %arg9[%swap3A_77, %swap3A_78], %swap3A_81 {strides = array<i32>} : memref<128x128xf32, #tpu.memory_space<vmem>>, vector<1x16xf32>,
    }
    %scan3A_4 = arith.constant 128 : i32
    %mul3A_5 = arith.constant 640 : i32
    %mul3A_6 = arith.muli %arg1, %mul3A_5 : i32
    %add3A_7 = arith.constant 0 : i32
    %add3A_8 = arith.addi %mul3A_6, %add3A_7 : i32
    "tpu.region"() ({
      %run_scoped3A = tpu.sem_alloc : memref<!tpu.dma_semaphore, #tpu.memory_space<semaphore_mem>>
      %dma_start3A = arith.constant 0 : i32
      %dma_start3A_23 = tpu.memref_slice %arg6[%add3A_8, %dma_start3A] : memref<10240x128xf32, #tpu.memory_space<vmem_shared>> -> memref<128x128xf32, #tpu.memory_space<vmem_shared>>
      %dma_start3A_24 = arith.constant 0 : i32
      %dma_start3A_25 = tpu.memref_slice %arg6[%add3A_8, %dma_start3A_24] : memref<10240x128xf32, #tpu.memory_space<vmem_shared>> -> memref<128x128xf32, #tpu.memory_space<vmem_shared>>
      tpu.enqueue_dma source(%arg9 : memref<128x128xf32, #tpu.memory_space<vmem>>) target(%dma_start3A_25 : memref<128x128xf32, #tpu.memory_space<vmem_shared>>) target_semaphore(%run_scoped3A : memref<!tpu.dma_semaphore, #tpu.memory_space<semaphore_mem>>)
      %dma_wait3A = arith.constant 0 : i32
      %dma_wait3A_26 = tpu.memref_slice %arg6[%add3A_8, %dma_wait3A] : memref<10240x128xf32, #tpu.memory_space<vmem_shared>> -> memref<128x128xf32, #tpu.memory_space<vmem_shared>>
      %dma_wait3A_27 = arith.constant 0 : i32
      %dma_wait3A_28 = tpu.memref_slice %arg6[%add3A_8, %dma_wait3A_27] : memref<10240x128xf32, #tpu.memory_space<vmem_shared>> -> memref<128x128xf32, #tpu.memory_space<vmem_shared>>
      tpu.wait_dma2 semaphore(%run_scoped3A : memref<!tpu.dma_semaphore, #tpu.memory_space<semaphore_mem>>) src(%arg9 : memref<128x128xf32, #tpu.memory_space<vmem>>) dst(%dma_wait3A_28 : memref<128x128xf32, #tpu.memory_space<vmem_shared>>)
      tpu.yield
    }) : () -> ()
    %add3A_9 = arith.constant 128 : i32
    %add3A_10 = arith.addi %mul3A_6, %add3A_9 : i32
    "tpu.region"() ({
      %run_scoped3A = tpu.sem_alloc : memref<!tpu.dma_semaphore, #tpu.memory_space<semaphore_mem>>
      %dma_start3A = arith.constant 0 : i32
      %dma_start3A_23 = tpu.memref_slice %arg6[%add3A_10, %dma_start3A] : memref<10240x128xf32, #tpu.memory_space<vmem_shared>> -> memref<128x128xf32, #tpu.memory_space<vmem_shared>>
      %dma_start3A_24 = arith.constant 0 : i32
      %dma_start3A_25 = tpu.memref_slice %arg6[%add3A_10, %dma_start3A_24] : memref<10240x128xf32, #tpu.memory_space<vmem_shared>> -> memref<128x128xf32, #tpu.memory_space<vmem_shared>>
      tpu.enqueue_dma source(%arg9 : memref<128x128xf32, #tpu.memory_space<vmem>>) target(%dma_start3A_25 : memref<128x128xf32, #tpu.memory_space<vmem_shared>>) target_semaphore(%run_scoped3A : memref<!tpu.dma_semaphore, #tpu.memory_space<semaphore_mem>>)
      %dma_wait3A = arith.constant 0 : i32
      %dma_wait3A_26 = tpu.memref_slice %arg6[%add3A_10, %dma_wait3A] : memref<10240x128xf32, #tpu.memory_space<vmem_shared>> -> memref<128x128xf32, #tpu.memory_space<vmem_shared>>
      %dma_wait3A_27 = arith.constant 0 : i32
      %dma_wait3A_28 = tpu.memref_slice %arg6[%add3A_10, %dma_wait3A_27] : memref<10240x128xf32, #tpu.memory_space<vmem_shared>> -> memref<128x128xf32, #tpu.memory_space<vmem_shared>>
      tpu.wait_dma2 semaphore(%run_scoped3A : memref<!tpu.dma_semaphore, #tpu.memory_space<semaphore_mem>>) src(%arg9 : memref<128x128xf32, #tpu.memory_space<vmem>>) dst(%dma_wait3A_28 : memref<128x128xf32, #tpu.memory_space<vmem_shared>>)
      tpu.yield
    }) : () -> ()
    %add3A_11 = arith.constant 256 : i32
    %add3A_12 = arith.addi %mul3A_6, %add3A_11 : i32
    "tpu.region"() ({
      %run_scoped3A = tpu.sem_alloc : memref<!tpu.dma_semaphore, #tpu.memory_space<semaphore_mem>>
      %dma_start3A = arith.constant 0 : i32
      %dma_start3A_23 = tpu.memref_slice %arg6[%add3A_12, %dma_start3A] : memref<10240x128xf32, #tpu.memory_space<vmem_shared>> -> memref<128x128xf32, #tpu.memory_space<vmem_shared>>
      %dma_start3A_24 = arith.constant 0 : i32
      %dma_start3A_25 = tpu.memref_slice %arg6[%add3A_12, %dma_start3A_24] : memref<10240x128xf32, #tpu.memory_space<vmem_shared>> -> memref<128x128xf32, #tpu.memory_space<vmem_shared>>
      tpu.enqueue_dma source(%arg9 : memref<128x128xf32, #tpu.memory_space<vmem>>) target(%dma_start3A_25 : memref<128x128xf32, #tpu.memory_space<vmem_shared>>) target_semaphore(%run_scoped3A : memref<!tpu.dma_semaphore, #tpu.memory_space<semaphore_mem>>)
      %dma_wait3A = arith.constant 0 : i32
      %dma_wait3A_26 = tpu.memref_slice %arg6[%add3A_12, %dma_wait3A] : memref<10240x128xf32, #tpu.memory_space<vmem_shared>> -> memref<128x128xf32, #tpu.memory_space<vmem_shared>>
      %dma_wait3A_27 = arith.constant 0 : i32
      %dma_wait3A_28 = tpu.memref_slice %arg6[%add3A_12, %dma_wait3A_27] : memref<10240x128xf32, #tpu.memory_space<vmem_shared>> -> memref<128x128xf32, #tpu.memory_space<vmem_shared>>
      tpu.wait_dma2 semaphore(%run_scoped3A : memref<!tpu.dma_semaphore, #tpu.memory_space<semaphore_mem>>) src(%arg9 : memref<128x128xf32, #tpu.memory_space<vmem>>) dst(%dma_wait3A_28 : memref<128x128xf32, #tpu.memory_space<vmem_shared>>)
      tpu.yield
    }) : () -> ()
    %add3A_13 = arith.constant 384 : i32
    %add3A_14 = arith.addi %mul3A_6, %add3A_13 : i32
    "tpu.region"() ({
      %run_scoped3A = tpu.sem_alloc : memref<!tpu.dma_semaphore, #tpu.memory_space<semaphore_mem>>
      %dma_start3A = arith.constant 0 : i32
      %dma_start3A_23 = tpu.memref_slice %arg6[%add3A_14, %dma_start3A] : memref<10240x128xf32, #tpu.memory_space<vmem_shared>> -> memref<128x128xf32, #tpu.memory_space<vmem_shared>>
      %dma_start3A_24 = arith.constant 0 : i32
      %dma_start3A_25 = tpu.memref_slice %arg6[%add3A_14, %dma_start3A_24] : memref<10240x128xf32, #tpu.memory_space<vmem_shared>> -> memref<128x128xf32, #tpu.memory_space<vmem_shared>>
      tpu.enqueue_dma source(%arg9 : memref<128x128xf32, #tpu.memory_space<vmem>>) target(%dma_start3A_25 : memref<128x128xf32, #tpu.memory_space<vmem_shared>>) target_semaphore(%run_scoped3A : memref<!tpu.dma_semaphore, #tpu.memory_space<semaphore_mem>>)
      %dma_wait3A = arith.constant 0 : i32
      %dma_wait3A_26 = tpu.memref_slice %arg6[%add3A_14, %dma_wait3A] : memref<10240x128xf32, #tpu.memory_space<vmem_shared>> -> memref<128x128xf32, #tpu.memory_space<vmem_shared>>
      %dma_wait3A_27 = arith.constant 0 : i32
      %dma_wait3A_28 = tpu.memref_slice %arg6[%add3A_14, %dma_wait3A_27] : memref<10240x128xf32, #tpu.memory_space<vmem_shared>> -> memref<128x128xf32, #tpu.memory_space<vmem_shared>>
      tpu.wait_dma2 semaphore(%run_scoped3A : memref<!tpu.dma_semaphore, #tpu.memory_space<semaphore_mem>>) src(%arg9 : memref<128x128xf32, #tpu.memory_space<vmem>>) dst(%dma_wait3A_28 : memref<128x128xf32, #tpu.memory_space<vmem_shared>>)
      tpu.yield
    }) : () -> ()
    %add3A_15 = arith.constant 512 : i32
    %add3A_16 = arith.addi %mul3A_6, %add3A_15 : i32
    "tpu.region"() ({
      %run_scoped3A = tpu.sem_alloc : memref<!tpu.dma_semaphore, #tpu.memory_space<semaphore_mem>>
      %dma_start3A = arith.constant 0 : i32
      %dma_start3A_23 = tpu.memref_slice %arg6[%add3A_16, %dma_start3A] : memref<10240x128xf32, #tpu.memory_space<vmem_shared>> -> memref<128x128xf32, #tpu.memory_space<vmem_shared>>
      %dma_start3A_24 = arith.constant 0 : i32
      %dma_start3A_25 = tpu.memref_slice %arg6[%add3A_16, %dma_start3A_24] : memref<10240x128xf32, #tpu.memory_space<vmem_shared>> -> memref<128x128xf32, #tpu.memory_space<vmem_shared>>
      tpu.enqueue_dma source(%arg9 : memref<128x128xf32, #tpu.memory_space<vmem>>) target(%dma_start3A_25 : memref<128x128xf32, #tpu.memory_space<vmem_shared>>) target_semaphore(%run_scoped3A : memref<!tpu.dma_semaphore, #tpu.memory_space<semaphore_mem>>)
      %dma_wait3A = arith.constant 0 : i32
      %dma_wait3A_26 = tpu.memref_slice %arg6[%add3A_16, %dma_wait3A] : memref<10240x128xf32, #tpu.memory_space<vmem_shared>> -> memref<128x128xf32, #tpu.memory_space<vmem_shared>>
      %dma_wait3A_27 = arith.constant 0 : i32
      %dma_wait3A_28 = tpu.memref_slice %arg6[%add3A_16, %dma_wait3A_27] : memref<10240x128xf32, #tpu.memory_space<vmem_shared>> -> memref<128x128xf32, #tpu.memory_space<vmem_shared>>
      tpu.wait_dma2 semaphore(%run_scoped3A : memref<!tpu.dma_semaphore, #tpu.memory_space<semaphore_mem>>) src(%arg9 : memref<128x128xf32, #tpu.memory_space<vmem>>) dst(%dma_wait3A_28 : memref<128x128xf32, #tpu.memory_space<vmem_shared>>)
      tpu.yield
    }) : () -> ()
    %barrier3A = arith.constant 0 : index
    tpu.barrier barrier_id(%barrier3A)
    %scan3A_17 = arith.constant 0 : i32
    %scan3A_18 = arith.constant 79 : i32
    %scan3A_19 = arith.addi %scan3A_17, %scan3A_18 : i32
    %scan3A_20 = arith.constant 1 : i32
    scf.for %scan3A_23 = %scan3A_17 to %scan3A_19 step %scan3A_20  : i32 {
      %mul3A_24 = arith.constant 1 : i32
      %mul3A_25 = arith.muli %scan3A_23, %mul3A_24 : i32
      %add3A_26 = arith.constant 0 : i32
      %add3A_27 = arith.addi %add3A_26, %mul3A_25 : i32
      "tpu.region"() ({
        %run_scoped3A = tpu.sem_alloc : memref<!tpu.dma_semaphore, #tpu.memory_space<semaphore_mem>>
        %dma_start3A_32 = arith.constant 0 : i32
        %dma_start3A_33 = tpu.memref_slice %arg3[%add3A, %add3A_27, %dma_start3A_32] : memref<32x79x128xi32, #tpu.memory_space<hbm>> -> memref<1x1x128xi32, #tpu.memory_space<hbm>>
        %dma_start3A_34 = tpu.memref_squeeze %dma_start3A_33 : memref<1x1x128xi32, #tpu.memory_space<hbm>> -> memref<128xi32, #tpu.memory_space<hbm>>
        %dma_start3A_35 = arith.constant 0 : i32
        %dma_start3A_36 = tpu.memref_slice %arg3[%add3A, %add3A_27, %dma_start3A_35] : memref<32x79x128xi32, #tpu.memory_space<hbm>> -> memref<1x1x128xi32, #tpu.memory_space<hbm>>
        %dma_start3A_37 = tpu.memref_squeeze %dma_start3A_36 : memref<1x1x128xi32, #tpu.memory_space<hbm>> -> memref<128xi32, #tpu.memory_space<hbm>>
        tpu.enqueue_dma source(%dma_start3A_37 : memref<128xi32, #tpu.memory_space<hbm>>) target(%arg7 : memref<128xi32, #tpu.memory_space<vmem>>) target_semaphore(%run_scoped3A : memref<!tpu.dma_semaphore, #tpu.memory_space<semaphore_mem>>)
        %dma_wait3A_38 = arith.constant 0 : i32
        %dma_wait3A_39 = tpu.memref_slice %arg3[%add3A, %add3A_27, %dma_wait3A_38] : memref<32x79x128xi32, #tpu.memory_space<hbm>> -> memref<1x1x128xi32, #tpu.memory_space<hbm>>
        %dma_wait3A_40 = tpu.memref_squeeze %dma_wait3A_39 : memref<1x1x128xi32, #tpu.memory_space<hbm>> -> memref<128xi32, #tpu.memory_space<hbm>>
        %dma_wait3A_41 = arith.constant 0 : i32
        %dma_wait3A_42 = tpu.memref_slice %arg3[%add3A, %add3A_27, %dma_wait3A_41] : memref<32x79x128xi32, #tpu.memory_space<hbm>> -> memref<1x1x128xi32, #tpu.memory_space<hbm>>
        %dma_wait3A_43 = tpu.memref_squeeze %dma_wait3A_42 : memref<1x1x128xi32, #tpu.memory_space<hbm>> -> memref<128xi32, #tpu.memory_space<hbm>>
        tpu.wait_dma2 semaphore(%run_scoped3A : memref<!tpu.dma_semaphore, #tpu.memory_space<semaphore_mem>>) src(%dma_wait3A_43 : memref<128xi32, #tpu.memory_space<hbm>>) dst(%arg7 : memref<128xi32, #tpu.memory_space<vmem>>)
        tpu.yield
      }) : () -> ()
      "tpu.region"() ({
        %run_scoped3A = tpu.sem_alloc : memref<!tpu.dma_semaphore, #tpu.memory_space<semaphore_mem>>
        %dma_start3A_32 = arith.constant 0 : i32
        %dma_start3A_33 = tpu.memref_slice %arg4[%add3A, %add3A_27, %dma_start3A_32] : memref<32x79x128xi32, #tpu.memory_space<hbm>> -> memref<1x1x128xi32, #tpu.memory_space<hbm>>
        %dma_start3A_34 = tpu.memref_squeeze %dma_start3A_33 : memref<1x1x128xi32, #tpu.memory_space<hbm>> -> memref<128xi32, #tpu.memory_space<hbm>>
        %dma_start3A_35 = arith.constant 0 : i32
        %dma_start3A_36 = tpu.memref_slice %arg4[%add3A, %add3A_27, %dma_start3A_35] : memref<32x79x128xi32, #tpu.memory_space<hbm>> -> memref<1x1x128xi32, #tpu.memory_space<hbm>>
        %dma_start3A_37 = tpu.memref_squeeze %dma_start3A_36 : memref<1x1x128xi32, #tpu.memory_space<hbm>> -> memref<128xi32, #tpu.memory_space<hbm>>
        tpu.enqueue_dma source(%dma_start3A_37 : memref<128xi32, #tpu.memory_space<hbm>>) target(%arg8 : memref<128xi32, #tpu.memory_space<vmem>>) target_semaphore(%run_scoped3A : memref<!tpu.dma_semaphore, #tpu.memory_space<semaphore_mem>>)
        %dma_wait3A_38 = arith.constant 0 : i32
        %dma_wait3A_39 = tpu.memref_slice %arg4[%add3A, %add3A_27, %dma_wait3A_38] : memref<32x79x128xi32, #tpu.memory_space<hbm>> -> memref<1x1x128xi32, #tpu.memory_space<hbm>>
        %dma_wait3A_40 = tpu.memref_squeeze %dma_wait3A_39 : memref<1x1x128xi32, #tpu.memory_space<hbm>> -> memref<128xi32, #tpu.memory_space<hbm>>
        %dma_wait3A_41 = arith.constant 0 : i32
        %dma_wait3A_42 = tpu.memref_slice %arg4[%add3A, %add3A_27, %dma_wait3A_41] : memref<32x79x128xi32, #tpu.memory_space<hbm>> -> memref<1x1x128xi32, #tpu.memory_space<hbm>>
        %dma_wait3A_43 = tpu.memref_squeeze %dma_wait3A_42 : memref<1x1x128xi32, #tpu.memory_space<hbm>> -> memref<128xi32, #tpu.memory_space<hbm>>
        tpu.wait_dma2 semaphore(%run_scoped3A : memref<!tpu.dma_semaphore, #tpu.memory_space<semaphore_mem>>) src(%dma_wait3A_43 : memref<128xi32, #tpu.memory_space<hbm>>) dst(%arg8 : memref<128xi32, #tpu.memory_space<vmem>>)
        tpu.yield
      }) : () -> ()
      %dma_start3A = arith.constant 0 : i32
      %dma_start3A_28 = arith.constant 0 : i32
      %dma_start3A_29 = tpu.memref_slice %arg2[%dma_start3A, %dma_start3A_28] : memref<10000x128xf32, #tpu.memory_space<hbm>> -> memref<10000x128xf32, #tpu.memory_space<hbm>>
      tpu.enqueue_indirect_dma source(%dma_start3A_29 : memref<10000x128xf32, #tpu.memory_space<hbm>>) target(%arg9 : memref<128x128xf32, #tpu.memory_space<vmem>>) offsets(%arg7 : memref<128xi32, #tpu.memory_space<vmem>>) semaphore(%arg10 : memref<!tpu.dma_semaphore, #tpu.memory_space<semaphore_mem>>)
      %dma_wait3A = arith.constant 0 : i32
      %dma_wait3A_30 = arith.constant 0 : i32
      %dma_wait3A_31 = tpu.memref_slice %arg2[%dma_wait3A, %dma_wait3A_30] : memref<10000x128xf32, #tpu.memory_space<hbm>> -> memref<10000x128xf32, #tpu.memory_space<hbm>>
      tpu.wait_indirect_dma semaphore(%arg10 : memref<!tpu.dma_semaphore, #tpu.memory_space<semaphore_mem>>) src(%dma_wait3A_31 : memref<10000x128xf32, #tpu.memory_space<hbm>>) dst(%arg9 : memref<128x128xf32, #tpu.memory_space<vmem>>)
      "tpu.region"() ({
        %run_scoped3A = tpu.sem_alloc : memref<!tpu.dma_semaphore, #tpu.memory_space<semaphore_mem>>
        %dma_start3A_32 = arith.constant 0 : i32
        %dma_start3A_33 = arith.constant 0 : i32
        %dma_start3A_34 = tpu.memref_slice %arg6[%dma_start3A_32, %dma_start3A_33] : memref<10240x128xf32, #tpu.memory_space<vmem_shared>> -> memref<10240x128xf32, #tpu.memory_space<vmem_shared>>
        tpu.enqueue_indirect_dma source(%arg9 : memref<128x128xf32, #tpu.memory_space<vmem>>) target(%dma_start3A_34 : memref<10240x128xf32, #tpu.memory_space<vmem_shared>>) offsets(%arg8 : memref<128xi32, #tpu.memory_space<vmem>>) semaphore(%run_scoped3A : memref<!tpu.dma_semaphore, #tpu.memory_space<semaphore_mem>>) {add = true}
        %dma_wait3A_35 = arith.constant 0 : i32
        %dma_wait3A_36 = arith.constant 0 : i32
        %dma_wait3A_37 = tpu.memref_slice %arg6[%dma_wait3A_35, %dma_wait3A_36] : memref<10240x128xf32, #tpu.memory_space<vmem_shared>> -> memref<10240x128xf32, #tpu.memory_space<vmem_shared>>
        tpu.wait_indirect_dma semaphore(%run_scoped3A : memref<!tpu.dma_semaphore, #tpu.memory_space<semaphore_mem>>) src(%arg9 : memref<128x128xf32, #tpu.memory_space<vmem>>) dst(%dma_wait3A_37 : memref<10240x128xf32, #tpu.memory_space<vmem_shared>>)
        tpu.yield
      }) : () -> ()
    }
    %scan3A_21 = arith.constant 79 : i32
    %barrier3A_22 = arith.constant 0 : index
    tpu.barrier barrier_id(%barrier3A_22)
    "tpu.region"() ({
      %run_scoped3A = tpu.sem_alloc : memref<!tpu.dma_semaphore, #tpu.memory_space<semaphore_mem>>
      %dma_start3A = arith.constant 0 : i32
      %dma_start3A_23 = tpu.memref_slice %arg5[%arg0, %mul3A_6, %dma_start3A] : memref<2x10240x128xf32, #tpu.memory_space<hbm>> -> memref<1x640x128xf32, #tpu.memory_space<hbm>>
      %dma_start3A_24 = tpu.memref_squeeze %dma_start3A_23 : memref<1x640x128xf32, #tpu.memory_space<hbm>> -> memref<640x128xf32, #tpu.memory_space<hbm>>
      %dma_start3A_25 = arith.constant 0 : i32
      %dma_start3A_26 = tpu.memref_slice %arg6[%mul3A_6, %dma_start3A_25] : memref<10240x128xf32, #tpu.memory_space<vmem_shared>> -> memref<640x128xf32, #tpu.memory_space<vmem_shared>>
      tpu.enqueue_dma source(%dma_start3A_26 : memref<640x128xf32, #tpu.memory_space<vmem_shared>>) target(%dma_start3A_24 : memref<640x128xf32, #tpu.memory_space<hbm>>) target_semaphore(%run_scoped3A : memref<!tpu.dma_semaphore, #tpu.memory_space<semaphore_mem>>)
      %dma_wait3A = arith.constant 0 : i32
      %dma_wait3A_27 = tpu.memref_slice %arg5[%arg0, %mul3A_6, %dma_wait3A] : memref<2x10240x128xf32, #tpu.memory_space<hbm>> -> memref<1x640x128xf32, #tpu.memory_space<hbm>>
      %dma_wait3A_28 = tpu.memref_squeeze %dma_wait3A_27 : memref<1x640x128xf32, #tpu.memory_space<hbm>> -> memref<640x128xf32, #tpu.memory_space<hbm>>
      %dma_wait3A_29 = arith.constant 0 : i32
      %dma_wait3A_30 = tpu.memref_slice %arg6[%mul3A_6, %dma_wait3A_29] : memref<10240x128xf32, #tpu.memory_space<vmem_shared>> -> memref<640x128xf32, #tpu.memory_space<vmem_shared>>
      tpu.wait_dma2 semaphore(%run_scoped3A : memref<!tpu.dma_semaphore, #tpu.memory_space<semaphore_mem>>) src(%dma_wait3A_30 : memref<640x128xf32, #tpu.memory_space<vmem_shared>>) dst(%dma_wait3A_28 : memref<640x128xf32, #tpu.memory_space<hbm>>)
      tpu.yield
    }) : () -> ()
    return
  }
}

#map = affine_map<(d0, d1) -> (0, 0)>
#map1 = affine_map<(d0, d1) -> (0, 0, 0)>
module attributes {stable_mosaic.version = 14 : i64} {
  func.func @body(%arg0: i32, %arg1: i32, %arg2: memref<10000x128xf32, #tpu.memory_space<hbm>>, %arg3: memref<32x79x128xi32, #tpu.memory_space<hbm>>, %arg4: memref<32x79x128xi32, #tpu.memory_space<hbm>>, %arg5: memref<2x10240x128xf32, #tpu.memory_space<hbm>>, %arg6: memref<10240x128xf32, #tpu.memory_space<vmem_shared>>, %arg7: memref<128xi32, #tpu.memory_space<vmem>>, %arg8: memref<128xi32, #tpu.memory_space<vmem>>, %arg9: memref<128x128xf32, #tpu.memory_space<vmem>>, %arg10: memref<!tpu.dma_semaphore, #tpu.memory_space<semaphore_mem>>) attributes {dimension_semantics = [#tpu.dimension_semantics<core_parallel>, #tpu.dimension_semantics<subcore_parallel>], iteration_bounds = array<i64: 2, 16>, scalar_prefetch = 0 : i64, scratch_operands = 5 : i64, tpu.core_type = #tpu.core_type<sc_vector_subcore>, window_params = [{transform_indices = #map}, {transform_indices = #map1}, {transform_indices = #map1}, {transform_indices = #map1}]} {
    %mul3A = arith.constant 16 : i32
    %mul3A_0 = arith.muli %arg0, %mul3A : i32
    %add3A = arith.addi %mul3A_0, %arg1 : i32
    %scan3A = arith.constant 0 : i32
    %scan3A_1 = arith.constant 128 : i32
    %scan3A_2 = arith.addi %scan3A, %scan3A_1 : i32
    %scan3A_3 = arith.constant 1 : i32
    scf.for %scan3A_23 = %scan3A to %scan3A_2 step %scan3A_3  : i32 {
      %mul3A_24 = arith.constant 1 : i32
      %mul3A_25 = arith.muli %scan3A_23, %mul3A_24 : i32
      %add3A_26 = arith.constant 0 : i32
      %add3A_27 = arith.addi %add3A_26, %mul3A_25 : i32
      %broadcast_in_dim3A = arith.constant 0.000000e+00 : f32
      %broadcast_in_dim3A_28 = vector.broadcast %broadcast_in_dim3A : f32 to vector<16xf32>
      %swap3A = arith.index_cast %add3A_27 : i32 to index
      %swap3A_29 = arith.constant 0 : index
      %swap3A_30 = tpu.vector_load %arg9[%swap3A, %swap3A_29] {strides = array<i32>} : memref<128x128xf32, #tpu.memory_space<vmem>>, vector<1x16xf32>,
      %swap3A_31 = vector.shape_cast %swap3A_30 : vector<1x16xf32> to vector<16xf32>
      %swap3A_32 = vector.shape_cast %broadcast_in_dim3A_28 : vector<16xf32> to vector<1x16xf32>
      tpu.vector_store %arg9[%swap3A, %swap3A_29], %swap3A_32 {strides = array<i32>} : memref<128x128xf32, #tpu.memory_space<vmem>>, vector<1x16xf32>,
      %broadcast_in_dim3A_33 = arith.constant 0.000000e+00 : f32
      %broadcast_in_dim3A_34 = vector.broadcast %broadcast_in_dim3A_33 : f32 to vector<16xf32>
      %swap3A_35 = arith.index_cast %add3A_27 : i32 to index
      %swap3A_36 = arith.constant 16 : index
      %swap3A_37 = tpu.vector_load %arg9[%swap3A_35, %swap3A_36] {strides = array<i32>} : memref<128x128xf32, #tpu.memory_space<vmem>>, vector<1x16xf32>,
      %swap3A_38 = vector.shape_cast %swap3A_37 : vector<1x16xf32> to vector<16xf32>
      %swap3A_39 = vector.shape_cast %broadcast_in_dim3A_34 : vector<16xf32> to vector<1x16xf32>
      tpu.vector_store %arg9[%swap3A_35, %swap3A_36], %swap3A_39 {strides = array<i32>} : memref<128x128xf32, #tpu.memory_space<vmem>>, vector<1x16xf32>,
      %broadcast_in_dim3A_40 = arith.constant 0.000000e+00 : f32
      %broadcast_in_dim3A_41 = vector.broadcast %broadcast_in_dim3A_40 : f32 to vector<16xf32>
      %swap3A_42 = arith.index_cast %add3A_27 : i32 to index
      %swap3A_43 = arith.constant 32 : index
      %swap3A_44 = tpu.vector_load %arg9[%swap3A_42, %swap3A_43] {strides = array<i32>} : memref<128x128xf32, #tpu.memory_space<vmem>>, vector<1x16xf32>,
      %swap3A_45 = vector.shape_cast %swap3A_44 : vector<1x16xf32> to vector<16xf32>
      %swap3A_46 = vector.shape_cast %broadcast_in_dim3A_41 : vector<16xf32> to vector<1x16xf32>
      tpu.vector_store %arg9[%swap3A_42, %swap3A_43], %swap3A_46 {strides = array<i32>} : memref<128x128xf32, #tpu.memory_space<vmem>>, vector<1x16xf32>,
      %broadcast_in_dim3A_47 = arith.constant 0.000000e+00 : f32
      %broadcast_in_dim3A_48 = vector.broadcast %broadcast_in_dim3A_47 : f32 to vector<16xf32>
      %swap3A_49 = arith.index_cast %add3A_27 : i32 to index
      %swap3A_50 = arith.constant 48 : index
      %swap3A_51 = tpu.vector_load %arg9[%swap3A_49, %swap3A_50] {strides = array<i32>} : memref<128x128xf32, #tpu.memory_space<vmem>>, vector<1x16xf32>,
      %swap3A_52 = vector.shape_cast %swap3A_51 : vector<1x16xf32> to vector<16xf32>
      %swap3A_53 = vector.shape_cast %broadcast_in_dim3A_48 : vector<16xf32> to vector<1x16xf32>
      tpu.vector_store %arg9[%swap3A_49, %swap3A_50], %swap3A_53 {strides = array<i32>} : memref<128x128xf32, #tpu.memory_space<vmem>>, vector<1x16xf32>,
      %broadcast_in_dim3A_54 = arith.constant 0.000000e+00 : f32
      %broadcast_in_dim3A_55 = vector.broadcast %broadcast_in_dim3A_54 : f32 to vector<16xf32>
      %swap3A_56 = arith.index_cast %add3A_27 : i32 to index
      %swap3A_57 = arith.constant 64 : index
      %swap3A_58 = tpu.vector_load %arg9[%swap3A_56, %swap3A_57] {strides = array<i32>} : memref<128x128xf32, #tpu.memory_space<vmem>>, vector<1x16xf32>,
      %swap3A_59 = vector.shape_cast %swap3A_58 : vector<1x16xf32> to vector<16xf32>
      %swap3A_60 = vector.shape_cast %broadcast_in_dim3A_55 : vector<16xf32> to vector<1x16xf32>
      tpu.vector_store %arg9[%swap3A_56, %swap3A_57], %swap3A_60 {strides = array<i32>} : memref<128x128xf32, #tpu.memory_space<vmem>>, vector<1x16xf32>,
      %broadcast_in_dim3A_61 = arith.constant 0.000000e+00 : f32
      %broadcast_in_dim3A_62 = vector.broadcast %broadcast_in_dim3A_61 : f32 to vector<16xf32>
      %swap3A_63 = arith.index_cast %add3A_27 : i32 to index
      %swap3A_64 = arith.constant 80 : index
      %swap3A_65 = tpu.vector_load %arg9[%swap3A_63, %swap3A_64] {strides = array<i32>} : memref<128x128xf32, #tpu.memory_space<vmem>>, vector<1x16xf32>,
      %swap3A_66 = vector.shape_cast %swap3A_65 : vector<1x16xf32> to vector<16xf32>
      %swap3A_67 = vector.shape_cast %broadcast_in_dim3A_62 : vector<16xf32> to vector<1x16xf32>
      tpu.vector_store %arg9[%swap3A_63, %swap3A_64], %swap3A_67 {strides = array<i32>} : memref<128x128xf32, #tpu.memory_space<vmem>>, vector<1x16xf32>,
      %broadcast_in_dim3A_68 = arith.constant 0.000000e+00 : f32
      %broadcast_in_dim3A_69 = vector.broadcast %broadcast_in_dim3A_68 : f32 to vector<16xf32>
      %swap3A_70 = arith.index_cast %add3A_27 : i32 to index
      %swap3A_71 = arith.constant 96 : index
      %swap3A_72 = tpu.vector_load %arg9[%swap3A_70, %swap3A_71] {strides = array<i32>} : memref<128x128xf32, #tpu.memory_space<vmem>>, vector<1x16xf32>,
      %swap3A_73 = vector.shape_cast %swap3A_72 : vector<1x16xf32> to vector<16xf32>
      %swap3A_74 = vector.shape_cast %broadcast_in_dim3A_69 : vector<16xf32> to vector<1x16xf32>
      tpu.vector_store %arg9[%swap3A_70, %swap3A_71], %swap3A_74 {strides = array<i32>} : memref<128x128xf32, #tpu.memory_space<vmem>>, vector<1x16xf32>,
      %broadcast_in_dim3A_75 = arith.constant 0.000000e+00 : f32
      %broadcast_in_dim3A_76 = vector.broadcast %broadcast_in_dim3A_75 : f32 to vector<16xf32>
      %swap3A_77 = arith.index_cast %add3A_27 : i32 to index
      %swap3A_78 = arith.constant 112 : index
      %swap3A_79 = tpu.vector_load %arg9[%swap3A_77, %swap3A_78] {strides = array<i32>} : memref<128x128xf32, #tpu.memory_space<vmem>>, vector<1x16xf32>,
      %swap3A_80 = vector.shape_cast %swap3A_79 : vector<1x16xf32> to vector<16xf32>
      %swap3A_81 = vector.shape_cast %broadcast_in_dim3A_76 : vector<16xf32> to vector<1x16xf32>
      tpu.vector_store %arg9[%swap3A_77, %swap3A_78], %swap3A_81 {strides = array<i32>} : memref<128x128xf32, #tpu.memory_space<vmem>>, vector<1x16xf32>,
    }
    %scan3A_4 = arith.constant 128 : i32
    %mul3A_5 = arith.constant 640 : i32
    %mul3A_6 = arith.muli %arg1, %mul3A_5 : i32
    %add3A_7 = arith.constant 0 : i32
    %add3A_8 = arith.addi %mul3A_6, %add3A_7 : i32
    "tpu.region"() ({
      %run_scoped3A = tpu.sem_alloc : memref<!tpu.dma_semaphore, #tpu.memory_space<semaphore_mem>>
      %dma_start3A = arith.constant 0 : i32
      %dma_start3A_23 = tpu.memref_slice %arg6[%add3A_8, %dma_start3A] : memref<10240x128xf32, #tpu.memory_space<vmem_shared>> -> memref<128x128xf32, #tpu.memory_space<vmem_shared>>
      %dma_start3A_24 = arith.constant 0 : i32
      %dma_start3A_25 = tpu.memref_slice %arg6[%add3A_8, %dma_start3A_24] : memref<10240x128xf32, #tpu.memory_space<vmem_shared>> -> memref<128x128xf32, #tpu.memory_space<vmem_shared>>
      tpu.enqueue_dma source(%arg9 : memref<128x128xf32, #tpu.memory_space<vmem>>) target(%dma_start3A_25 : memref<128x128xf32, #tpu.memory_space<vmem_shared>>) target_semaphore(%run_scoped3A : memref<!tpu.dma_semaphore, #tpu.memory_space<semaphore_mem>>)
      %dma_wait3A = arith.constant 0 : i32
      %dma_wait3A_26 = tpu.memref_slice %arg6[%add3A_8, %dma_wait3A] : memref<10240x128xf32, #tpu.memory_space<vmem_shared>> -> memref<128x128xf32, #tpu.memory_space<vmem_shared>>
      %dma_wait3A_27 = arith.constant 0 : i32
      %dma_wait3A_28 = tpu.memref_slice %arg6[%add3A_8, %dma_wait3A_27] : memref<10240x128xf32, #tpu.memory_space<vmem_shared>> -> memref<128x128xf32, #tpu.memory_space<vmem_shared>>
      tpu.wait_dma2 semaphore(%run_scoped3A : memref<!tpu.dma_semaphore, #tpu.memory_space<semaphore_mem>>) src(%arg9 : memref<128x128xf32, #tpu.memory_space<vmem>>) dst(%dma_wait3A_28 : memref<128x128xf32, #tpu.memory_space<vmem_shared>>)
      tpu.yield
    }) : () -> ()
    %add3A_9 = arith.constant 128 : i32
    %add3A_10 = arith.addi %mul3A_6, %add3A_9 : i32
    "tpu.region"() ({
      %run_scoped3A = tpu.sem_alloc : memref<!tpu.dma_semaphore, #tpu.memory_space<semaphore_mem>>
      %dma_start3A = arith.constant 0 : i32
      %dma_start3A_23 = tpu.memref_slice %arg6[%add3A_10, %dma_start3A] : memref<10240x128xf32, #tpu.memory_space<vmem_shared>> -> memref<128x128xf32, #tpu.memory_space<vmem_shared>>
      %dma_start3A_24 = arith.constant 0 : i32
      %dma_start3A_25 = tpu.memref_slice %arg6[%add3A_10, %dma_start3A_24] : memref<10240x128xf32, #tpu.memory_space<vmem_shared>> -> memref<128x128xf32, #tpu.memory_space<vmem_shared>>
      tpu.enqueue_dma source(%arg9 : memref<128x128xf32, #tpu.memory_space<vmem>>) target(%dma_start3A_25 : memref<128x128xf32, #tpu.memory_space<vmem_shared>>) target_semaphore(%run_scoped3A : memref<!tpu.dma_semaphore, #tpu.memory_space<semaphore_mem>>)
      %dma_wait3A = arith.constant 0 : i32
      %dma_wait3A_26 = tpu.memref_slice %arg6[%add3A_10, %dma_wait3A] : memref<10240x128xf32, #tpu.memory_space<vmem_shared>> -> memref<128x128xf32, #tpu.memory_space<vmem_shared>>
      %dma_wait3A_27 = arith.constant 0 : i32
      %dma_wait3A_28 = tpu.memref_slice %arg6[%add3A_10, %dma_wait3A_27] : memref<10240x128xf32, #tpu.memory_space<vmem_shared>> -> memref<128x128xf32, #tpu.memory_space<vmem_shared>>
      tpu.wait_dma2 semaphore(%run_scoped3A : memref<!tpu.dma_semaphore, #tpu.memory_space<semaphore_mem>>) src(%arg9 : memref<128x128xf32, #tpu.memory_space<vmem>>) dst(%dma_wait3A_28 : memref<128x128xf32, #tpu.memory_space<vmem_shared>>)
      tpu.yield
    }) : () -> ()
    %add3A_11 = arith.constant 256 : i32
    %add3A_12 = arith.addi %mul3A_6, %add3A_11 : i32
    "tpu.region"() ({
      %run_scoped3A = tpu.sem_alloc : memref<!tpu.dma_semaphore, #tpu.memory_space<semaphore_mem>>
      %dma_start3A = arith.constant 0 : i32
      %dma_start3A_23 = tpu.memref_slice %arg6[%add3A_12, %dma_start3A] : memref<10240x128xf32, #tpu.memory_space<vmem_shared>> -> memref<128x128xf32, #tpu.memory_space<vmem_shared>>
      %dma_start3A_24 = arith.constant 0 : i32
      %dma_start3A_25 = tpu.memref_slice %arg6[%add3A_12, %dma_start3A_24] : memref<10240x128xf32, #tpu.memory_space<vmem_shared>> -> memref<128x128xf32, #tpu.memory_space<vmem_shared>>
      tpu.enqueue_dma source(%arg9 : memref<128x128xf32, #tpu.memory_space<vmem>>) target(%dma_start3A_25 : memref<128x128xf32, #tpu.memory_space<vmem_shared>>) target_semaphore(%run_scoped3A : memref<!tpu.dma_semaphore, #tpu.memory_space<semaphore_mem>>)
      %dma_wait3A = arith.constant 0 : i32
      %dma_wait3A_26 = tpu.memref_slice %arg6[%add3A_12, %dma_wait3A] : memref<10240x128xf32, #tpu.memory_space<vmem_shared>> -> memref<128x128xf32, #tpu.memory_space<vmem_shared>>
      %dma_wait3A_27 = arith.constant 0 : i32
      %dma_wait3A_28 = tpu.memref_slice %arg6[%add3A_12, %dma_wait3A_27] : memref<10240x128xf32, #tpu.memory_space<vmem_shared>> -> memref<128x128xf32, #tpu.memory_space<vmem_shared>>
      tpu.wait_dma2 semaphore(%run_scoped3A : memref<!tpu.dma_semaphore, #tpu.memory_space<semaphore_mem>>) src(%arg9 : memref<128x128xf32, #tpu.memory_space<vmem>>) dst(%dma_wait3A_28 : memref<128x128xf32, #tpu.memory_space<vmem_shared>>)
      tpu.yield
    }) : () -> ()
    %add3A_13 = arith.constant 384 : i32
    %add3A_14 = arith.addi %mul3A_6, %add3A_13 : i32
    "tpu.region"() ({
      %run_scoped3A = tpu.sem_alloc : memref<!tpu.dma_semaphore, #tpu.memory_space<semaphore_mem>>
      %dma_start3A = arith.constant 0 : i32
      %dma_start3A_23 = tpu.memref_slice %arg6[%add3A_14, %dma_start3A] : memref<10240x128xf32, #tpu.memory_space<vmem_shared>> -> memref<128x128xf32, #tpu.memory_space<vmem_shared>>
      %dma_start3A_24 = arith.constant 0 : i32
      %dma_start3A_25 = tpu.memref_slice %arg6[%add3A_14, %dma_start3A_24] : memref<10240x128xf32, #tpu.memory_space<vmem_shared>> -> memref<128x128xf32, #tpu.memory_space<vmem_shared>>
      tpu.enqueue_dma source(%arg9 : memref<128x128xf32, #tpu.memory_space<vmem>>) target(%dma_start3A_25 : memref<128x128xf32, #tpu.memory_space<vmem_shared>>) target_semaphore(%run_scoped3A : memref<!tpu.dma_semaphore, #tpu.memory_space<semaphore_mem>>)
      %dma_wait3A = arith.constant 0 : i32
      %dma_wait3A_26 = tpu.memref_slice %arg6[%add3A_14, %dma_wait3A] : memref<10240x128xf32, #tpu.memory_space<vmem_shared>> -> memref<128x128xf32, #tpu.memory_space<vmem_shared>>
      %dma_wait3A_27 = arith.constant 0 : i32
      %dma_wait3A_28 = tpu.memref_slice %arg6[%add3A_14, %dma_wait3A_27] : memref<10240x128xf32, #tpu.memory_space<vmem_shared>> -> memref<128x128xf32, #tpu.memory_space<vmem_shared>>
      tpu.wait_dma2 semaphore(%run_scoped3A : memref<!tpu.dma_semaphore, #tpu.memory_space<semaphore_mem>>) src(%arg9 : memref<128x128xf32, #tpu.memory_space<vmem>>) dst(%dma_wait3A_28 : memref<128x128xf32, #tpu.memory_space<vmem_shared>>)
      tpu.yield
    }) : () -> ()
    %add3A_15 = arith.constant 512 : i32
    %add3A_16 = arith.addi %mul3A_6, %add3A_15 : i32
    "tpu.region"() ({
      %run_scoped3A = tpu.sem_alloc : memref<!tpu.dma_semaphore, #tpu.memory_space<semaphore_mem>>
      %dma_start3A = arith.constant 0 : i32
      %dma_start3A_23 = tpu.memref_slice %arg6[%add3A_16, %dma_start3A] : memref<10240x128xf32, #tpu.memory_space<vmem_shared>> -> memref<128x128xf32, #tpu.memory_space<vmem_shared>>
      %dma_start3A_24 = arith.constant 0 : i32
      %dma_start3A_25 = tpu.memref_slice %arg6[%add3A_16, %dma_start3A_24] : memref<10240x128xf32, #tpu.memory_space<vmem_shared>> -> memref<128x128xf32, #tpu.memory_space<vmem_shared>>
      tpu.enqueue_dma source(%arg9 : memref<128x128xf32, #tpu.memory_space<vmem>>) target(%dma_start3A_25 : memref<128x128xf32, #tpu.memory_space<vmem_shared>>) target_semaphore(%run_scoped3A : memref<!tpu.dma_semaphore, #tpu.memory_space<semaphore_mem>>)
      %dma_wait3A = arith.constant 0 : i32
      %dma_wait3A_26 = tpu.memref_slice %arg6[%add3A_16, %dma_wait3A] : memref<10240x128xf32, #tpu.memory_space<vmem_shared>> -> memref<128x128xf32, #tpu.memory_space<vmem_shared>>
      %dma_wait3A_27 = arith.constant 0 : i32
      %dma_wait3A_28 = tpu.memref_slice %arg6[%add3A_16, %dma_wait3A_27] : memref<10240x128xf32, #tpu.memory_space<vmem_shared>> -> memref<128x128xf32, #tpu.memory_space<vmem_shared>>
      tpu.wait_dma2 semaphore(%run_scoped3A : memref<!tpu.dma_semaphore, #tpu.memory_space<semaphore_mem>>) src(%arg9 : memref<128x128xf32, #tpu.memory_space<vmem>>) dst(%dma_wait3A_28 : memref<128x128xf32, #tpu.memory_space<vmem_shared>>)
      tpu.yield
    }) : () -> ()
    %barrier3A = arith.constant 0 : index
    tpu.barrier barrier_id(%barrier3A)
    %scan3A_17 = arith.constant 0 : i32
    %scan3A_18 = arith.constant 79 : i32
    %scan3A_19 = arith.addi %scan3A_17, %scan3A_18 : i32
    %scan3A_20 = arith.constant 1 : i32
    scf.for %scan3A_23 = %scan3A_17 to %scan3A_19 step %scan3A_20  : i32 {
      %mul3A_24 = arith.constant 1 : i32
      %mul3A_25 = arith.muli %scan3A_23, %mul3A_24 : i32
      %add3A_26 = arith.constant 0 : i32
      %add3A_27 = arith.addi %add3A_26, %mul3A_25 : i32
      "tpu.region"() ({
        %run_scoped3A = tpu.sem_alloc : memref<!tpu.dma_semaphore, #tpu.memory_space<semaphore_mem>>
        %dma_start3A_32 = arith.constant 0 : i32
        %dma_start3A_33 = tpu.memref_slice %arg3[%add3A, %add3A_27, %dma_start3A_32] : memref<32x79x128xi32, #tpu.memory_space<hbm>> -> memref<1x1x128xi32, #tpu.memory_space<hbm>>
        %dma_start3A_34 = tpu.memref_squeeze %dma_start3A_33 : memref<1x1x128xi32, #tpu.memory_space<hbm>> -> memref<128xi32, #tpu.memory_space<hbm>>
        %dma_start3A_35 = arith.constant 0 : i32
        %dma_start3A_36 = tpu.memref_slice %arg3[%add3A, %add3A_27, %dma_start3A_35] : memref<32x79x128xi32, #tpu.memory_space<hbm>> -> memref<1x1x128xi32, #tpu.memory_space<hbm>>
        %dma_start3A_37 = tpu.memref_squeeze %dma_start3A_36 : memref<1x1x128xi32, #tpu.memory_space<hbm>> -> memref<128xi32, #tpu.memory_space<hbm>>
        tpu.enqueue_dma source(%dma_start3A_37 : memref<128xi32, #tpu.memory_space<hbm>>) target(%arg7 : memref<128xi32, #tpu.memory_space<vmem>>) target_semaphore(%run_scoped3A : memref<!tpu.dma_semaphore, #tpu.memory_space<semaphore_mem>>)
        %dma_wait3A_38 = arith.constant 0 : i32
        %dma_wait3A_39 = tpu.memref_slice %arg3[%add3A, %add3A_27, %dma_wait3A_38] : memref<32x79x128xi32, #tpu.memory_space<hbm>> -> memref<1x1x128xi32, #tpu.memory_space<hbm>>
        %dma_wait3A_40 = tpu.memref_squeeze %dma_wait3A_39 : memref<1x1x128xi32, #tpu.memory_space<hbm>> -> memref<128xi32, #tpu.memory_space<hbm>>
        %dma_wait3A_41 = arith.constant 0 : i32
        %dma_wait3A_42 = tpu.memref_slice %arg3[%add3A, %add3A_27, %dma_wait3A_41] : memref<32x79x128xi32, #tpu.memory_space<hbm>> -> memref<1x1x128xi32, #tpu.memory_space<hbm>>
        %dma_wait3A_43 = tpu.memref_squeeze %dma_wait3A_42 : memref<1x1x128xi32, #tpu.memory_space<hbm>> -> memref<128xi32, #tpu.memory_space<hbm>>
        tpu.wait_dma2 semaphore(%run_scoped3A : memref<!tpu.dma_semaphore, #tpu.memory_space<semaphore_mem>>) src(%dma_wait3A_43 : memref<128xi32, #tpu.memory_space<hbm>>) dst(%arg7 : memref<128xi32, #tpu.memory_space<vmem>>)
        tpu.yield
      }) : () -> ()
      "tpu.region"() ({
        %run_scoped3A = tpu.sem_alloc : memref<!tpu.dma_semaphore, #tpu.memory_space<semaphore_mem>>
        %dma_start3A_32 = arith.constant 0 : i32
        %dma_start3A_33 = tpu.memref_slice %arg4[%add3A, %add3A_27, %dma_start3A_32] : memref<32x79x128xi32, #tpu.memory_space<hbm>> -> memref<1x1x128xi32, #tpu.memory_space<hbm>>
        %dma_start3A_34 = tpu.memref_squeeze %dma_start3A_33 : memref<1x1x128xi32, #tpu.memory_space<hbm>> -> memref<128xi32, #tpu.memory_space<hbm>>
        %dma_start3A_35 = arith.constant 0 : i32
        %dma_start3A_36 = tpu.memref_slice %arg4[%add3A, %add3A_27, %dma_start3A_35] : memref<32x79x128xi32, #tpu.memory_space<hbm>> -> memref<1x1x128xi32, #tpu.memory_space<hbm>>
        %dma_start3A_37 = tpu.memref_squeeze %dma_start3A_36 : memref<1x1x128xi32, #tpu.memory_space<hbm>> -> memref<128xi32, #tpu.memory_space<hbm>>
        tpu.enqueue_dma source(%dma_start3A_37 : memref<128xi32, #tpu.memory_space<hbm>>) target(%arg8 : memref<128xi32, #tpu.memory_space<vmem>>) target_semaphore(%run_scoped3A : memref<!tpu.dma_semaphore, #tpu.memory_space<semaphore_mem>>)
        %dma_wait3A_38 = arith.constant 0 : i32
        %dma_wait3A_39 = tpu.memref_slice %arg4[%add3A, %add3A_27, %dma_wait3A_38] : memref<32x79x128xi32, #tpu.memory_space<hbm>> -> memref<1x1x128xi32, #tpu.memory_space<hbm>>
        %dma_wait3A_40 = tpu.memref_squeeze %dma_wait3A_39 : memref<1x1x128xi32, #tpu.memory_space<hbm>> -> memref<128xi32, #tpu.memory_space<hbm>>
        %dma_wait3A_41 = arith.constant 0 : i32
        %dma_wait3A_42 = tpu.memref_slice %arg4[%add3A, %add3A_27, %dma_wait3A_41] : memref<32x79x128xi32, #tpu.memory_space<hbm>> -> memref<1x1x128xi32, #tpu.memory_space<hbm>>
        %dma_wait3A_43 = tpu.memref_squeeze %dma_wait3A_42 : memref<1x1x128xi32, #tpu.memory_space<hbm>> -> memref<128xi32, #tpu.memory_space<hbm>>
        tpu.wait_dma2 semaphore(%run_scoped3A : memref<!tpu.dma_semaphore, #tpu.memory_space<semaphore_mem>>) src(%dma_wait3A_43 : memref<128xi32, #tpu.memory_space<hbm>>) dst(%arg8 : memref<128xi32, #tpu.memory_space<vmem>>)
        tpu.yield
      }) : () -> ()
      %dma_start3A = arith.constant 0 : i32
      %dma_start3A_28 = arith.constant 0 : i32
      %dma_start3A_29 = tpu.memref_slice %arg2[%dma_start3A, %dma_start3A_28] : memref<10000x128xf32, #tpu.memory_space<hbm>> -> memref<10000x128xf32, #tpu.memory_space<hbm>>
      tpu.enqueue_indirect_dma source(%dma_start3A_29 : memref<10000x128xf32, #tpu.memory_space<hbm>>) target(%arg9 : memref<128x128xf32, #tpu.memory_space<vmem>>) offsets(%arg7 : memref<128xi32, #tpu.memory_space<vmem>>) semaphore(%arg10 : memref<!tpu.dma_semaphore, #tpu.memory_space<semaphore_mem>>)
      %dma_wait3A = arith.constant 0 : i32
      %dma_wait3A_30 = arith.constant 0 : i32
      %dma_wait3A_31 = tpu.memref_slice %arg2[%dma_wait3A, %dma_wait3A_30] : memref<10000x128xf32, #tpu.memory_space<hbm>> -> memref<10000x128xf32, #tpu.memory_space<hbm>>
      tpu.wait_indirect_dma semaphore(%arg10 : memref<!tpu.dma_semaphore, #tpu.memory_space<semaphore_mem>>) src(%dma_wait3A_31 : memref<10000x128xf32, #tpu.memory_space<hbm>>) dst(%arg9 : memref<128x128xf32, #tpu.memory_space<vmem>>)
      "tpu.region"() ({
        %run_scoped3A = tpu.sem_alloc : memref<!tpu.dma_semaphore, #tpu.memory_space<semaphore_mem>>
        %dma_start3A_32 = arith.constant 0 : i32
        %dma_start3A_33 = arith.constant 0 : i32
        %dma_start3A_34 = tpu.memref_slice %arg6[%dma_start3A_32, %dma_start3A_33] : memref<10240x128xf32, #tpu.memory_space<vmem_shared>> -> memref<10240x128xf32, #tpu.memory_space<vmem_shared>>
        tpu.enqueue_indirect_dma source(%arg9 : memref<128x128xf32, #tpu.memory_space<vmem>>) target(%dma_start3A_34 : memref<10240x128xf32, #tpu.memory_space<vmem_shared>>) offsets(%arg8 : memref<128xi32, #tpu.memory_space<vmem>>) semaphore(%run_scoped3A : memref<!tpu.dma_semaphore, #tpu.memory_space<semaphore_mem>>) {add = true}
        %dma_wait3A_35 = arith.constant 0 : i32
        %dma_wait3A_36 = arith.constant 0 : i32
        %dma_wait3A_37 = tpu.memref_slice %arg6[%dma_wait3A_35, %dma_wait3A_36] : memref<10240x128xf32, #tpu.memory_space<vmem_shared>> -> memref<10240x128xf32, #tpu.memory_space<vmem_shared>>
        tpu.wait_indirect_dma semaphore(%run_scoped3A : memref<!tpu.dma_semaphore, #tpu.memory_space<semaphore_mem>>) src(%arg9 : memref<128x128xf32, #tpu.memory_space<vmem>>) dst(%dma_wait3A_37 : memref<10240x128xf32, #tpu.memory_space<vmem_shared>>)
        tpu.yield
      }) : () -> ()
    }
    %scan3A_21 = arith.constant 79 : i32
    %barrier3A_22 = arith.constant 0 : index
    tpu.barrier barrier_id(%barrier3A_22)
    "tpu.region"() ({
      %run_scoped3A = tpu.sem_alloc : memref<!tpu.dma_semaphore, #tpu.memory_space<semaphore_mem>>
      %dma_start3A = arith.constant 0 : i32
      %dma_start3A_23 = tpu.memref_slice %arg5[%arg0, %mul3A_6, %dma_start3A] : memref<2x10240x128xf32, #tpu.memory_space<hbm>> -> memref<1x640x128xf32, #tpu.memory_space<hbm>>
      %dma_start3A_24 = tpu.memref_squeeze %dma_start3A_23 : memref<1x640x128xf32, #tpu.memory_space<hbm>> -> memref<640x128xf32, #tpu.memory_space<hbm>>
      %dma_start3A_25 = arith.constant 0 : i32
      %dma_start3A_26 = tpu.memref_slice %arg6[%mul3A_6, %dma_start3A_25] : memref<10240x128xf32, #tpu.memory_space<vmem_shared>> -> memref<640x128xf32, #tpu.memory_space<vmem_shared>>
      tpu.enqueue_dma source(%dma_start3A_26 : memref<640x128xf32, #tpu.memory_space<vmem_shared>>) target(%dma_start3A_24 : memref<640x128xf32, #tpu.memory_space<hbm>>) target_semaphore(%run_scoped3A : memref<!tpu.dma_semaphore, #tpu.memory_space<semaphore_mem>>)
      %dma_wait3A = arith.constant 0 : i32
      %dma_wait3A_27 = tpu.memref_slice %arg5[%arg0, %mul3A_6, %dma_wait3A] : memref<2x10240x128xf32, #tpu.memory_space<hbm>> -> memref<1x640x128xf32, #tpu.memory_space<hbm>>
      %dma_wait3A_28 = tpu.memref_squeeze %dma_wait3A_27 : memref<1x640x128xf32, #tpu.memory_space<hbm>> -> memref<640x128xf32, #tpu.memory_space<hbm>>
      %dma_wait3A_29 = arith.constant 0 : i32
      %dma_wait3A_30 = tpu.memref_slice %arg6[%mul3A_6, %dma_wait3A_29] : memref<10240x128xf32, #tpu.memory_space<vmem_shared>> -> memref<640x128xf32, #tpu.memory_space<vmem_shared>>
      tpu.wait_dma2 semaphore(%run_scoped3A : memref<!tpu.dma_semaphore, #tpu.memory_space<semaphore_mem>>) src(%dma_wait3A_30 : memref<640x128xf32, #tpu.memory_space<vmem_shared>>) dst(%dma_wait3A_28 : memref<640x128xf32, #tpu.memory_space<hbm>>)
      tpu.yield
    }) : () -> ()
    return
  }
}

module attributes {stable_mosaic.version = 14 : i64} {
  func.func @tc_body(%arg0: i32, %arg1: memref<1000x128xf32, #tpu.memory_space<vmem>>, %arg2: memref<2x1000x128xf32, #tpu.memory_space<vmem>>, %arg3: memref<2x1000x128xf32, #tpu.memory_space<vmem>>, %arg4: memref<1000x8xf32, #tpu.memory_space<vmem>>, %arg5: memref<256x8xf32, #tpu.memory_space<vmem>>, %arg6: memref<8x256x128xf32, #tpu.memory_space<vmem>>, %arg7: memref<8x128xf32, #tpu.memory_space<vmem>>, %arg8: memref<8x128x128xf32, #tpu.memory_space<vmem>>, %arg9: memref<8x128xf32, #tpu.memory_space<vmem>>, %arg10: memref<1000x128xf32, #tpu.memory_space<vmem>>) attributes {dimension_semantics = [#tpu.dimension_semantics<arbitrary>], iteration_bounds = array<i64: 10>, scalar_prefetch = 0 : i64, scratch_operands = 0 : i64, tpu.core_type = #tpu.core_type<tc>, window_params = [{transform_indices = @transform_0, window_bounds = array<i64: 1000, 128>}, {transform_indices = @transform_1, window_bounds = array<i64: 2, 1000, 128>}, {transform_indices = @transform_2, window_bounds = array<i64: 2, 1000, 128>}, {transform_indices = @transform_3, window_bounds = array<i64: 1000, 8>}, {pipeline_mode = #tpu.pipeline_mode<synchronous>, transform_indices = @transform_4, window_bounds = array<i64: 256, 8>}, {pipeline_mode = #tpu.pipeline_mode<synchronous>, transform_indices = @transform_5, window_bounds = array<i64: 8, 256, 128>}, {pipeline_mode = #tpu.pipeline_mode<synchronous>, transform_indices = @transform_6, window_bounds = array<i64: 8, 128>}, {pipeline_mode = #tpu.pipeline_mode<synchronous>, transform_indices = @transform_7, window_bounds = array<i64: 8, 128, 128>}, {pipeline_mode = #tpu.pipeline_mode<synchronous>, transform_indices = @transform_8, window_bounds = array<i64: 8, 128>}, {transform_indices = @transform_9, window_bounds = array<i64: 1000, 128>}]} {
    %get3A = arith.constant 0 : index
    %get3A_0 = arith.constant 0 : index
    %get3A_1 = arith.constant 0 : index
    %get3A_2 = vector.load %arg3[%get3A, %get3A_0, %get3A_1] : memref<2x1000x128xf32, #tpu.memory_space<vmem>>, vector<1x1000x1xf32>
    %get3A_3 = vector.shape_cast %get3A_2 : vector<1x1000x1xf32> to vector<1000x1xf32>
    %get3A_4 = arith.constant 1 : index
    %get3A_5 = arith.constant 0 : index
    %get3A_6 = arith.constant 0 : index
    %get3A_7 = vector.load %arg3[%get3A_4, %get3A_5, %get3A_6] : memref<2x1000x128xf32, #tpu.memory_space<vmem>>, vector<1x1000x1xf32>
    %get3A_8 = vector.shape_cast %get3A_7 : vector<1x1000x1xf32> to vector<1000x1xf32>
    %add3A = arith.addf %get3A_3, %get3A_8 : vector<1000x1xf32>
    %max3A = arith.constant 1.000000e+00 : f32
    %max3A_9 = vector.broadcast %max3A : f32 to vector<1000x1xf32>
    %max3A_10 = arith.maximumf %add3A, %max3A_9 : vector<1000x1xf32>
    %get3A_11 = arith.constant 0 : index
    %get3A_12 = arith.constant 0 : index
    %get3A_13 = arith.constant 0 : index
    %get3A_14 = vector.load %arg2[%get3A_11, %get3A_12, %get3A_13] : memref<2x1000x128xf32, #tpu.memory_space<vmem>>, vector<1x1000x128xf32>
    %get3A_15 = vector.shape_cast %get3A_14 : vector<1x1000x128xf32> to vector<1000x128xf32>
    %get3A_16 = arith.constant 1 : index
    %get3A_17 = arith.constant 0 : index
    %get3A_18 = arith.constant 0 : index
    %get3A_19 = vector.load %arg2[%get3A_16, %get3A_17, %get3A_18] : memref<2x1000x128xf32, #tpu.memory_space<vmem>>, vector<1x1000x128xf32>
    %get3A_20 = vector.shape_cast %get3A_19 : vector<1x1000x128xf32> to vector<1000x128xf32>
    %add3A_21 = arith.addf %get3A_15, %get3A_20 : vector<1000x128xf32>
    %div3A = vector.broadcast %max3A_10 : vector<1000x1xf32> to vector<1000x128xf32>
    %div3A_22 = arith.divf %add3A_21, %div3A : vector<1000x128xf32>
    %get3A_23 = arith.constant 0 : index
    %get3A_24 = arith.constant 0 : index
    %get3A_25 = vector.load %arg1[%get3A_23, %get3A_24] : memref<1000x128xf32, #tpu.memory_space<vmem>>, vector<1000x128xf32>
    %concatenate3A = tpu.concatenate %get3A_25, %div3A_22 in 1 : vector<1000x128xf32>, vector<1000x128xf32> -> vector<1000x256xf32>
    %get3A_26 = arith.constant 0 : index
    %get3A_27 = arith.constant 0 : index
    %get3A_28 = vector.load %arg5[%get3A_26, %get3A_27] : memref<256x8xf32, #tpu.memory_space<vmem>>, vector<256x8xf32>
    %dot_general3A = arith.constant dense<0.000000e+00> : vector<1000x8xf32>
    %dot_general3A_29 = tpu.matmul %concatenate3A, %get3A_28, %dot_general3A {dimension_numbers = #tpu.dot_dimension_numbers<[1], [0], [0], [1], [0, 0, 1, 1], [], []>, transpose_lhs_hint = false} : vector<1000x256xf32>, vector<256x8xf32>, vector<1000x8xf32> -> vector<1000x8xf32>
    %get3A_30 = arith.constant 0 : index
    %get3A_31 = arith.constant 0 : index
    %get3A_32 = vector.load %arg4[%get3A_30, %get3A_31] : memref<1000x8xf32, #tpu.memory_space<vmem>>, vector<1000x8xf32>
    %add3A_33 = arith.addf %dot_general3A_29, %get3A_32 : vector<1000x8xf32>
    %mul3A = arith.constant 1.250000e+00 : f32
    %mul3A_34 = vector.broadcast %mul3A : f32 to vector<1000x8xf32>
    %mul3A_35 = arith.mulf %add3A_33, %mul3A_34 : vector<1000x8xf32>
    %reduce_max3A = arith.constant dense<0xFF800000> : vector<1000xf32>
    %reduce_max3A_36 = vector.multi_reduction <maximumf>, %mul3A_35, %reduce_max3A [1] : vector<1000x8xf32> to vector<1000xf32>
    %broadcast_in_dim3A = vector.shape_cast %reduce_max3A_36 : vector<1000xf32> to vector<1000x1xf32>
    %sub3A = vector.broadcast %broadcast_in_dim3A : vector<1000x1xf32> to vector<1000x8xf32>
    %sub3A_37 = arith.subf %mul3A_35, %sub3A : vector<1000x8xf32>
    %exp3A = math.exp %sub3A_37 : vector<1000x8xf32>
    %reduce_sum3A = arith.constant dense<0.000000e+00> : vector<1000xf32>
    %reduce_sum3A_38 = vector.multi_reduction <add>, %exp3A, %reduce_sum3A [1] : vector<1000x8xf32> to vector<1000xf32>
    %broadcast_in_dim3A_39 = vector.shape_cast %reduce_sum3A_38 : vector<1000xf32> to vector<1000x1xf32>
    %div3A_40 = vector.broadcast %broadcast_in_dim3A_39 : vector<1000x1xf32> to vector<1000x8xf32>
    %div3A_41 = arith.divf %exp3A, %div3A_40 : vector<1000x8xf32>
    %broadcast_in_dim3A_42 = arith.constant 0.000000e+00 : f32
    %broadcast_in_dim3A_43 = vector.broadcast %broadcast_in_dim3A_42 : f32 to vector<1000x128xf32>
    %get3A_44 = arith.constant 0 : index
    %get3A_45 = arith.constant 0 : index
    %get3A_46 = arith.constant 0 : index
    %get3A_47 = vector.load %arg6[%get3A_44, %get3A_45, %get3A_46] : memref<8x256x128xf32, #tpu.memory_space<vmem>>, vector<1x256x128xf32>
    %get3A_48 = vector.shape_cast %get3A_47 : vector<1x256x128xf32> to vector<256x128xf32>
    %dot_general3A_49 = arith.constant dense<0.000000e+00> : vector<1000x128xf32>
    %dot_general3A_50 = tpu.matmul %concatenate3A, %get3A_48, %dot_general3A_49 {dimension_numbers = #tpu.dot_dimension_numbers<[1], [0], [0], [1], [0, 0, 1, 1], [], []>, transpose_lhs_hint = false} : vector<1000x256xf32>, vector<256x128xf32>, vector<1000x128xf32> -> vector<1000x128xf32>
    %get3A_51 = arith.constant 0 : index
    %get3A_52 = arith.constant 0 : index
    %get3A_53 = vector.load %arg7[%get3A_51, %get3A_52] : memref<8x128xf32, #tpu.memory_space<vmem>>, vector<1x128xf32>
    %get3A_54 = vector.shape_cast %get3A_53 : vector<1x128xf32> to vector<128xf32>
    %broadcast_in_dim3A_55 = vector.shape_cast %get3A_54 : vector<128xf32> to vector<1x128xf32>
    %add3A_56 = vector.broadcast %broadcast_in_dim3A_55 : vector<1x128xf32> to vector<1000x128xf32>
    %add3A_57 = arith.addf %dot_general3A_50, %add3A_56 : vector<1000x128xf32>
    %max3A_58 = arith.constant 0.000000e+00 : f32
    %max3A_59 = vector.broadcast %max3A_58 : f32 to vector<1000x128xf32>
    %max3A_60 = arith.maximumf %add3A_57, %max3A_59 : vector<1000x128xf32>
    %get3A_61 = arith.constant 0 : index
    %get3A_62 = arith.constant 0 : index
    %get3A_63 = arith.constant 0 : index
    %get3A_64 = vector.load %arg8[%get3A_61, %get3A_62, %get3A_63] : memref<8x128x128xf32, #tpu.memory_space<vmem>>, vector<1x128x128xf32>
    %get3A_65 = vector.shape_cast %get3A_64 : vector<1x128x128xf32> to vector<128x128xf32>
    %dot_general3A_66 = arith.constant dense<0.000000e+00> : vector<1000x128xf32>
    %dot_general3A_67 = tpu.matmul %max3A_60, %get3A_65, %dot_general3A_66 {dimension_numbers = #tpu.dot_dimension_numbers<[1], [0], [0], [1], [0, 0, 1, 1], [], []>, transpose_lhs_hint = false} : vector<1000x128xf32>, vector<128x128xf32>, vector<1000x128xf32> -> vector<1000x128xf32>
    %get3A_68 = arith.constant 0 : index
    %get3A_69 = arith.constant 0 : index
    %get3A_70 = vector.load %arg9[%get3A_68, %get3A_69] : memref<8x128xf32, #tpu.memory_space<vmem>>, vector<1x128xf32>
    %get3A_71 = vector.shape_cast %get3A_70 : vector<1x128xf32> to vector<128xf32>
    %broadcast_in_dim3A_72 = vector.shape_cast %get3A_71 : vector<128xf32> to vector<1x128xf32>
    %add3A_73 = vector.broadcast %broadcast_in_dim3A_72 : vector<1x128xf32> to vector<1000x128xf32>
    %add3A_74 = arith.addf %dot_general3A_67, %add3A_73 : vector<1000x128xf32>
    %slice3A = vector.extract_strided_slice %div3A_41 {offsets = [0, 0], sizes = [1000, 1], strides = [1, 1]} : vector<1000x8xf32> to vector<1000x1xf32>
    %mul3A_75 = vector.broadcast %slice3A : vector<1000x1xf32> to vector<1000x128xf32>
    %mul3A_76 = arith.mulf %mul3A_75, %add3A_74 : vector<1000x128xf32>
    %add3A_77 = arith.addf %broadcast_in_dim3A_43, %mul3A_76 : vector<1000x128xf32>
    %get3A_78 = arith.constant 1 : index
    %get3A_79 = arith.constant 0 : index
    %get3A_80 = arith.constant 0 : index
    %get3A_81 = vector.load %arg6[%get3A_78, %get3A_79, %get3A_80] : memref<8x256x128xf32, #tpu.memory_space<vmem>>, vector<1x256x128xf32>
    %get3A_82 = vector.shape_cast %get3A_81 : vector<1x256x128xf32> to vector<256x128xf32>
    %dot_general3A_83 = arith.constant dense<0.000000e+00> : vector<1000x128xf32>
    %dot_general3A_84 = tpu.matmul %concatenate3A, %get3A_82, %dot_general3A_83 {dimension_numbers = #tpu.dot_dimension_numbers<[1], [0], [0], [1], [0, 0, 1, 1], [], []>, transpose_lhs_hint = false} : vector<1000x256xf32>, vector<256x128xf32>, vector<1000x128xf32> -> vector<1000x128xf32>
    %get3A_85 = arith.constant 1 : index
    %get3A_86 = arith.constant 0 : index
    %get3A_87 = vector.load %arg7[%get3A_85, %get3A_86] : memref<8x128xf32, #tpu.memory_space<vmem>>, vector<1x128xf32>
    %get3A_88 = vector.shape_cast %get3A_87 : vector<1x128xf32> to vector<128xf32>
    %broadcast_in_dim3A_89 = vector.shape_cast %get3A_88 : vector<128xf32> to vector<1x128xf32>
    %add3A_90 = vector.broadcast %broadcast_in_dim3A_89 : vector<1x128xf32> to vector<1000x128xf32>
    %add3A_91 = arith.addf %dot_general3A_84, %add3A_90 : vector<1000x128xf32>
    %max3A_92 = arith.constant 0.000000e+00 : f32
    %max3A_93 = vector.broadcast %max3A_92 : f32 to vector<1000x128xf32>
    %max3A_94 = arith.maximumf %add3A_91, %max3A_93 : vector<1000x128xf32>
    %get3A_95 = arith.constant 1 : index
    %get3A_96 = arith.constant 0 : index
    %get3A_97 = arith.constant 0 : index
    %get3A_98 = vector.load %arg8[%get3A_95, %get3A_96, %get3A_97] : memref<8x128x128xf32, #tpu.memory_space<vmem>>, vector<1x128x128xf32>
    %get3A_99 = vector.shape_cast %get3A_98 : vector<1x128x128xf32> to vector<128x128xf32>
    %dot_general3A_100 = arith.constant dense<0.000000e+00> : vector<1000x128xf32>
    %dot_general3A_101 = tpu.matmul %max3A_94, %get3A_99, %dot_general3A_100 {dimension_numbers = #tpu.dot_dimension_numbers<[1], [0], [0], [1], [0, 0, 1, 1], [], []>, transpose_lhs_hint = false} : vector<1000x128xf32>, vector<128x128xf32>, vector<1000x128xf32> -> vector<1000x128xf32>
    %get3A_102 = arith.constant 1 : index
    %get3A_103 = arith.constant 0 : index
    %get3A_104 = vector.load %arg9[%get3A_102, %get3A_103] : memref<8x128xf32, #tpu.memory_space<vmem>>, vector<1x128xf32>
    %get3A_105 = vector.shape_cast %get3A_104 : vector<1x128xf32> to vector<128xf32>
    %broadcast_in_dim3A_106 = vector.shape_cast %get3A_105 : vector<128xf32> to vector<1x128xf32>
    %add3A_107 = vector.broadcast %broadcast_in_dim3A_106 : vector<1x128xf32> to vector<1000x128xf32>
    %add3A_108 = arith.addf %dot_general3A_101, %add3A_107 : vector<1000x128xf32>
    %slice3A_109 = vector.extract_strided_slice %div3A_41 {offsets = [0, 1], sizes = [1000, 1], strides = [1, 1]} : vector<1000x8xf32> to vector<1000x1xf32>
    %mul3A_110 = vector.broadcast %slice3A_109 : vector<1000x1xf32> to vector<1000x128xf32>
    %mul3A_111 = arith.mulf %mul3A_110, %add3A_108 : vector<1000x128xf32>
    %add3A_112 = arith.addf %add3A_77, %mul3A_111 : vector<1000x128xf32>
    %get3A_113 = arith.constant 2 : index
    %get3A_114 = arith.constant 0 : index
    %get3A_115 = arith.constant 0 : index
    %get3A_116 = vector.load %arg6[%get3A_113, %get3A_114, %get3A_115] : memref<8x256x128xf32, #tpu.memory_space<vmem>>, vector<1x256x128xf32>
    %get3A_117 = vector.shape_cast %get3A_116 : vector<1x256x128xf32> to vector<256x128xf32>
    %dot_general3A_118 = arith.constant dense<0.000000e+00> : vector<1000x128xf32>
    %dot_general3A_119 = tpu.matmul %concatenate3A, %get3A_117, %dot_general3A_118 {dimension_numbers = #tpu.dot_dimension_numbers<[1], [0], [0], [1], [0, 0, 1, 1], [], []>, transpose_lhs_hint = false} : vector<1000x256xf32>, vector<256x128xf32>, vector<1000x128xf32> -> vector<1000x128xf32>
    %get3A_120 = arith.constant 2 : index
    %get3A_121 = arith.constant 0 : index
    %get3A_122 = vector.load %arg7[%get3A_120, %get3A_121] : memref<8x128xf32, #tpu.memory_space<vmem>>, vector<1x128xf32>
    %get3A_123 = vector.shape_cast %get3A_122 : vector<1x128xf32> to vector<128xf32>
    %broadcast_in_dim3A_124 = vector.shape_cast %get3A_123 : vector<128xf32> to vector<1x128xf32>
    %add3A_125 = vector.broadcast %broadcast_in_dim3A_124 : vector<1x128xf32> to vector<1000x128xf32>
    %add3A_126 = arith.addf %dot_general3A_119, %add3A_125 : vector<1000x128xf32>
    %max3A_127 = arith.constant 0.000000e+00 : f32
    %max3A_128 = vector.broadcast %max3A_127 : f32 to vector<1000x128xf32>
    %max3A_129 = arith.maximumf %add3A_126, %max3A_128 : vector<1000x128xf32>
    %get3A_130 = arith.constant 2 : index
    %get3A_131 = arith.constant 0 : index
    %get3A_132 = arith.constant 0 : index
    %get3A_133 = vector.load %arg8[%get3A_130, %get3A_131, %get3A_132] : memref<8x128x128xf32, #tpu.memory_space<vmem>>, vector<1x128x128xf32>
    %get3A_134 = vector.shape_cast %get3A_133 : vector<1x128x128xf32> to vector<128x128xf32>
    %dot_general3A_135 = arith.constant dense<0.000000e+00> : vector<1000x128xf32>
    %dot_general3A_136 = tpu.matmul %max3A_129, %get3A_134, %dot_general3A_135 {dimension_numbers = #tpu.dot_dimension_numbers<[1], [0], [0], [1], [0, 0, 1, 1], [], []>, transpose_lhs_hint = false} : vector<1000x128xf32>, vector<128x128xf32>, vector<1000x128xf32> -> vector<1000x128xf32>
    %get3A_137 = arith.constant 2 : index
    %get3A_138 = arith.constant 0 : index
    %get3A_139 = vector.load %arg9[%get3A_137, %get3A_138] : memref<8x128xf32, #tpu.memory_space<vmem>>, vector<1x128xf32>
    %get3A_140 = vector.shape_cast %get3A_139 : vector<1x128xf32> to vector<128xf32>
    %broadcast_in_dim3A_141 = vector.shape_cast %get3A_140 : vector<128xf32> to vector<1x128xf32>
    %add3A_142 = vector.broadcast %broadcast_in_dim3A_141 : vector<1x128xf32> to vector<1000x128xf32>
    %add3A_143 = arith.addf %dot_general3A_136, %add3A_142 : vector<1000x128xf32>
    %slice3A_144 = vector.extract_strided_slice %div3A_41 {offsets = [0, 2], sizes = [1000, 1], strides = [1, 1]} : vector<1000x8xf32> to vector<1000x1xf32>
    %mul3A_145 = vector.broadcast %slice3A_144 : vector<1000x1xf32> to vector<1000x128xf32>
    %mul3A_146 = arith.mulf %mul3A_145, %add3A_143 : vector<1000x128xf32>
    %add3A_147 = arith.addf %add3A_112, %mul3A_146 : vector<1000x128xf32>
    %get3A_148 = arith.constant 3 : index
    %get3A_149 = arith.constant 0 : index
    %get3A_150 = arith.constant 0 : index
    %get3A_151 = vector.load %arg6[%get3A_148, %get3A_149, %get3A_150] : memref<8x256x128xf32, #tpu.memory_space<vmem>>, vector<1x256x128xf32>
    %get3A_152 = vector.shape_cast %get3A_151 : vector<1x256x128xf32> to vector<256x128xf32>
    %dot_general3A_153 = arith.constant dense<0.000000e+00> : vector<1000x128xf32>
    %dot_general3A_154 = tpu.matmul %concatenate3A, %get3A_152, %dot_general3A_153 {dimension_numbers = #tpu.dot_dimension_numbers<[1], [0], [0], [1], [0, 0, 1, 1], [], []>, transpose_lhs_hint = false} : vector<1000x256xf32>, vector<256x128xf32>, vector<1000x128xf32> -> vector<1000x128xf32>
    %get3A_155 = arith.constant 3 : index
    %get3A_156 = arith.constant 0 : index
    %get3A_157 = vector.load %arg7[%get3A_155, %get3A_156] : memref<8x128xf32, #tpu.memory_space<vmem>>, vector<1x128xf32>
    %get3A_158 = vector.shape_cast %get3A_157 : vector<1x128xf32> to vector<128xf32>
    %broadcast_in_dim3A_159 = vector.shape_cast %get3A_158 : vector<128xf32> to vector<1x128xf32>
    %add3A_160 = vector.broadcast %broadcast_in_dim3A_159 : vector<1x128xf32> to vector<1000x128xf32>
    %add3A_161 = arith.addf %dot_general3A_154, %add3A_160 : vector<1000x128xf32>
    %max3A_162 = arith.constant 0.000000e+00 : f32
    %max3A_163 = vector.broadcast %max3A_162 : f32 to vector<1000x128xf32>
    %max3A_164 = arith.maximumf %add3A_161, %max3A_163 : vector<1000x128xf32>
    %get3A_165 = arith.constant 3 : index
    %get3A_166 = arith.constant 0 : index
    %get3A_167 = arith.constant 0 : index
    %get3A_168 = vector.load %arg8[%get3A_165, %get3A_166, %get3A_167] : memref<8x128x128xf32, #tpu.memory_space<vmem>>, vector<1x128x128xf32>
    %get3A_169 = vector.shape_cast %get3A_168 : vector<1x128x128xf32> to vector<128x128xf32>
    %dot_general3A_170 = arith.constant dense<0.000000e+00> : vector<1000x128xf32>
    %dot_general3A_171 = tpu.matmul %max3A_164, %get3A_169, %dot_general3A_170 {dimension_numbers = #tpu.dot_dimension_numbers<[1], [0], [0], [1], [0, 0, 1, 1], [], []>, transpose_lhs_hint = false} : vector<1000x128xf32>, vector<128x128xf32>, vector<1000x128xf32> -> vector<1000x128xf32>
    %get3A_172 = arith.constant 3 : index
    %get3A_173 = arith.constant 0 : index
    %get3A_174 = vector.load %arg9[%get3A_172, %get3A_173] : memref<8x128xf32, #tpu.memory_space<vmem>>, vector<1x128xf32>
    %get3A_175 = vector.shape_cast %get3A_174 : vector<1x128xf32> to vector<128xf32>
    %broadcast_in_dim3A_176 = vector.shape_cast %get3A_175 : vector<128xf32> to vector<1x128xf32>
    %add3A_177 = vector.broadcast %broadcast_in_dim3A_176 : vector<1x128xf32> to vector<1000x128xf32>
    %add3A_178 = arith.addf %dot_general3A_171, %add3A_177 : vector<1000x128xf32>
    %slice3A_179 = vector.extract_strided_slice %div3A_41 {offsets = [0, 3], sizes = [1000, 1], strides = [1, 1]} : vector<1000x8xf32> to vector<1000x1xf32>
    %mul3A_180 = vector.broadcast %slice3A_179 : vector<1000x1xf32> to vector<1000x128xf32>
    %mul3A_181 = arith.mulf %mul3A_180, %add3A_178 : vector<1000x128xf32>
    %add3A_182 = arith.addf %add3A_147, %mul3A_181 : vector<1000x128xf32>
    %get3A_183 = arith.constant 4 : index
    %get3A_184 = arith.constant 0 : index
    %get3A_185 = arith.constant 0 : index
    %get3A_186 = vector.load %arg6[%get3A_183, %get3A_184, %get3A_185] : memref<8x256x128xf32, #tpu.memory_space<vmem>>, vector<1x256x128xf32>
    %get3A_187 = vector.shape_cast %get3A_186 : vector<1x256x128xf32> to vector<256x128xf32>
    %dot_general3A_188 = arith.constant dense<0.000000e+00> : vector<1000x128xf32>
    %dot_general3A_189 = tpu.matmul %concatenate3A, %get3A_187, %dot_general3A_188 {dimension_numbers = #tpu.dot_dimension_numbers<[1], [0], [0], [1], [0, 0, 1, 1], [], []>, transpose_lhs_hint = false} : vector<1000x256xf32>, vector<256x128xf32>, vector<1000x128xf32> -> vector<1000x128xf32>
    %get3A_190 = arith.constant 4 : index
    %get3A_191 = arith.constant 0 : index
    %get3A_192 = vector.load %arg7[%get3A_190, %get3A_191] : memref<8x128xf32, #tpu.memory_space<vmem>>, vector<1x128xf32>
    %get3A_193 = vector.shape_cast %get3A_192 : vector<1x128xf32> to vector<128xf32>
    %broadcast_in_dim3A_194 = vector.shape_cast %get3A_193 : vector<128xf32> to vector<1x128xf32>
    %add3A_195 = vector.broadcast %broadcast_in_dim3A_194 : vector<1x128xf32> to vector<1000x128xf32>
    %add3A_196 = arith.addf %dot_general3A_189, %add3A_195 : vector<1000x128xf32>
    %max3A_197 = arith.constant 0.000000e+00 : f32
    %max3A_198 = vector.broadcast %max3A_197 : f32 to vector<1000x128xf32>
    %max3A_199 = arith.maximumf %add3A_196, %max3A_198 : vector<1000x128xf32>
    %get3A_200 = arith.constant 4 : index
    %get3A_201 = arith.constant 0 : index
    %get3A_202 = arith.constant 0 : index
    %get3A_203 = vector.load %arg8[%get3A_200, %get3A_201, %get3A_202] : memref<8x128x128xf32, #tpu.memory_space<vmem>>, vector<1x128x128xf32>
    %get3A_204 = vector.shape_cast %get3A_203 : vector<1x128x128xf32> to vector<128x128xf32>
    %dot_general3A_205 = arith.constant dense<0.000000e+00> : vector<1000x128xf32>
    %dot_general3A_206 = tpu.matmul %max3A_199, %get3A_204, %dot_general3A_205 {dimension_numbers = #tpu.dot_dimension_numbers<[1], [0], [0], [1], [0, 0, 1, 1], [], []>, transpose_lhs_hint = false} : vector<1000x128xf32>, vector<128x128xf32>, vector<1000x128xf32> -> vector<1000x128xf32>
    %get3A_207 = arith.constant 4 : index
    %get3A_208 = arith.constant 0 : index
    %get3A_209 = vector.load %arg9[%get3A_207, %get3A_208] : memref<8x128xf32, #tpu.memory_space<vmem>>, vector<1x128xf32>
    %get3A_210 = vector.shape_cast %get3A_209 : vector<1x128xf32> to vector<128xf32>
    %broadcast_in_dim3A_211 = vector.shape_cast %get3A_210 : vector<128xf32> to vector<1x128xf32>
    %add3A_212 = vector.broadcast %broadcast_in_dim3A_211 : vector<1x128xf32> to vector<1000x128xf32>
    %add3A_213 = arith.addf %dot_general3A_206, %add3A_212 : vector<1000x128xf32>
    %slice3A_214 = vector.extract_strided_slice %div3A_41 {offsets = [0, 4], sizes = [1000, 1], strides = [1, 1]} : vector<1000x8xf32> to vector<1000x1xf32>
    %mul3A_215 = vector.broadcast %slice3A_214 : vector<1000x1xf32> to vector<1000x128xf32>
    %mul3A_216 = arith.mulf %mul3A_215, %add3A_213 : vector<1000x128xf32>
    %add3A_217 = arith.addf %add3A_182, %mul3A_216 : vector<1000x128xf32>
    %get3A_218 = arith.constant 5 : index
    %get3A_219 = arith.constant 0 : index
    %get3A_220 = arith.constant 0 : index
    %get3A_221 = vector.load %arg6[%get3A_218, %get3A_219, %get3A_220] : memref<8x256x128xf32, #tpu.memory_space<vmem>>, vector<1x256x128xf32>
    %get3A_222 = vector.shape_cast %get3A_221 : vector<1x256x128xf32> to vector<256x128xf32>
    %dot_general3A_223 = arith.constant dense<0.000000e+00> : vector<1000x128xf32>
    %dot_general3A_224 = tpu.matmul %concatenate3A, %get3A_222, %dot_general3A_223 {dimension_numbers = #tpu.dot_dimension_numbers<[1], [0], [0], [1], [0, 0, 1, 1], [], []>, transpose_lhs_hint = false} : vector<1000x256xf32>, vector<256x128xf32>, vector<1000x128xf32> -> vector<1000x128xf32>
    %get3A_225 = arith.constant 5 : index
    %get3A_226 = arith.constant 0 : index
    %get3A_227 = vector.load %arg7[%get3A_225, %get3A_226] : memref<8x128xf32, #tpu.memory_space<vmem>>, vector<1x128xf32>
    %get3A_228 = vector.shape_cast %get3A_227 : vector<1x128xf32> to vector<128xf32>
    %broadcast_in_dim3A_229 = vector.shape_cast %get3A_228 : vector<128xf32> to vector<1x128xf32>
    %add3A_230 = vector.broadcast %broadcast_in_dim3A_229 : vector<1x128xf32> to vector<1000x128xf32>
    %add3A_231 = arith.addf %dot_general3A_224, %add3A_230 : vector<1000x128xf32>
    %max3A_232 = arith.constant 0.000000e+00 : f32
    %max3A_233 = vector.broadcast %max3A_232 : f32 to vector<1000x128xf32>
    %max3A_234 = arith.maximumf %add3A_231, %max3A_233 : vector<1000x128xf32>
    %get3A_235 = arith.constant 5 : index
    %get3A_236 = arith.constant 0 : index
    %get3A_237 = arith.constant 0 : index
    %get3A_238 = vector.load %arg8[%get3A_235, %get3A_236, %get3A_237] : memref<8x128x128xf32, #tpu.memory_space<vmem>>, vector<1x128x128xf32>
    %get3A_239 = vector.shape_cast %get3A_238 : vector<1x128x128xf32> to vector<128x128xf32>
    %dot_general3A_240 = arith.constant dense<0.000000e+00> : vector<1000x128xf32>
    %dot_general3A_241 = tpu.matmul %max3A_234, %get3A_239, %dot_general3A_240 {dimension_numbers = #tpu.dot_dimension_numbers<[1], [0], [0], [1], [0, 0, 1, 1], [], []>, transpose_lhs_hint = false} : vector<1000x128xf32>, vector<128x128xf32>, vector<1000x128xf32> -> vector<1000x128xf32>
    %get3A_242 = arith.constant 5 : index
    %get3A_243 = arith.constant 0 : index
    %get3A_244 = vector.load %arg9[%get3A_242, %get3A_243] : memref<8x128xf32, #tpu.memory_space<vmem>>, vector<1x128xf32>
    %get3A_245 = vector.shape_cast %get3A_244 : vector<1x128xf32> to vector<128xf32>
    %broadcast_in_dim3A_246 = vector.shape_cast %get3A_245 : vector<128xf32> to vector<1x128xf32>
    %add3A_247 = vector.broadcast %broadcast_in_dim3A_246 : vector<1x128xf32> to vector<1000x128xf32>
    %add3A_248 = arith.addf %dot_general3A_241, %add3A_247 : vector<1000x128xf32>
    %slice3A_249 = vector.extract_strided_slice %div3A_41 {offsets = [0, 5], sizes = [1000, 1], strides = [1, 1]} : vector<1000x8xf32> to vector<1000x1xf32>
    %mul3A_250 = vector.broadcast %slice3A_249 : vector<1000x1xf32> to vector<1000x128xf32>
    %mul3A_251 = arith.mulf %mul3A_250, %add3A_248 : vector<1000x128xf32>
    %add3A_252 = arith.addf %add3A_217, %mul3A_251 : vector<1000x128xf32>
    %get3A_253 = arith.constant 6 : index
    %get3A_254 = arith.constant 0 : index
    %get3A_255 = arith.constant 0 : index
    %get3A_256 = vector.load %arg6[%get3A_253, %get3A_254, %get3A_255] : memref<8x256x128xf32, #tpu.memory_space<vmem>>, vector<1x256x128xf32>
    %get3A_257 = vector.shape_cast %get3A_256 : vector<1x256x128xf32> to vector<256x128xf32>
    %dot_general3A_258 = arith.constant dense<0.000000e+00> : vector<1000x128xf32>
    %dot_general3A_259 = tpu.matmul %concatenate3A, %get3A_257, %dot_general3A_258 {dimension_numbers = #tpu.dot_dimension_numbers<[1], [0], [0], [1], [0, 0, 1, 1], [], []>, transpose_lhs_hint = false} : vector<1000x256xf32>, vector<256x128xf32>, vector<1000x128xf32> -> vector<1000x128xf32>
    %get3A_260 = arith.constant 6 : index
    %get3A_261 = arith.constant 0 : index
    %get3A_262 = vector.load %arg7[%get3A_260, %get3A_261] : memref<8x128xf32, #tpu.memory_space<vmem>>, vector<1x128xf32>
    %get3A_263 = vector.shape_cast %get3A_262 : vector<1x128xf32> to vector<128xf32>
    %broadcast_in_dim3A_264 = vector.shape_cast %get3A_263 : vector<128xf32> to vector<1x128xf32>
    %add3A_265 = vector.broadcast %broadcast_in_dim3A_264 : vector<1x128xf32> to vector<1000x128xf32>
    %add3A_266 = arith.addf %dot_general3A_259, %add3A_265 : vector<1000x128xf32>
    %max3A_267 = arith.constant 0.000000e+00 : f32
    %max3A_268 = vector.broadcast %max3A_267 : f32 to vector<1000x128xf32>
    %max3A_269 = arith.maximumf %add3A_266, %max3A_268 : vector<1000x128xf32>
    %get3A_270 = arith.constant 6 : index
    %get3A_271 = arith.constant 0 : index
    %get3A_272 = arith.constant 0 : index
    %get3A_273 = vector.load %arg8[%get3A_270, %get3A_271, %get3A_272] : memref<8x128x128xf32, #tpu.memory_space<vmem>>, vector<1x128x128xf32>
    %get3A_274 = vector.shape_cast %get3A_273 : vector<1x128x128xf32> to vector<128x128xf32>
    %dot_general3A_275 = arith.constant dense<0.000000e+00> : vector<1000x128xf32>
    %dot_general3A_276 = tpu.matmul %max3A_269, %get3A_274, %dot_general3A_275 {dimension_numbers = #tpu.dot_dimension_numbers<[1], [0], [0], [1], [0, 0, 1, 1], [], []>, transpose_lhs_hint = false} : vector<1000x128xf32>, vector<128x128xf32>, vector<1000x128xf32> -> vector<1000x128xf32>
    %get3A_277 = arith.constant 6 : index
    %get3A_278 = arith.constant 0 : index
    %get3A_279 = vector.load %arg9[%get3A_277, %get3A_278] : memref<8x128xf32, #tpu.memory_space<vmem>>, vector<1x128xf32>
    %get3A_280 = vector.shape_cast %get3A_279 : vector<1x128xf32> to vector<128xf32>
    %broadcast_in_dim3A_281 = vector.shape_cast %get3A_280 : vector<128xf32> to vector<1x128xf32>
    %add3A_282 = vector.broadcast %broadcast_in_dim3A_281 : vector<1x128xf32> to vector<1000x128xf32>
    %add3A_283 = arith.addf %dot_general3A_276, %add3A_282 : vector<1000x128xf32>
    %slice3A_284 = vector.extract_strided_slice %div3A_41 {offsets = [0, 6], sizes = [1000, 1], strides = [1, 1]} : vector<1000x8xf32> to vector<1000x1xf32>
    %mul3A_285 = vector.broadcast %slice3A_284 : vector<1000x1xf32> to vector<1000x128xf32>
    %mul3A_286 = arith.mulf %mul3A_285, %add3A_283 : vector<1000x128xf32>
    %add3A_287 = arith.addf %add3A_252, %mul3A_286 : vector<1000x128xf32>
    %get3A_288 = arith.constant 7 : index
    %get3A_289 = arith.constant 0 : index
    %get3A_290 = arith.constant 0 : index
    %get3A_291 = vector.load %arg6[%get3A_288, %get3A_289, %get3A_290] : memref<8x256x128xf32, #tpu.memory_space<vmem>>, vector<1x256x128xf32>
    %get3A_292 = vector.shape_cast %get3A_291 : vector<1x256x128xf32> to vector<256x128xf32>
    %dot_general3A_293 = arith.constant dense<0.000000e+00> : vector<1000x128xf32>
    %dot_general3A_294 = tpu.matmul %concatenate3A, %get3A_292, %dot_general3A_293 {dimension_numbers = #tpu.dot_dimension_numbers<[1], [0], [0], [1], [0, 0, 1, 1], [], []>, transpose_lhs_hint = false} : vector<1000x256xf32>, vector<256x128xf32>, vector<1000x128xf32> -> vector<1000x128xf32>
    %get3A_295 = arith.constant 7 : index
    %get3A_296 = arith.constant 0 : index
    %get3A_297 = vector.load %arg7[%get3A_295, %get3A_296] : memref<8x128xf32, #tpu.memory_space<vmem>>, vector<1x128xf32>
    %get3A_298 = vector.shape_cast %get3A_297 : vector<1x128xf32> to vector<128xf32>
    %broadcast_in_dim3A_299 = vector.shape_cast %get3A_298 : vector<128xf32> to vector<1x128xf32>
    %add3A_300 = vector.broadcast %broadcast_in_dim3A_299 : vector<1x128xf32> to vector<1000x128xf32>
    %add3A_301 = arith.addf %dot_general3A_294, %add3A_300 : vector<1000x128xf32>
    %max3A_302 = arith.constant 0.000000e+00 : f32
    %max3A_303 = vector.broadcast %max3A_302 : f32 to vector<1000x128xf32>
    %max3A_304 = arith.maximumf %add3A_301, %max3A_303 : vector<1000x128xf32>
    %get3A_305 = arith.constant 7 : index
    %get3A_306 = arith.constant 0 : index
    %get3A_307 = arith.constant 0 : index
    %get3A_308 = vector.load %arg8[%get3A_305, %get3A_306, %get3A_307] : memref<8x128x128xf32, #tpu.memory_space<vmem>>, vector<1x128x128xf32>
    %get3A_309 = vector.shape_cast %get3A_308 : vector<1x128x128xf32> to vector<128x128xf32>
    %dot_general3A_310 = arith.constant dense<0.000000e+00> : vector<1000x128xf32>
    %dot_general3A_311 = tpu.matmul %max3A_304, %get3A_309, %dot_general3A_310 {dimension_numbers = #tpu.dot_dimension_numbers<[1], [0], [0], [1], [0, 0, 1, 1], [], []>, transpose_lhs_hint = false} : vector<1000x128xf32>, vector<128x128xf32>, vector<1000x128xf32> -> vector<1000x128xf32>
    %get3A_312 = arith.constant 7 : index
    %get3A_313 = arith.constant 0 : index
    %get3A_314 = vector.load %arg9[%get3A_312, %get3A_313] : memref<8x128xf32, #tpu.memory_space<vmem>>, vector<1x128xf32>
    %get3A_315 = vector.shape_cast %get3A_314 : vector<1x128xf32> to vector<128xf32>
    %broadcast_in_dim3A_316 = vector.shape_cast %get3A_315 : vector<128xf32> to vector<1x128xf32>
    %add3A_317 = vector.broadcast %broadcast_in_dim3A_316 : vector<1x128xf32> to vector<1000x128xf32>
    %add3A_318 = arith.addf %dot_general3A_311, %add3A_317 : vector<1000x128xf32>
    %slice3A_319 = vector.extract_strided_slice %div3A_41 {offsets = [0, 7], sizes = [1000, 1], strides = [1, 1]} : vector<1000x8xf32> to vector<1000x1xf32>
    %mul3A_320 = vector.broadcast %slice3A_319 : vector<1000x1xf32> to vector<1000x128xf32>
    %mul3A_321 = arith.mulf %mul3A_320, %add3A_318 : vector<1000x128xf32>
    %add3A_322 = arith.addf %add3A_287, %mul3A_321 : vector<1000x128xf32>
    %max3A_323 = arith.constant 0.000000e+00 : f32
    %max3A_324 = vector.broadcast %max3A_323 : f32 to vector<1000x128xf32>
    %max3A_325 = arith.maximumf %add3A_322, %max3A_324 : vector<1000x128xf32>
    %swap3A = arith.constant 0 : index
    %swap3A_326 = arith.constant 0 : index
    %swap3A_327 = vector.load %arg10[%swap3A, %swap3A_326] : memref<1000x128xf32, #tpu.memory_space<vmem>>, vector<1000x128xf32>
    tpu.vector_store %arg10[%swap3A, %swap3A_326], %max3A_325 {strides = array<i32>} : memref<1000x128xf32, #tpu.memory_space<vmem>>, vector<1000x128xf32>,
    return
  }
  func.func @transform_0(%arg0: i32) -> (i32, i32) {
    %c0_i32 = arith.constant 0 : i32
    %c0_i32_0 = arith.constant 0 : i32
    return %arg0, %c0_i32 : i32, i32
  }
  func.func @transform_1(%arg0: i32) -> (i32, i32, i32) {
    %c0_i32 = arith.constant 0 : i32
    %c0_i32_0 = arith.constant 0 : i32
    %c0_i32_1 = arith.constant 0 : i32
    return %c0_i32, %arg0, %c0_i32_0 : i32, i32, i32
  }
  func.func @transform_2(%arg0: i32) -> (i32, i32, i32) {
    %c0_i32 = arith.constant 0 : i32
    %c0_i32_0 = arith.constant 0 : i32
    %c0_i32_1 = arith.constant 0 : i32
    return %c0_i32, %arg0, %c0_i32_0 : i32, i32, i32
  }
  func.func @transform_3(%arg0: i32) -> (i32, i32) {
    %c0_i32 = arith.constant 0 : i32
    %c0_i32_0 = arith.constant 0 : i32
    return %arg0, %c0_i32 : i32, i32
  }
  func.func @transform_4(%arg0: i32) -> (i32, i32) {
    %c0_i32 = arith.constant 0 : i32
    %c0_i32_0 = arith.constant 0 : i32
    %c0_i32_1 = arith.constant 0 : i32
    return %c0_i32, %c0_i32_0 : i32, i32
  }
  func.func @transform_5(%arg0: i32) -> (i32, i32, i32) {
    %c0_i32 = arith.constant 0 : i32
    %c0_i32_0 = arith.constant 0 : i32
    %c0_i32_1 = arith.constant 0 : i32
    %c0_i32_2 = arith.constant 0 : i32
    return %c0_i32, %c0_i32_0, %c0_i32_1 : i32, i32, i32
  }
  func.func @transform_6(%arg0: i32) -> (i32, i32) {
    %c0_i32 = arith.constant 0 : i32
    %c0_i32_0 = arith.constant 0 : i32
    %c0_i32_1 = arith.constant 0 : i32
    return %c0_i32, %c0_i32_0 : i32, i32
  }
  func.func @transform_7(%arg0: i32) -> (i32, i32, i32) {
    %c0_i32 = arith.constant 0 : i32
    %c0_i32_0 = arith.constant 0 : i32
    %c0_i32_1 = arith.constant 0 : i32
    %c0_i32_2 = arith.constant 0 : i32
    return %c0_i32, %c0_i32_0, %c0_i32_1 : i32, i32, i32
  }
  func.func @transform_8(%arg0: i32) -> (i32, i32) {
    %c0_i32 = arith.constant 0 : i32
    %c0_i32_0 = arith.constant 0 : i32
    %c0_i32_1 = arith.constant 0 : i32
    return %c0_i32, %c0_i32_0 : i32, i32
  }
  func.func @transform_9(%arg0: i32) -> (i32, i32) {
    %c0_i32 = arith.constant 0 : i32
    %c0_i32_0 = arith.constant 0 : i32
    return %arg0, %c0_i32 : i32, i32
  }
}

module attributes {stable_mosaic.version = 14 : i64} {
  func.func @tc_body(%arg0: i32, %arg1: memref<1000x128xf32, #tpu.memory_space<vmem>>, %arg2: memref<2x1000x128xf32, #tpu.memory_space<vmem>>, %arg3: memref<2x1000x128xf32, #tpu.memory_space<vmem>>, %arg4: memref<1000x8xf32, #tpu.memory_space<vmem>>, %arg5: memref<256x8xf32, #tpu.memory_space<vmem>>, %arg6: memref<8x256x128xf32, #tpu.memory_space<vmem>>, %arg7: memref<8x128xf32, #tpu.memory_space<vmem>>, %arg8: memref<8x128x128xf32, #tpu.memory_space<vmem>>, %arg9: memref<8x128xf32, #tpu.memory_space<vmem>>, %arg10: memref<1000x128xf32, #tpu.memory_space<vmem>>) attributes {dimension_semantics = [#tpu.dimension_semantics<arbitrary>], iteration_bounds = array<i64: 10>, scalar_prefetch = 0 : i64, scratch_operands = 0 : i64, tpu.core_type = #tpu.core_type<tc>, window_params = [{transform_indices = @transform_0, window_bounds = array<i64: 1000, 128>}, {transform_indices = @transform_1, window_bounds = array<i64: 2, 1000, 128>}, {transform_indices = @transform_2, window_bounds = array<i64: 2, 1000, 128>}, {transform_indices = @transform_3, window_bounds = array<i64: 1000, 8>}, {pipeline_mode = #tpu.pipeline_mode<synchronous>, transform_indices = @transform_4, window_bounds = array<i64: 256, 8>}, {pipeline_mode = #tpu.pipeline_mode<synchronous>, transform_indices = @transform_5, window_bounds = array<i64: 8, 256, 128>}, {pipeline_mode = #tpu.pipeline_mode<synchronous>, transform_indices = @transform_6, window_bounds = array<i64: 8, 128>}, {pipeline_mode = #tpu.pipeline_mode<synchronous>, transform_indices = @transform_7, window_bounds = array<i64: 8, 128, 128>}, {pipeline_mode = #tpu.pipeline_mode<synchronous>, transform_indices = @transform_8, window_bounds = array<i64: 8, 128>}, {transform_indices = @transform_9, window_bounds = array<i64: 1000, 128>}]} {
    %get3A = arith.constant 0 : index
    %get3A_0 = arith.constant 0 : index
    %get3A_1 = arith.constant 0 : index
    %get3A_2 = vector.load %arg3[%get3A, %get3A_0, %get3A_1] : memref<2x1000x128xf32, #tpu.memory_space<vmem>>, vector<1x1000x1xf32>
    %get3A_3 = vector.shape_cast %get3A_2 : vector<1x1000x1xf32> to vector<1000x1xf32>
    %get3A_4 = arith.constant 1 : index
    %get3A_5 = arith.constant 0 : index
    %get3A_6 = arith.constant 0 : index
    %get3A_7 = vector.load %arg3[%get3A_4, %get3A_5, %get3A_6] : memref<2x1000x128xf32, #tpu.memory_space<vmem>>, vector<1x1000x1xf32>
    %get3A_8 = vector.shape_cast %get3A_7 : vector<1x1000x1xf32> to vector<1000x1xf32>
    %add3A = arith.addf %get3A_3, %get3A_8 : vector<1000x1xf32>
    %max3A = arith.constant 1.000000e+00 : f32
    %max3A_9 = vector.broadcast %max3A : f32 to vector<1000x1xf32>
    %max3A_10 = arith.maximumf %add3A, %max3A_9 : vector<1000x1xf32>
    %get3A_11 = arith.constant 0 : index
    %get3A_12 = arith.constant 0 : index
    %get3A_13 = arith.constant 0 : index
    %get3A_14 = vector.load %arg2[%get3A_11, %get3A_12, %get3A_13] : memref<2x1000x128xf32, #tpu.memory_space<vmem>>, vector<1x1000x128xf32>
    %get3A_15 = vector.shape_cast %get3A_14 : vector<1x1000x128xf32> to vector<1000x128xf32>
    %get3A_16 = arith.constant 1 : index
    %get3A_17 = arith.constant 0 : index
    %get3A_18 = arith.constant 0 : index
    %get3A_19 = vector.load %arg2[%get3A_16, %get3A_17, %get3A_18] : memref<2x1000x128xf32, #tpu.memory_space<vmem>>, vector<1x1000x128xf32>
    %get3A_20 = vector.shape_cast %get3A_19 : vector<1x1000x128xf32> to vector<1000x128xf32>
    %add3A_21 = arith.addf %get3A_15, %get3A_20 : vector<1000x128xf32>
    %div3A = vector.broadcast %max3A_10 : vector<1000x1xf32> to vector<1000x128xf32>
    %div3A_22 = arith.divf %add3A_21, %div3A : vector<1000x128xf32>
    %get3A_23 = arith.constant 0 : index
    %get3A_24 = arith.constant 0 : index
    %get3A_25 = vector.load %arg1[%get3A_23, %get3A_24] : memref<1000x128xf32, #tpu.memory_space<vmem>>, vector<1000x128xf32>
    %concatenate3A = tpu.concatenate %get3A_25, %div3A_22 in 1 : vector<1000x128xf32>, vector<1000x128xf32> -> vector<1000x256xf32>
    %get3A_26 = arith.constant 0 : index
    %get3A_27 = arith.constant 0 : index
    %get3A_28 = vector.load %arg5[%get3A_26, %get3A_27] : memref<256x8xf32, #tpu.memory_space<vmem>>, vector<256x8xf32>
    %dot_general3A = arith.constant dense<0.000000e+00> : vector<1000x8xf32>
    %dot_general3A_29 = tpu.matmul %concatenate3A, %get3A_28, %dot_general3A {dimension_numbers = #tpu.dot_dimension_numbers<[1], [0], [0], [1], [0, 0, 1, 1], [], []>, transpose_lhs_hint = false} : vector<1000x256xf32>, vector<256x8xf32>, vector<1000x8xf32> -> vector<1000x8xf32>
    %get3A_30 = arith.constant 0 : index
    %get3A_31 = arith.constant 0 : index
    %get3A_32 = vector.load %arg4[%get3A_30, %get3A_31] : memref<1000x8xf32, #tpu.memory_space<vmem>>, vector<1000x8xf32>
    %add3A_33 = arith.addf %dot_general3A_29, %get3A_32 : vector<1000x8xf32>
    %mul3A = arith.constant 1.250000e+00 : f32
    %mul3A_34 = vector.broadcast %mul3A : f32 to vector<1000x8xf32>
    %mul3A_35 = arith.mulf %add3A_33, %mul3A_34 : vector<1000x8xf32>
    %reduce_max3A = arith.constant dense<0xFF800000> : vector<1000xf32>
    %reduce_max3A_36 = vector.multi_reduction <maximumf>, %mul3A_35, %reduce_max3A [1] : vector<1000x8xf32> to vector<1000xf32>
    %broadcast_in_dim3A = vector.shape_cast %reduce_max3A_36 : vector<1000xf32> to vector<1000x1xf32>
    %sub3A = vector.broadcast %broadcast_in_dim3A : vector<1000x1xf32> to vector<1000x8xf32>
    %sub3A_37 = arith.subf %mul3A_35, %sub3A : vector<1000x8xf32>
    %exp3A = math.exp %sub3A_37 : vector<1000x8xf32>
    %reduce_sum3A = arith.constant dense<0.000000e+00> : vector<1000xf32>
    %reduce_sum3A_38 = vector.multi_reduction <add>, %exp3A, %reduce_sum3A [1] : vector<1000x8xf32> to vector<1000xf32>
    %broadcast_in_dim3A_39 = vector.shape_cast %reduce_sum3A_38 : vector<1000xf32> to vector<1000x1xf32>
    %div3A_40 = vector.broadcast %broadcast_in_dim3A_39 : vector<1000x1xf32> to vector<1000x8xf32>
    %div3A_41 = arith.divf %exp3A, %div3A_40 : vector<1000x8xf32>
    %broadcast_in_dim3A_42 = arith.constant 0.000000e+00 : f32
    %broadcast_in_dim3A_43 = vector.broadcast %broadcast_in_dim3A_42 : f32 to vector<1000x128xf32>
    %get3A_44 = arith.constant 0 : index
    %get3A_45 = arith.constant 0 : index
    %get3A_46 = arith.constant 0 : index
    %get3A_47 = vector.load %arg6[%get3A_44, %get3A_45, %get3A_46] : memref<8x256x128xf32, #tpu.memory_space<vmem>>, vector<1x256x128xf32>
    %get3A_48 = vector.shape_cast %get3A_47 : vector<1x256x128xf32> to vector<256x128xf32>
    %dot_general3A_49 = arith.constant dense<0.000000e+00> : vector<1000x128xf32>
    %dot_general3A_50 = tpu.matmul %concatenate3A, %get3A_48, %dot_general3A_49 {dimension_numbers = #tpu.dot_dimension_numbers<[1], [0], [0], [1], [0, 0, 1, 1], [], []>, transpose_lhs_hint = false} : vector<1000x256xf32>, vector<256x128xf32>, vector<1000x128xf32> -> vector<1000x128xf32>
    %get3A_51 = arith.constant 0 : index
    %get3A_52 = arith.constant 0 : index
    %get3A_53 = vector.load %arg7[%get3A_51, %get3A_52] : memref<8x128xf32, #tpu.memory_space<vmem>>, vector<1x128xf32>
    %get3A_54 = vector.shape_cast %get3A_53 : vector<1x128xf32> to vector<128xf32>
    %broadcast_in_dim3A_55 = vector.shape_cast %get3A_54 : vector<128xf32> to vector<1x128xf32>
    %add3A_56 = vector.broadcast %broadcast_in_dim3A_55 : vector<1x128xf32> to vector<1000x128xf32>
    %add3A_57 = arith.addf %dot_general3A_50, %add3A_56 : vector<1000x128xf32>
    %max3A_58 = arith.constant 0.000000e+00 : f32
    %max3A_59 = vector.broadcast %max3A_58 : f32 to vector<1000x128xf32>
    %max3A_60 = arith.maximumf %add3A_57, %max3A_59 : vector<1000x128xf32>
    %get3A_61 = arith.constant 0 : index
    %get3A_62 = arith.constant 0 : index
    %get3A_63 = arith.constant 0 : index
    %get3A_64 = vector.load %arg8[%get3A_61, %get3A_62, %get3A_63] : memref<8x128x128xf32, #tpu.memory_space<vmem>>, vector<1x128x128xf32>
    %get3A_65 = vector.shape_cast %get3A_64 : vector<1x128x128xf32> to vector<128x128xf32>
    %dot_general3A_66 = arith.constant dense<0.000000e+00> : vector<1000x128xf32>
    %dot_general3A_67 = tpu.matmul %max3A_60, %get3A_65, %dot_general3A_66 {dimension_numbers = #tpu.dot_dimension_numbers<[1], [0], [0], [1], [0, 0, 1, 1], [], []>, transpose_lhs_hint = false} : vector<1000x128xf32>, vector<128x128xf32>, vector<1000x128xf32> -> vector<1000x128xf32>
    %get3A_68 = arith.constant 0 : index
    %get3A_69 = arith.constant 0 : index
    %get3A_70 = vector.load %arg9[%get3A_68, %get3A_69] : memref<8x128xf32, #tpu.memory_space<vmem>>, vector<1x128xf32>
    %get3A_71 = vector.shape_cast %get3A_70 : vector<1x128xf32> to vector<128xf32>
    %broadcast_in_dim3A_72 = vector.shape_cast %get3A_71 : vector<128xf32> to vector<1x128xf32>
    %add3A_73 = vector.broadcast %broadcast_in_dim3A_72 : vector<1x128xf32> to vector<1000x128xf32>
    %add3A_74 = arith.addf %dot_general3A_67, %add3A_73 : vector<1000x128xf32>
    %slice3A = vector.extract_strided_slice %div3A_41 {offsets = [0, 0], sizes = [1000, 1], strides = [1, 1]} : vector<1000x8xf32> to vector<1000x1xf32>
    %mul3A_75 = vector.broadcast %slice3A : vector<1000x1xf32> to vector<1000x128xf32>
    %mul3A_76 = arith.mulf %mul3A_75, %add3A_74 : vector<1000x128xf32>
    %add3A_77 = arith.addf %broadcast_in_dim3A_43, %mul3A_76 : vector<1000x128xf32>
    %get3A_78 = arith.constant 1 : index
    %get3A_79 = arith.constant 0 : index
    %get3A_80 = arith.constant 0 : index
    %get3A_81 = vector.load %arg6[%get3A_78, %get3A_79, %get3A_80] : memref<8x256x128xf32, #tpu.memory_space<vmem>>, vector<1x256x128xf32>
    %get3A_82 = vector.shape_cast %get3A_81 : vector<1x256x128xf32> to vector<256x128xf32>
    %dot_general3A_83 = arith.constant dense<0.000000e+00> : vector<1000x128xf32>
    %dot_general3A_84 = tpu.matmul %concatenate3A, %get3A_82, %dot_general3A_83 {dimension_numbers = #tpu.dot_dimension_numbers<[1], [0], [0], [1], [0, 0, 1, 1], [], []>, transpose_lhs_hint = false} : vector<1000x256xf32>, vector<256x128xf32>, vector<1000x128xf32> -> vector<1000x128xf32>
    %get3A_85 = arith.constant 1 : index
    %get3A_86 = arith.constant 0 : index
    %get3A_87 = vector.load %arg7[%get3A_85, %get3A_86] : memref<8x128xf32, #tpu.memory_space<vmem>>, vector<1x128xf32>
    %get3A_88 = vector.shape_cast %get3A_87 : vector<1x128xf32> to vector<128xf32>
    %broadcast_in_dim3A_89 = vector.shape_cast %get3A_88 : vector<128xf32> to vector<1x128xf32>
    %add3A_90 = vector.broadcast %broadcast_in_dim3A_89 : vector<1x128xf32> to vector<1000x128xf32>
    %add3A_91 = arith.addf %dot_general3A_84, %add3A_90 : vector<1000x128xf32>
    %max3A_92 = arith.constant 0.000000e+00 : f32
    %max3A_93 = vector.broadcast %max3A_92 : f32 to vector<1000x128xf32>
    %max3A_94 = arith.maximumf %add3A_91, %max3A_93 : vector<1000x128xf32>
    %get3A_95 = arith.constant 1 : index
    %get3A_96 = arith.constant 0 : index
    %get3A_97 = arith.constant 0 : index
    %get3A_98 = vector.load %arg8[%get3A_95, %get3A_96, %get3A_97] : memref<8x128x128xf32, #tpu.memory_space<vmem>>, vector<1x128x128xf32>
    %get3A_99 = vector.shape_cast %get3A_98 : vector<1x128x128xf32> to vector<128x128xf32>
    %dot_general3A_100 = arith.constant dense<0.000000e+00> : vector<1000x128xf32>
    %dot_general3A_101 = tpu.matmul %max3A_94, %get3A_99, %dot_general3A_100 {dimension_numbers = #tpu.dot_dimension_numbers<[1], [0], [0], [1], [0, 0, 1, 1], [], []>, transpose_lhs_hint = false} : vector<1000x128xf32>, vector<128x128xf32>, vector<1000x128xf32> -> vector<1000x128xf32>
    %get3A_102 = arith.constant 1 : index
    %get3A_103 = arith.constant 0 : index
    %get3A_104 = vector.load %arg9[%get3A_102, %get3A_103] : memref<8x128xf32, #tpu.memory_space<vmem>>, vector<1x128xf32>
    %get3A_105 = vector.shape_cast %get3A_104 : vector<1x128xf32> to vector<128xf32>
    %broadcast_in_dim3A_106 = vector.shape_cast %get3A_105 : vector<128xf32> to vector<1x128xf32>
    %add3A_107 = vector.broadcast %broadcast_in_dim3A_106 : vector<1x128xf32> to vector<1000x128xf32>
    %add3A_108 = arith.addf %dot_general3A_101, %add3A_107 : vector<1000x128xf32>
    %slice3A_109 = vector.extract_strided_slice %div3A_41 {offsets = [0, 1], sizes = [1000, 1], strides = [1, 1]} : vector<1000x8xf32> to vector<1000x1xf32>
    %mul3A_110 = vector.broadcast %slice3A_109 : vector<1000x1xf32> to vector<1000x128xf32>
    %mul3A_111 = arith.mulf %mul3A_110, %add3A_108 : vector<1000x128xf32>
    %add3A_112 = arith.addf %add3A_77, %mul3A_111 : vector<1000x128xf32>
    %get3A_113 = arith.constant 2 : index
    %get3A_114 = arith.constant 0 : index
    %get3A_115 = arith.constant 0 : index
    %get3A_116 = vector.load %arg6[%get3A_113, %get3A_114, %get3A_115] : memref<8x256x128xf32, #tpu.memory_space<vmem>>, vector<1x256x128xf32>
    %get3A_117 = vector.shape_cast %get3A_116 : vector<1x256x128xf32> to vector<256x128xf32>
    %dot_general3A_118 = arith.constant dense<0.000000e+00> : vector<1000x128xf32>
    %dot_general3A_119 = tpu.matmul %concatenate3A, %get3A_117, %dot_general3A_118 {dimension_numbers = #tpu.dot_dimension_numbers<[1], [0], [0], [1], [0, 0, 1, 1], [], []>, transpose_lhs_hint = false} : vector<1000x256xf32>, vector<256x128xf32>, vector<1000x128xf32> -> vector<1000x128xf32>
    %get3A_120 = arith.constant 2 : index
    %get3A_121 = arith.constant 0 : index
    %get3A_122 = vector.load %arg7[%get3A_120, %get3A_121] : memref<8x128xf32, #tpu.memory_space<vmem>>, vector<1x128xf32>
    %get3A_123 = vector.shape_cast %get3A_122 : vector<1x128xf32> to vector<128xf32>
    %broadcast_in_dim3A_124 = vector.shape_cast %get3A_123 : vector<128xf32> to vector<1x128xf32>
    %add3A_125 = vector.broadcast %broadcast_in_dim3A_124 : vector<1x128xf32> to vector<1000x128xf32>
    %add3A_126 = arith.addf %dot_general3A_119, %add3A_125 : vector<1000x128xf32>
    %max3A_127 = arith.constant 0.000000e+00 : f32
    %max3A_128 = vector.broadcast %max3A_127 : f32 to vector<1000x128xf32>
    %max3A_129 = arith.maximumf %add3A_126, %max3A_128 : vector<1000x128xf32>
    %get3A_130 = arith.constant 2 : index
    %get3A_131 = arith.constant 0 : index
    %get3A_132 = arith.constant 0 : index
    %get3A_133 = vector.load %arg8[%get3A_130, %get3A_131, %get3A_132] : memref<8x128x128xf32, #tpu.memory_space<vmem>>, vector<1x128x128xf32>
    %get3A_134 = vector.shape_cast %get3A_133 : vector<1x128x128xf32> to vector<128x128xf32>
    %dot_general3A_135 = arith.constant dense<0.000000e+00> : vector<1000x128xf32>
    %dot_general3A_136 = tpu.matmul %max3A_129, %get3A_134, %dot_general3A_135 {dimension_numbers = #tpu.dot_dimension_numbers<[1], [0], [0], [1], [0, 0, 1, 1], [], []>, transpose_lhs_hint = false} : vector<1000x128xf32>, vector<128x128xf32>, vector<1000x128xf32> -> vector<1000x128xf32>
    %get3A_137 = arith.constant 2 : index
    %get3A_138 = arith.constant 0 : index
    %get3A_139 = vector.load %arg9[%get3A_137, %get3A_138] : memref<8x128xf32, #tpu.memory_space<vmem>>, vector<1x128xf32>
    %get3A_140 = vector.shape_cast %get3A_139 : vector<1x128xf32> to vector<128xf32>
    %broadcast_in_dim3A_141 = vector.shape_cast %get3A_140 : vector<128xf32> to vector<1x128xf32>
    %add3A_142 = vector.broadcast %broadcast_in_dim3A_141 : vector<1x128xf32> to vector<1000x128xf32>
    %add3A_143 = arith.addf %dot_general3A_136, %add3A_142 : vector<1000x128xf32>
    %slice3A_144 = vector.extract_strided_slice %div3A_41 {offsets = [0, 2], sizes = [1000, 1], strides = [1, 1]} : vector<1000x8xf32> to vector<1000x1xf32>
    %mul3A_145 = vector.broadcast %slice3A_144 : vector<1000x1xf32> to vector<1000x128xf32>
    %mul3A_146 = arith.mulf %mul3A_145, %add3A_143 : vector<1000x128xf32>
    %add3A_147 = arith.addf %add3A_112, %mul3A_146 : vector<1000x128xf32>
    %get3A_148 = arith.constant 3 : index
    %get3A_149 = arith.constant 0 : index
    %get3A_150 = arith.constant 0 : index
    %get3A_151 = vector.load %arg6[%get3A_148, %get3A_149, %get3A_150] : memref<8x256x128xf32, #tpu.memory_space<vmem>>, vector<1x256x128xf32>
    %get3A_152 = vector.shape_cast %get3A_151 : vector<1x256x128xf32> to vector<256x128xf32>
    %dot_general3A_153 = arith.constant dense<0.000000e+00> : vector<1000x128xf32>
    %dot_general3A_154 = tpu.matmul %concatenate3A, %get3A_152, %dot_general3A_153 {dimension_numbers = #tpu.dot_dimension_numbers<[1], [0], [0], [1], [0, 0, 1, 1], [], []>, transpose_lhs_hint = false} : vector<1000x256xf32>, vector<256x128xf32>, vector<1000x128xf32> -> vector<1000x128xf32>
    %get3A_155 = arith.constant 3 : index
    %get3A_156 = arith.constant 0 : index
    %get3A_157 = vector.load %arg7[%get3A_155, %get3A_156] : memref<8x128xf32, #tpu.memory_space<vmem>>, vector<1x128xf32>
    %get3A_158 = vector.shape_cast %get3A_157 : vector<1x128xf32> to vector<128xf32>
    %broadcast_in_dim3A_159 = vector.shape_cast %get3A_158 : vector<128xf32> to vector<1x128xf32>
    %add3A_160 = vector.broadcast %broadcast_in_dim3A_159 : vector<1x128xf32> to vector<1000x128xf32>
    %add3A_161 = arith.addf %dot_general3A_154, %add3A_160 : vector<1000x128xf32>
    %max3A_162 = arith.constant 0.000000e+00 : f32
    %max3A_163 = vector.broadcast %max3A_162 : f32 to vector<1000x128xf32>
    %max3A_164 = arith.maximumf %add3A_161, %max3A_163 : vector<1000x128xf32>
    %get3A_165 = arith.constant 3 : index
    %get3A_166 = arith.constant 0 : index
    %get3A_167 = arith.constant 0 : index
    %get3A_168 = vector.load %arg8[%get3A_165, %get3A_166, %get3A_167] : memref<8x128x128xf32, #tpu.memory_space<vmem>>, vector<1x128x128xf32>
    %get3A_169 = vector.shape_cast %get3A_168 : vector<1x128x128xf32> to vector<128x128xf32>
    %dot_general3A_170 = arith.constant dense<0.000000e+00> : vector<1000x128xf32>
    %dot_general3A_171 = tpu.matmul %max3A_164, %get3A_169, %dot_general3A_170 {dimension_numbers = #tpu.dot_dimension_numbers<[1], [0], [0], [1], [0, 0, 1, 1], [], []>, transpose_lhs_hint = false} : vector<1000x128xf32>, vector<128x128xf32>, vector<1000x128xf32> -> vector<1000x128xf32>
    %get3A_172 = arith.constant 3 : index
    %get3A_173 = arith.constant 0 : index
    %get3A_174 = vector.load %arg9[%get3A_172, %get3A_173] : memref<8x128xf32, #tpu.memory_space<vmem>>, vector<1x128xf32>
    %get3A_175 = vector.shape_cast %get3A_174 : vector<1x128xf32> to vector<128xf32>
    %broadcast_in_dim3A_176 = vector.shape_cast %get3A_175 : vector<128xf32> to vector<1x128xf32>
    %add3A_177 = vector.broadcast %broadcast_in_dim3A_176 : vector<1x128xf32> to vector<1000x128xf32>
    %add3A_178 = arith.addf %dot_general3A_171, %add3A_177 : vector<1000x128xf32>
    %slice3A_179 = vector.extract_strided_slice %div3A_41 {offsets = [0, 3], sizes = [1000, 1], strides = [1, 1]} : vector<1000x8xf32> to vector<1000x1xf32>
    %mul3A_180 = vector.broadcast %slice3A_179 : vector<1000x1xf32> to vector<1000x128xf32>
    %mul3A_181 = arith.mulf %mul3A_180, %add3A_178 : vector<1000x128xf32>
    %add3A_182 = arith.addf %add3A_147, %mul3A_181 : vector<1000x128xf32>
    %get3A_183 = arith.constant 4 : index
    %get3A_184 = arith.constant 0 : index
    %get3A_185 = arith.constant 0 : index
    %get3A_186 = vector.load %arg6[%get3A_183, %get3A_184, %get3A_185] : memref<8x256x128xf32, #tpu.memory_space<vmem>>, vector<1x256x128xf32>
    %get3A_187 = vector.shape_cast %get3A_186 : vector<1x256x128xf32> to vector<256x128xf32>
    %dot_general3A_188 = arith.constant dense<0.000000e+00> : vector<1000x128xf32>
    %dot_general3A_189 = tpu.matmul %concatenate3A, %get3A_187, %dot_general3A_188 {dimension_numbers = #tpu.dot_dimension_numbers<[1], [0], [0], [1], [0, 0, 1, 1], [], []>, transpose_lhs_hint = false} : vector<1000x256xf32>, vector<256x128xf32>, vector<1000x128xf32> -> vector<1000x128xf32>
    %get3A_190 = arith.constant 4 : index
    %get3A_191 = arith.constant 0 : index
    %get3A_192 = vector.load %arg7[%get3A_190, %get3A_191] : memref<8x128xf32, #tpu.memory_space<vmem>>, vector<1x128xf32>
    %get3A_193 = vector.shape_cast %get3A_192 : vector<1x128xf32> to vector<128xf32>
    %broadcast_in_dim3A_194 = vector.shape_cast %get3A_193 : vector<128xf32> to vector<1x128xf32>
    %add3A_195 = vector.broadcast %broadcast_in_dim3A_194 : vector<1x128xf32> to vector<1000x128xf32>
    %add3A_196 = arith.addf %dot_general3A_189, %add3A_195 : vector<1000x128xf32>
    %max3A_197 = arith.constant 0.000000e+00 : f32
    %max3A_198 = vector.broadcast %max3A_197 : f32 to vector<1000x128xf32>
    %max3A_199 = arith.maximumf %add3A_196, %max3A_198 : vector<1000x128xf32>
    %get3A_200 = arith.constant 4 : index
    %get3A_201 = arith.constant 0 : index
    %get3A_202 = arith.constant 0 : index
    %get3A_203 = vector.load %arg8[%get3A_200, %get3A_201, %get3A_202] : memref<8x128x128xf32, #tpu.memory_space<vmem>>, vector<1x128x128xf32>
    %get3A_204 = vector.shape_cast %get3A_203 : vector<1x128x128xf32> to vector<128x128xf32>
    %dot_general3A_205 = arith.constant dense<0.000000e+00> : vector<1000x128xf32>
    %dot_general3A_206 = tpu.matmul %max3A_199, %get3A_204, %dot_general3A_205 {dimension_numbers = #tpu.dot_dimension_numbers<[1], [0], [0], [1], [0, 0, 1, 1], [], []>, transpose_lhs_hint = false} : vector<1000x128xf32>, vector<128x128xf32>, vector<1000x128xf32> -> vector<1000x128xf32>
    %get3A_207 = arith.constant 4 : index
    %get3A_208 = arith.constant 0 : index
    %get3A_209 = vector.load %arg9[%get3A_207, %get3A_208] : memref<8x128xf32, #tpu.memory_space<vmem>>, vector<1x128xf32>
    %get3A_210 = vector.shape_cast %get3A_209 : vector<1x128xf32> to vector<128xf32>
    %broadcast_in_dim3A_211 = vector.shape_cast %get3A_210 : vector<128xf32> to vector<1x128xf32>
    %add3A_212 = vector.broadcast %broadcast_in_dim3A_211 : vector<1x128xf32> to vector<1000x128xf32>
    %add3A_213 = arith.addf %dot_general3A_206, %add3A_212 : vector<1000x128xf32>
    %slice3A_214 = vector.extract_strided_slice %div3A_41 {offsets = [0, 4], sizes = [1000, 1], strides = [1, 1]} : vector<1000x8xf32> to vector<1000x1xf32>
    %mul3A_215 = vector.broadcast %slice3A_214 : vector<1000x1xf32> to vector<1000x128xf32>
    %mul3A_216 = arith.mulf %mul3A_215, %add3A_213 : vector<1000x128xf32>
    %add3A_217 = arith.addf %add3A_182, %mul3A_216 : vector<1000x128xf32>
    %get3A_218 = arith.constant 5 : index
    %get3A_219 = arith.constant 0 : index
    %get3A_220 = arith.constant 0 : index
    %get3A_221 = vector.load %arg6[%get3A_218, %get3A_219, %get3A_220] : memref<8x256x128xf32, #tpu.memory_space<vmem>>, vector<1x256x128xf32>
    %get3A_222 = vector.shape_cast %get3A_221 : vector<1x256x128xf32> to vector<256x128xf32>
    %dot_general3A_223 = arith.constant dense<0.000000e+00> : vector<1000x128xf32>
    %dot_general3A_224 = tpu.matmul %concatenate3A, %get3A_222, %dot_general3A_223 {dimension_numbers = #tpu.dot_dimension_numbers<[1], [0], [0], [1], [0, 0, 1, 1], [], []>, transpose_lhs_hint = false} : vector<1000x256xf32>, vector<256x128xf32>, vector<1000x128xf32> -> vector<1000x128xf32>
    %get3A_225 = arith.constant 5 : index
    %get3A_226 = arith.constant 0 : index
    %get3A_227 = vector.load %arg7[%get3A_225, %get3A_226] : memref<8x128xf32, #tpu.memory_space<vmem>>, vector<1x128xf32>
    %get3A_228 = vector.shape_cast %get3A_227 : vector<1x128xf32> to vector<128xf32>
    %broadcast_in_dim3A_229 = vector.shape_cast %get3A_228 : vector<128xf32> to vector<1x128xf32>
    %add3A_230 = vector.broadcast %broadcast_in_dim3A_229 : vector<1x128xf32> to vector<1000x128xf32>
    %add3A_231 = arith.addf %dot_general3A_224, %add3A_230 : vector<1000x128xf32>
    %max3A_232 = arith.constant 0.000000e+00 : f32
    %max3A_233 = vector.broadcast %max3A_232 : f32 to vector<1000x128xf32>
    %max3A_234 = arith.maximumf %add3A_231, %max3A_233 : vector<1000x128xf32>
    %get3A_235 = arith.constant 5 : index
    %get3A_236 = arith.constant 0 : index
    %get3A_237 = arith.constant 0 : index
    %get3A_238 = vector.load %arg8[%get3A_235, %get3A_236, %get3A_237] : memref<8x128x128xf32, #tpu.memory_space<vmem>>, vector<1x128x128xf32>
    %get3A_239 = vector.shape_cast %get3A_238 : vector<1x128x128xf32> to vector<128x128xf32>
    %dot_general3A_240 = arith.constant dense<0.000000e+00> : vector<1000x128xf32>
    %dot_general3A_241 = tpu.matmul %max3A_234, %get3A_239, %dot_general3A_240 {dimension_numbers = #tpu.dot_dimension_numbers<[1], [0], [0], [1], [0, 0, 1, 1], [], []>, transpose_lhs_hint = false} : vector<1000x128xf32>, vector<128x128xf32>, vector<1000x128xf32> -> vector<1000x128xf32>
    %get3A_242 = arith.constant 5 : index
    %get3A_243 = arith.constant 0 : index
    %get3A_244 = vector.load %arg9[%get3A_242, %get3A_243] : memref<8x128xf32, #tpu.memory_space<vmem>>, vector<1x128xf32>
    %get3A_245 = vector.shape_cast %get3A_244 : vector<1x128xf32> to vector<128xf32>
    %broadcast_in_dim3A_246 = vector.shape_cast %get3A_245 : vector<128xf32> to vector<1x128xf32>
    %add3A_247 = vector.broadcast %broadcast_in_dim3A_246 : vector<1x128xf32> to vector<1000x128xf32>
    %add3A_248 = arith.addf %dot_general3A_241, %add3A_247 : vector<1000x128xf32>
    %slice3A_249 = vector.extract_strided_slice %div3A_41 {offsets = [0, 5], sizes = [1000, 1], strides = [1, 1]} : vector<1000x8xf32> to vector<1000x1xf32>
    %mul3A_250 = vector.broadcast %slice3A_249 : vector<1000x1xf32> to vector<1000x128xf32>
    %mul3A_251 = arith.mulf %mul3A_250, %add3A_248 : vector<1000x128xf32>
    %add3A_252 = arith.addf %add3A_217, %mul3A_251 : vector<1000x128xf32>
    %get3A_253 = arith.constant 6 : index
    %get3A_254 = arith.constant 0 : index
    %get3A_255 = arith.constant 0 : index
    %get3A_256 = vector.load %arg6[%get3A_253, %get3A_254, %get3A_255] : memref<8x256x128xf32, #tpu.memory_space<vmem>>, vector<1x256x128xf32>
    %get3A_257 = vector.shape_cast %get3A_256 : vector<1x256x128xf32> to vector<256x128xf32>
    %dot_general3A_258 = arith.constant dense<0.000000e+00> : vector<1000x128xf32>
    %dot_general3A_259 = tpu.matmul %concatenate3A, %get3A_257, %dot_general3A_258 {dimension_numbers = #tpu.dot_dimension_numbers<[1], [0], [0], [1], [0, 0, 1, 1], [], []>, transpose_lhs_hint = false} : vector<1000x256xf32>, vector<256x128xf32>, vector<1000x128xf32> -> vector<1000x128xf32>
    %get3A_260 = arith.constant 6 : index
    %get3A_261 = arith.constant 0 : index
    %get3A_262 = vector.load %arg7[%get3A_260, %get3A_261] : memref<8x128xf32, #tpu.memory_space<vmem>>, vector<1x128xf32>
    %get3A_263 = vector.shape_cast %get3A_262 : vector<1x128xf32> to vector<128xf32>
    %broadcast_in_dim3A_264 = vector.shape_cast %get3A_263 : vector<128xf32> to vector<1x128xf32>
    %add3A_265 = vector.broadcast %broadcast_in_dim3A_264 : vector<1x128xf32> to vector<1000x128xf32>
    %add3A_266 = arith.addf %dot_general3A_259, %add3A_265 : vector<1000x128xf32>
    %max3A_267 = arith.constant 0.000000e+00 : f32
    %max3A_268 = vector.broadcast %max3A_267 : f32 to vector<1000x128xf32>
    %max3A_269 = arith.maximumf %add3A_266, %max3A_268 : vector<1000x128xf32>
    %get3A_270 = arith.constant 6 : index
    %get3A_271 = arith.constant 0 : index
    %get3A_272 = arith.constant 0 : index
    %get3A_273 = vector.load %arg8[%get3A_270, %get3A_271, %get3A_272] : memref<8x128x128xf32, #tpu.memory_space<vmem>>, vector<1x128x128xf32>
    %get3A_274 = vector.shape_cast %get3A_273 : vector<1x128x128xf32> to vector<128x128xf32>
    %dot_general3A_275 = arith.constant dense<0.000000e+00> : vector<1000x128xf32>
    %dot_general3A_276 = tpu.matmul %max3A_269, %get3A_274, %dot_general3A_275 {dimension_numbers = #tpu.dot_dimension_numbers<[1], [0], [0], [1], [0, 0, 1, 1], [], []>, transpose_lhs_hint = false} : vector<1000x128xf32>, vector<128x128xf32>, vector<1000x128xf32> -> vector<1000x128xf32>
    %get3A_277 = arith.constant 6 : index
    %get3A_278 = arith.constant 0 : index
    %get3A_279 = vector.load %arg9[%get3A_277, %get3A_278] : memref<8x128xf32, #tpu.memory_space<vmem>>, vector<1x128xf32>
    %get3A_280 = vector.shape_cast %get3A_279 : vector<1x128xf32> to vector<128xf32>
    %broadcast_in_dim3A_281 = vector.shape_cast %get3A_280 : vector<128xf32> to vector<1x128xf32>
    %add3A_282 = vector.broadcast %broadcast_in_dim3A_281 : vector<1x128xf32> to vector<1000x128xf32>
    %add3A_283 = arith.addf %dot_general3A_276, %add3A_282 : vector<1000x128xf32>
    %slice3A_284 = vector.extract_strided_slice %div3A_41 {offsets = [0, 6], sizes = [1000, 1], strides = [1, 1]} : vector<1000x8xf32> to vector<1000x1xf32>
    %mul3A_285 = vector.broadcast %slice3A_284 : vector<1000x1xf32> to vector<1000x128xf32>
    %mul3A_286 = arith.mulf %mul3A_285, %add3A_283 : vector<1000x128xf32>
    %add3A_287 = arith.addf %add3A_252, %mul3A_286 : vector<1000x128xf32>
    %get3A_288 = arith.constant 7 : index
    %get3A_289 = arith.constant 0 : index
    %get3A_290 = arith.constant 0 : index
    %get3A_291 = vector.load %arg6[%get3A_288, %get3A_289, %get3A_290] : memref<8x256x128xf32, #tpu.memory_space<vmem>>, vector<1x256x128xf32>
    %get3A_292 = vector.shape_cast %get3A_291 : vector<1x256x128xf32> to vector<256x128xf32>
    %dot_general3A_293 = arith.constant dense<0.000000e+00> : vector<1000x128xf32>
    %dot_general3A_294 = tpu.matmul %concatenate3A, %get3A_292, %dot_general3A_293 {dimension_numbers = #tpu.dot_dimension_numbers<[1], [0], [0], [1], [0, 0, 1, 1], [], []>, transpose_lhs_hint = false} : vector<1000x256xf32>, vector<256x128xf32>, vector<1000x128xf32> -> vector<1000x128xf32>
    %get3A_295 = arith.constant 7 : index
    %get3A_296 = arith.constant 0 : index
    %get3A_297 = vector.load %arg7[%get3A_295, %get3A_296] : memref<8x128xf32, #tpu.memory_space<vmem>>, vector<1x128xf32>
    %get3A_298 = vector.shape_cast %get3A_297 : vector<1x128xf32> to vector<128xf32>
    %broadcast_in_dim3A_299 = vector.shape_cast %get3A_298 : vector<128xf32> to vector<1x128xf32>
    %add3A_300 = vector.broadcast %broadcast_in_dim3A_299 : vector<1x128xf32> to vector<1000x128xf32>
    %add3A_301 = arith.addf %dot_general3A_294, %add3A_300 : vector<1000x128xf32>
    %max3A_302 = arith.constant 0.000000e+00 : f32
    %max3A_303 = vector.broadcast %max3A_302 : f32 to vector<1000x128xf32>
    %max3A_304 = arith.maximumf %add3A_301, %max3A_303 : vector<1000x128xf32>
    %get3A_305 = arith.constant 7 : index
    %get3A_306 = arith.constant 0 : index
    %get3A_307 = arith.constant 0 : index
    %get3A_308 = vector.load %arg8[%get3A_305, %get3A_306, %get3A_307] : memref<8x128x128xf32, #tpu.memory_space<vmem>>, vector<1x128x128xf32>
    %get3A_309 = vector.shape_cast %get3A_308 : vector<1x128x128xf32> to vector<128x128xf32>
    %dot_general3A_310 = arith.constant dense<0.000000e+00> : vector<1000x128xf32>
    %dot_general3A_311 = tpu.matmul %max3A_304, %get3A_309, %dot_general3A_310 {dimension_numbers = #tpu.dot_dimension_numbers<[1], [0], [0], [1], [0, 0, 1, 1], [], []>, transpose_lhs_hint = false} : vector<1000x128xf32>, vector<128x128xf32>, vector<1000x128xf32> -> vector<1000x128xf32>
    %get3A_312 = arith.constant 7 : index
    %get3A_313 = arith.constant 0 : index
    %get3A_314 = vector.load %arg9[%get3A_312, %get3A_313] : memref<8x128xf32, #tpu.memory_space<vmem>>, vector<1x128xf32>
    %get3A_315 = vector.shape_cast %get3A_314 : vector<1x128xf32> to vector<128xf32>
    %broadcast_in_dim3A_316 = vector.shape_cast %get3A_315 : vector<128xf32> to vector<1x128xf32>
    %add3A_317 = vector.broadcast %broadcast_in_dim3A_316 : vector<1x128xf32> to vector<1000x128xf32>
    %add3A_318 = arith.addf %dot_general3A_311, %add3A_317 : vector<1000x128xf32>
    %slice3A_319 = vector.extract_strided_slice %div3A_41 {offsets = [0, 7], sizes = [1000, 1], strides = [1, 1]} : vector<1000x8xf32> to vector<1000x1xf32>
    %mul3A_320 = vector.broadcast %slice3A_319 : vector<1000x1xf32> to vector<1000x128xf32>
    %mul3A_321 = arith.mulf %mul3A_320, %add3A_318 : vector<1000x128xf32>
    %add3A_322 = arith.addf %add3A_287, %mul3A_321 : vector<1000x128xf32>
    %swap3A = arith.constant 0 : index
    %swap3A_323 = arith.constant 0 : index
    %swap3A_324 = vector.load %arg10[%swap3A, %swap3A_323] : memref<1000x128xf32, #tpu.memory_space<vmem>>, vector<1000x128xf32>
    tpu.vector_store %arg10[%swap3A, %swap3A_323], %add3A_322 {strides = array<i32>} : memref<1000x128xf32, #tpu.memory_space<vmem>>, vector<1000x128xf32>,
    return
  }
  func.func @transform_0(%arg0: i32) -> (i32, i32) {
    %c0_i32 = arith.constant 0 : i32
    %c0_i32_0 = arith.constant 0 : i32
    return %arg0, %c0_i32 : i32, i32
  }
  func.func @transform_1(%arg0: i32) -> (i32, i32, i32) {
    %c0_i32 = arith.constant 0 : i32
    %c0_i32_0 = arith.constant 0 : i32
    %c0_i32_1 = arith.constant 0 : i32
    return %c0_i32, %arg0, %c0_i32_0 : i32, i32, i32
  }
  func.func @transform_2(%arg0: i32) -> (i32, i32, i32) {
    %c0_i32 = arith.constant 0 : i32
    %c0_i32_0 = arith.constant 0 : i32
    %c0_i32_1 = arith.constant 0 : i32
    return %c0_i32, %arg0, %c0_i32_0 : i32, i32, i32
  }
  func.func @transform_3(%arg0: i32) -> (i32, i32) {
    %c0_i32 = arith.constant 0 : i32
    %c0_i32_0 = arith.constant 0 : i32
    return %arg0, %c0_i32 : i32, i32
  }
  func.func @transform_4(%arg0: i32) -> (i32, i32) {
    %c0_i32 = arith.constant 0 : i32
    %c0_i32_0 = arith.constant 0 : i32
    %c0_i32_1 = arith.constant 0 : i32
    return %c0_i32, %c0_i32_0 : i32, i32
  }
  func.func @transform_5(%arg0: i32) -> (i32, i32, i32) {
    %c0_i32 = arith.constant 0 : i32
    %c0_i32_0 = arith.constant 0 : i32
    %c0_i32_1 = arith.constant 0 : i32
    %c0_i32_2 = arith.constant 0 : i32
    return %c0_i32, %c0_i32_0, %c0_i32_1 : i32, i32, i32
  }
  func.func @transform_6(%arg0: i32) -> (i32, i32) {
    %c0_i32 = arith.constant 0 : i32
    %c0_i32_0 = arith.constant 0 : i32
    %c0_i32_1 = arith.constant 0 : i32
    return %c0_i32, %c0_i32_0 : i32, i32
  }
  func.func @transform_7(%arg0: i32) -> (i32, i32, i32) {
    %c0_i32 = arith.constant 0 : i32
    %c0_i32_0 = arith.constant 0 : i32
    %c0_i32_1 = arith.constant 0 : i32
    %c0_i32_2 = arith.constant 0 : i32
    return %c0_i32, %c0_i32_0, %c0_i32_1 : i32, i32, i32
  }
  func.func @transform_8(%arg0: i32) -> (i32, i32) {
    %c0_i32 = arith.constant 0 : i32
    %c0_i32_0 = arith.constant 0 : i32
    %c0_i32_1 = arith.constant 0 : i32
    return %c0_i32, %c0_i32_0 : i32, i32
  }
  func.func @transform_9(%arg0: i32) -> (i32, i32) {
    %c0_i32 = arith.constant 0 : i32
    %c0_i32_0 = arith.constant 0 : i32
    return %arg0, %c0_i32 : i32, i32
  }
}

</mosaic_0001>

<sc_bundles>
// kernel: kernel.10.cloned.1.call-start
scs
__scs_entry_jumppad:
0x0: {  	(pc) =	sbr.rel $0x88, $3  }
0x1: {  	(tag) =	ssettag $0x0;
	lr =	simm.s32 $0x1  }
0x2: {  	[smem:$0x3F9A] =	sst lr;
	_ =	strace $0xD0000000  }
0x3: {  	_ = 	snop  }
0x4: {  	_ = 	snop  }
0x5: {  	_ = 	snop  }
0x6: {  	_ = 	snop  }
0x7: {  	_ = 	snop  }
__scs_overlays_trampoline_lowered:
0x8: {  	[smem:$0x3FA9] =	sst s0  }
0x9: {  	[smem:$0x3FAA] =	sst s1  }
0xa: {  	[smem:$0x3FAB] =	sst s2  }
0xb: {  	[smem:$0x3FAC] =	sst s3  }
0xc: {  	[smem:$0x3FAD] =	sst s4  }
0xd: {  	[smem:$0x3FAE] =	sst s5  }
0xe: {  	[smem:$0x3FAF] =	sst s6  }
0xf: {  	[smem:$0x3FB0] =	sst s7  }
0x10: {  	[smem:$0x3FB1] =	sst s8  }
0x11: {  	[smem:$0x3FB2] =	sst s9;
	s0 =	simm.s32 @!p0 $0x0  }
0x12: {  	s1 =	sld [smem:$0x3F98];
	s0 =	simm.s32 @p0 $0x1  }
0x13: {  	[smem:$0x3FB3] =	sst s0;
	s0 =	simm.s32 @!p1 $0x0  }
0x14: {  	s2 =	sld [smem:$0x3F97];
	s0 =	simm.s32 @p1 $0x1  }
0x15: {  	[smem:$0x3FB4] =	sst s0;
	s0 =	simm.s32 @!p2 $0x0  }
0x16: {  	s3 =	sld [smem:$0x3FDB];
	s0 =	simm.s32 @p2 $0x1  }
0x17: {  	s4 =	simm.s32 $0x1BF5;
	[smem:$0x3FB6] =	sst s0  }
0x18: {  	s0 =	sld [smem:$0x3F99];
	_ =	swait.ge [sflag:s4], $0x0  }
0x19: {  	s7 =	sld [smem:$0x3F9A]  }
0x1a: {  	s8 =	sadd.s32 $0xFFFFE003, lr  }
0x1b: {  	s9 =	sadd.s32 $0xFFFFFEF7, lr;
	s5 =	simm.s32 $0xFFFFFFFF;
	p2 =	slt.u32 s8, $0xFFFFF086  }
0x1c: {  	p1 =	slt.u32 s9, $0xF7A;
	s5 =	simm.s32 @!p2 $0x0  }
0x1d: {  	s5 =	simm.s32 @p1 $0x1;
	p0 =	seq.s32 s7, s2  }
0x1e: {  	s7 =	smul.u32 @!p0 $0xF7A, s2;
	p2 =	seq.s32 @!p0 s5, $0x0  }
0x1f: {  	s9 =	smul.u32 $0xF7A, s1;
	s8 =	simm.s32 @!p0 $0x1BF5;
	p2 =	por !p2, p0  }
0x20: {  	[sflag:s8] =	ssyncset.s32 @!p0 $0xFFFFF086;
	s6 =	sadd.s32 @!p0 s3, s7;
	s7 =	simm.s32 @!p0 $0x108  }
0x21: {  	s3 =	sadd.s32 s3, s9;
	s6 =	sadd.s32 @!p0 $0x88, s6;
	s7 =	simm.s32 @p2 $0x1082  }
0x22: {  	[simem:s7], [sflag:s8] =	dma.local @!p0 [hbm:s6], $0xF7A  }
0x23: {  	s9 =	sor.u32 $0xD0000000, s2;
	s6 =	simm.s32 $0x108;
	_ =	swait.ge @!p0 [sflag:s8], $0x0  }
0x24: {  	s3 =	sadd.s32 $0x88, s3;
	s6 =	simm.s32 @!p1 $0x1082;
	[sflag:s4] =	ssyncset.s32 $0xFFFFF086  }
0x25: {  	[simem:s6], [sflag:s4] =	dma.local [hbm:s3], $0xF7A  }
0x26: {  	[smem:$0x3F9A] =	sst s1;
	(tag) =	ssettag s2;
	_ =	strace s9  }
0x27: {  	s1 =	sld [smem:$0x3FAA]  }
0x28: {  	s2 =	sld [smem:$0x3FAB]  }
0x29: {  	s4 =	sld [smem:$0x3FAD]  }
0x2a: {  	p0 =	seq.s32 s5, $0x0;
	s5 =	sld [smem:$0x3FAE]  }
0x2b: {  	s6 =	sld [smem:$0x3FAF]  }
0x2c: {  	s7 =	sld [smem:$0x3FB0]  }
0x2d: {  	s3 =	simm.s32 $0x108;
	s8 =	sld [smem:$0x3FB1]  }
0x2e: {  	s3 =	simm.s32 @!p0 $0x1082;
	s9 =	sld [smem:$0x3FB2]  }
0x2f: {  	lr =	sadd.s32 s0, s3;
	s0 =	sld [smem:$0x3FA9]  }
0x30: {  	s3 =	sld [smem:$0x3FAC]  }
0x31: {  	[smem:$0x3FB5] =	sst s10  }
0x32: {  	s10 =	sld [smem:$0x3FB3];
	_ =	sdelay $0x3  }
0x33: {  	p0 =	seq.s32 s10, $0x1;
	s10 =	sld [smem:$0x3FB5];
	_ =	sdelay $0x3  }
0x34: {  	[smem:$0x3FB5] =	sst s10  }
0x35: {  	s10 =	sld [smem:$0x3FB4];
	_ =	sdelay $0x3  }
0x36: {  	p1 =	seq.s32 s10, $0x1;
	s10 =	sld [smem:$0x3FB5];
	_ =	sdelay $0x3  }
0x37: {  	[smem:$0x3FB5] =	sst s10  }
0x38: {  	s10 =	sld [smem:$0x3FB6]  }
0x39: {  	_ = 	snop;
	(pc) =	sbr.ind lr, $3  }
0x3a: {  	_ = 	snop  }
0x3b: {  	_ = 	snop  }
0x3c: {  	p2 =	seq.s32 s10, $0x1;
	s10 =	sld [smem:$0x3FB5]  }
0x3d: {  	_ =	shalt  }
0x3e: {  	_ =	shalt  }
0x3f: {  	_ =	shalt  }
0x40: {  	_ =	shalt  }
0x41: {  	_ =	shalt  }
0x42: {  	_ =	shalt  }
0x43: {  	_ =	shalt  }
0x44: {  	_ =	shalt  }
0x45: {  	_ =	shalt  }
0x46: {  	_ =	shalt  }
0x47: {  	_ =	shalt  }
0x48: {  	_ =	shalt  }
0x49: {  	_ =	shalt  }
0x4a: {  	_ =	shalt  }
0x4b: {  	_ =	shalt  }
0x4c: {  	_ =	shalt  }
0x4d: {  	_ =	shalt  }
0x4e: {  	_ =	shalt  }
0x4f: {  	_ =	shalt  }
0x50: {  	_ =	shalt  }
0x51: {  	_ =	shalt  }
0x52: {  	_ =	shalt  }
0x53: {  	_ =	shalt  }
0x54: {  	_ =	shalt  }
0x55: {  	_ =	shalt  }
0x56: {  	_ =	shalt  }
0x57: {  	_ =	shalt  }
0x58: {  	_ =	shalt  }
0x59: {  	_ =	shalt  }
0x5a: {  	_ =	shalt  }
0x5b: {  	_ =	shalt  }
0x5c: {  	_ =	shalt  }
0x5d: {  	_ =	shalt  }
0x5e: {  	_ =	shalt  }
0x5f: {  	_ =	shalt  }
0x60: {  	_ =	shalt  }
0x61: {  	_ =	shalt  }
0x62: {  	_ =	shalt  }
0x63: {  	_ =	shalt  }
0x64: {  	_ =	shalt  }
0x65: {  	_ =	shalt  }
0x66: {  	_ =	shalt  }
0x67: {  	_ =	shalt  }
0x68: {  	_ =	shalt  }
0x69: {  	_ =	shalt  }
0x6a: {  	_ =	shalt  }
0x6b: {  	_ =	shalt  }
0x6c: {  	_ =	shalt  }
0x6d: {  	_ =	shalt  }
0x6e: {  	_ =	shalt  }
0x6f: {  	_ =	shalt  }
0x70: {  	_ =	shalt  }
0x71: {  	_ =	shalt  }
0x72: {  	_ =	shalt  }
0x73: {  	_ =	shalt  }
0x74: {  	_ =	shalt  }
0x75: {  	_ =	shalt  }
0x76: {  	_ =	shalt  }
0x77: {  	_ =	shalt  }
0x78: {  	_ =	shalt  }
0x79: {  	_ =	shalt  }
0x7a: {  	_ =	shalt  }
0x7b: {  	_ =	shalt  }
0x7c: {  	_ =	shalt  }
0x7d: {  	_ =	shalt  }
0x7e: {  	_ =	shalt  }
0x7f: {  	_ =	shalt  }
0x80: {  	_ =	shalt  }
0x81: {  	_ =	shalt  }
0x82: {  	_ =	shalt  }
0x83: {  	_ =	shalt  }
0x84: {  	_ =	shalt  }
0x85: {  	_ =	shalt  }
0x86: {  	_ =	shalt  }
0x87: {  	_ =	shalt  }
.Lfunc_end0:
.L_simem_size_0:
called_computation.1_lowered:
.L_overlay_start_0:
0x88: {  	s2 =	sld [smem:$0x3FD9]  }
0x89: {  	s3 =	sld [smem:$0x3FFE];
	_ =	sdelay $0x1  }
0x8a: {  	s1 =	srdreg.scid  }
0x8b: {  	s0 =	sand.u32 $0x1, s1  }
0x8c: {  	s17 =	sshll.u32 s0, $0xA;
	s2 =	sadd.s32 s3, s2  }
0x8d: {  	s2 =	sadd.s32 s2, s17  }
0x8e: {  	[smem:$0x3FC1] =	sst s2  }
0x8f: {  	_ = 	snop  }
0x90: {  	(tm) =	ssettm $0x1  }
0x91: {  	s18 =	sld [smem:$0x3FFB];
	_ =	sdelay $0x3  }
0x92: {  	_ =	strace s18  }
0x93: {  	s2 =	sld [smem:$0x3FFC];
	_ =	sdelay $0x3  }
0x94: {  	_ =	strace s2  }
0x95: {  	s2 =	sld [smem:$0x3FFD];
	_ =	sdelay $0x3  }
0x96: {  	_ =	strace s2  }
0x97: {  	_ =	strace $0x8FFFFFFF  }
0x98: {  	s19 =	sld [smem:$0x3FDB];
	_ =	sdelay $0x1  }
0x99: {  	s20 =	simm.s32 $_scs_section_size  }
0x9a: {  	s4 =	simm.s32 $_size__tile_overlayer_lowered;
	s5 =	simm.s32 $_tile_overlayer_lowered  }
0x9b: {  	s6 =	simm.s32 $0x1BFF;
	s21 =	sshll.u32 s5, $0x1;
	s3 =	sadd.s32 s20, s19  }
0x9c: {  	s22 =	simm.s32 $0x0;
	s4 =	sshll.u32 s4, $0x1;
	s5 =	sadd.s32 s21, s3  }
0x9d: {  	[timem:s22], [sflag:s6] =	dma.local [hbm:s5], s4  }
0x9e: {  	_ =	swait.ge [sflag:s6], s4  }
0x9f: {  	s4 =	ssub.s32 $0x0, s4;
	[sflag:s6] =	ssyncset.done $0x0  }
0xa0: {  	[sflag:s6] =	ssyncadd.s32 s4;
	_ =	sdelay $0x1  }
0xa1: {  	s23 =	simm.s32 $0x1B8B  }
0xa2: {  	_ =	swait.ge [sflag:s23], $0x1  }
0xa3: {  	[sflag:s23] =	ssyncset.done $0x0  }
0xa4: {  	[sflag:s23] =	ssyncadd.s32 $0xFFFFFFFF  }
0xa5: {  	s4 =	sld [smem:$0x0]  }
0xa6: {  	s5 =	sand.u32 $0xFFFFFFFE, s1  }
0xa7: {  	p0 =	sne.s32 s1, s5  }
0xa8: {  	s5 =	sshll.u32 @p0 s5, $0xE  }
0xa9: {  	s5 =	sadd.s32 @p0 $0x11B8D, s5;
	s6 =	sshll.u32 @p0 s4, $0x11  }
0xaa: {  	s5 =	sor.u32 @p0 s6, s5  }
0xab: {  	[sflag:s5] =	ssyncadd.remote.s32 @p0 $0x1;
	_ =	sdelay $0x1  }
0xac: {  	s5 =	simm.s32 @p0 $0x1B8D  }
0xad: {  	_ =	swait.eq @p0 [sflag:s5], $0x1  }
0xae: {  	[sflag:s5] =	ssyncadd.s32 @p0 $0xFFFFFFFF  }
0xaf: {  	s6 =	sshll.u32 @!p0 s1, $0xE  }
0xb0: {  	s6 =	sor.u32 @!p0 $0x4000, s6;
	s5 =	simm.s32 @!p0 $0x1B8D  }
0xb1: {  	s4 =	sshll.u32 @!p0 s4, $0x11;
	s6 =	sadd.s32 @!p0 $0x11B8D, s6;
	_ =	swait.eq @!p0 [sflag:s5], $0x1  }
0xb2: {  	s4 =	sor.u32 @!p0 s4, s6;
	[sflag:s5] =	ssyncadd.s32 @!p0 $0xFFFFFFFF  }
0xb3: {  	s25 =	simm.s32 $0x1B8E;
	s24 =	sld [smem:$0x3FFE];
	[sflag:s4] =	ssyncadd.remote.s32 @!p0 $0x1  }
0xb4: {  	s26 =	simm.s32 $execute0_lowered;
	[smem:$0x3FD2] =	sst s25  }
0xb5: {  	s5 =	sshll.u32 s26, $0x1;
	_ =	strace $0x80000049;
	[dreg:$0x1] =	wrdreg $0xFFFFFFFF  }
0xb6: {  	s28 =	simm.s32 $_size_execute0_lowered;
	s3 =	sadd.s32 s3, s5;
	[dreg:$0x0] =	wrdreg $0x0  }
0xb7: {  	s5 =	sshll.u32 s28, $0x1;
	[dreg:$0x2] =	wrdreg s3  }
0xb8: {  	[dreg:$0x3] =	wrdreg s5  }
0xb9: {  	[dreg:$0x4] =	wrdreg $0xC0  }
0xba: {  	_ =	task [dreg:s22], $0x5FFFF  }
0xbb: {  	[dreg:$0x1] =	wrdreg $0xFFFFFFFF  }
0xbc: {  	[dreg:$0x0] =	wrdreg $0x60  }
0xbd: {  	[dreg:$0x2] =	wrdreg s24  }
0xbe: {  	[dreg:$0x3] =	wrdreg $0x0  }
0xbf: {  	[dreg:$0x4] =	wrdreg $0xA  }
0xc0: {  	_ =	task.clear_ibuf [dreg:s22], $0x5FFFF;
	_ =	strace $0x90000049  }
0xc1: {  	s29 =	simm.s32 $0xA;
	_ =	strace $0x8000004B  }
0xc2: {  	_ =	swait.ge [sflag:s29], $0x1  }
0xc3: {  	[sflag:s29] =	ssyncadd.s32 $0xFFFFFFFF  }
0xc4: {  	_ =	strace $0x9000004B  }
0xc5: {  	_ =	sfence  }
0xc6: {  	s30 =	sld [smem:$0x0];
	_ =	sdelay $0x2  }
0xc7: {  	s31 =	sshll.u32 s1, $0xD;
	s1 =	sshrl.u32 s1, $0x2  }
0xc8: {  	s4 =	sand.u32 $0x4000, s31;
	s1 =	sadd.s32 s1, s30  }
0xc9: {  	s0 =	sor.u32 s4, s0;
	s1 =	sshll.u32 s1, $0x11  }
0xca: {  	s0 =	sor.u32 s1, s0  }
0xcb: {  	s0 =	sadd.s32 $0x8F2B, s0  }
0xcc: {  	[sflag:s0] =	ssyncadd.remote.s32 $0x1  }
0xcd: {  	_ =	sfence.sel $0xFFFF  }
0xce: {  	[dreg:$0x0] =	wrdreg $0xFFFFFFFF;
	(pc) =	sbr.abs _section_cstart, $3  }
0xcf: {  	[dreg:$0x1] =	wrdreg $0xFFFFFFFF  }
0xd0: {  	_ =	task.clear_ibuf [dreg:s22], $0x2FFFF;
	_ =	strace $0x9FFFFFFF  }
0xd1: {  	(tm) =	ssettm $0x7FFFFFFF  }
tec
execute0_lowered:
.L_overlay_start_1:
0x0: {  	(tag) =	ssettag $0x1  }
0x1: {  	s5 =	rddreg [dreg:$0x0]  }
0x2: {  	s2 =	rddreg [dreg:$0x1]  }
0x3: {  	s0 =	srdreg.scid;
	s1 =	rddreg [dreg:$0x2];
	s3 =	simm.s32 $0x0  }
0x4: {  	s13 =	simm.s32 $0x14080;
	s14 =	simm.s32 $0x1;
	s6 =	sand.u32 $0x1, s0  }
0x5: {  	s15 =	simm.s32 $0x14000;
	s0 =	stileid.u32;
	s4 =	smul.u32 $0x140000, s6  }
0x6: {  	s16 =	simm.s32 $0x80;
	[smem:$0x7FF] =	sst s3;
	s7 =	smul.u32 $0x14000, s0  }
0x7: {  	s19 =	simm.s32 $0x0;
	_ =	strace $0x8000004A;
	s8 =	smul.u32 $0x50000, s0  }
0x8: {  	s30 =	ssub.s32 $0x2, s6;
	s6 =	sshll.u32 s6, $0x4;
	s17 =	sshll.u32 s0, $0x6  }
0x9: {  	s31 =	sshrl.u32 s30, $0x1;
	s10 =	sor.u32 s0, s6;
	s17 =	sor.u32 $0x1C01, s17  }
0xa: {  	s4 =	sadd.s32 s7, s4;
	s8 =	sshrl.u32 s8, $0x2;
	s12 =	ssub.s32 s30, s31  }
0xb: {  	s10 =	smul.u32 $0x2800, s10;
	s7 =	sshrl.u32 s4, $0x3;
	s4 =	sadd.s32 $0xD400, s5  }
0xc: {  	s12 =	smax.u32 s12, $0x1;
	s11 =	sadd.s32 s7, s5;
	s5 =	sadd.s32 s8, s2  }
0xd: {  	s6 =	sadd.s32 $0x4000, s5;
	s7 =	sadd.s32 $0x8000, s5;
	s8 =	sadd.s32 $0xC000, s5  }
0xe: {  	v0 =	vimm.f32 $0.0e+00;
	v1 =	vimm.f32 $1.000000000e+00;
	s9 =	sadd.s32 $0x10000, s5;
	s11 =	sadd.s32 $0x67400, s11;
	s18 =	sshrl.u32 s5, $0x3  }
.LBB2_1:
0xf: {  	s20 =	simm.s32 $0x0;
	s21 =	simm.s32 $0x200  }
.LBB2_2:
0x10: {  	p0 =	sne.s32 s21, $0xFE00;
	[tilespmem:s20+$0x140F0] =	vst v0  }
0x11: {  	[tilespmem:s20+$0x14080] =	vst v0  }
0x12: {  	[tilespmem:s20+$0x14090] =	vst v0  }
.Ltmp0:
0x13: {  	[tilespmem:s20+$0x140A0] =	vst v0;
	(pc) =	sbr.rel @p0 .LBB2_2-.Ltmp0, $4  }
0x14: {  	[tilespmem:s20+$0x140B0] =	vst v0  }
0x15: {  	[tilespmem:s20+$0x140C0] =	vst v0  }
0x16: {  	[tilespmem:s20+$0x140D0] =	vst v0  }
0x17: {  	[tilespmem:s20+$0x140E0] =	vst v0;
	s20 =	sshra.s32 s21, $0x2;
	s21 =	sadd.s32 $0x200, s21  }
0x18: {  	[tilespmem:s20+$0x140F0] =	vst v0  }
0x19: {  	[tilespmem:s20+$0x14080] =	vst v0  }
0x1a: {  	[tilespmem:s20+$0x14090] =	vst v0  }
0x1b: {  	[tilespmem:s20+$0x140A0] =	vst v0  }
0x1c: {  	[tilespmem:s20+$0x140B0] =	vst v0  }
0x1d: {  	[tilespmem:s20+$0x140C0] =	vst v0  }
0x1e: {  	[tilespmem:s20+$0x140D0] =	vst v0  }
0x1f: {  	[tilespmem:s20+$0x140E0] =	vst v0  }
0x20: {  	[spmem:s5] =	stream.linear.scatter [tilespmem:s13], [sflag:$0x1], $0x4000, $0x38;
	[tilespmem:$0x18080] =	vst v63  }
0x21: {  	_ =	swait.ge [sflag:s14], $0x4000  }
0x22: {  	[sflag:s14] =	ssyncset.done $0x0  }
0x23: {  	[sflag:s14] =	ssyncadd.s32 $0xFFFFC000  }
0x24: {  	[spmem:s6] =	stream.linear.scatter [tilespmem:s13], [sflag:$0x1], $0x4000, $0x38;
	[tilespmem:$0x18080] =	vst v63  }
0x25: {  	_ =	swait.ge [sflag:s14], $0x4000  }
0x26: {  	[sflag:s14] =	ssyncset.done $0x0  }
0x27: {  	[sflag:s14] =	ssyncadd.s32 $0xFFFFC000  }
0x28: {  	[spmem:s7] =	stream.linear.scatter [tilespmem:s13], [sflag:$0x1], $0x4000, $0x38;
	[tilespmem:$0x18080] =	vst v63  }
0x29: {  	_ =	swait.ge [sflag:s14], $0x4000  }
0x2a: {  	[sflag:s14] =	ssyncset.done $0x0  }
0x2b: {  	[sflag:s14] =	ssyncadd.s32 $0xFFFFC000  }
0x2c: {  	[spmem:s8] =	stream.linear.scatter [tilespmem:s13], [sflag:$0x1], $0x4000, $0x38;
	[tilespmem:$0x18080] =	vst v63  }
0x2d: {  	_ =	swait.ge [sflag:s14], $0x4000  }
0x2e: {  	[sflag:s14] =	ssyncset.done $0x0  }
0x2f: {  	[sflag:s14] =	ssyncadd.s32 $0xFFFFC000  }
0x30: {  	[spmem:s9] =	stream.linear.scatter [tilespmem:s13], [sflag:$0x1], $0x4000, $0x38;
	[tilespmem:$0x18080] =	vst v63  }
0x31: {  	_ =	swait.ge [sflag:s14], $0x4000  }
0x32: {  	[sflag:s14] =	ssyncset.done $0x0  }
0x33: {  	s20 =	simm.s32 $0x0;
	s21 =	simm.s32 $0x200;
	[sflag:s14] =	ssyncadd.s32 $0xFFFFC000  }
.LBB2_4:
0x34: {  	p0 =	sne.s32 s21, $0xFE00;
	[tilespmem:s20+$0x140F0] =	vst v1  }
0x35: {  	[tilespmem:s20+$0x14080] =	vst v1  }
0x36: {  	[tilespmem:s20+$0x14090] =	vst v1  }
.Ltmp1:
0x37: {  	[tilespmem:s20+$0x140A0] =	vst v1;
	(pc) =	sbr.rel @p0 .LBB2_4-.Ltmp1, $4  }
0x38: {  	[tilespmem:s20+$0x140B0] =	vst v1  }
0x39: {  	[tilespmem:s20+$0x140C0] =	vst v1  }
0x3a: {  	[tilespmem:s20+$0x140D0] =	vst v1  }
0x3b: {  	[tilespmem:s20+$0x140E0] =	vst v1;
	s20 =	sshra.s32 s21, $0x2;
	s21 =	sadd.s32 $0x200, s21  }
0x3c: {  	[tilespmem:s20+$0x140F0] =	vst v1  }
0x3d: {  	[tilespmem:s20+$0x14080] =	vst v1  }
0x3e: {  	[tilespmem:s20+$0x14090] =	vst v1  }
0x3f: {  	[tilespmem:s20+$0x140A0] =	vst v1;
	s21 =	simm.s32 $0x0  }
0x40: {  	[tilespmem:s20+$0x140B0] =	vst v1;
	s22 =	sand.u32 $0x3C00, s21  }
0x41: {  	[tilespmem:s20+$0x140C0] =	vst v1;
	s21 =	sand.u32 $0x380, s21;
	s22 =	sadd.s32 s10, s22  }
0x42: {  	[tilespmem:s20+$0x140D0] =	vst v1;
	s21 =	sor.u32 s21, s22  }
0x43: {  	[tilespmem:s20+$0x140E0] =	vst v1;
	s28 =	sshrl.u32 s21, $0x3  }
0x44: {  	[bflag:$0x0] =	sbarrier.arrive $0xFFFF;
	s20 =	sadd.s32 s4, s28  }
0x45: {  	[tilespmem:s15], [sflag:$0x1] =	stream.linear.gather [hbm4b:s20+s3], $0x80, $0x38;
	[tilespmem:$0x18080] =	vst v63  }
0x46: {  	_ =	swait.ge [sflag:s14], $0x80  }
0x47: {  	s29 =	simm.s32 $0x80;
	[sflag:s14] =	ssyncset.done $0x0  }
0x48: {  	s30 =	sand.u32 $0x3C00, s29;
	[sflag:s14] =	ssyncadd.s32 $0xFFFFFF80  }
0x49: {  	[spmem:s2] =	stream.indirect.scatter.add.f32 [tilespmem:s13], [sflag:$0x1], $0x80, s15, s16, $0xb8;
	[tilespmem:$0x18080] =	vst v63  }
0x4a: {  	s31 =	sand.u32 $0x380, s29;
	s21 =	sadd.s32 s10, s30;
	_ =	swait.ge [sflag:s14], $0x4000  }
0x4b: {  	s21 =	sor.u32 s31, s21;
	s20 =	simm.s32 $0x100;
	[sflag:s14] =	ssyncset.done $0x0  }
.LBB2_6:
0x4c: {  	s21 =	sshrl.u32 s21, $0x3  }
0x4d: {  	[sflag:s14] =	ssyncadd.s32 $0xFFFFC000;
	s22 =	smov.u32 s20;
	s23 =	sadd.s32 $0x80, s20  }
0x4e: {  	p0 =	sne.s32 s20, $0x2700;
	s20 =	sadd.s32 s4, s21  }
0x4f: {  	[tilespmem:s15], [sflag:$0x1] =	stream.linear.gather [hbm4b:s20+s3], $0x80, $0x38;
	[tilespmem:$0x18080] =	vst v63  }
0x50: {  	_ =	swait.ge [sflag:s14], $0x80  }
.Ltmp2:
0x51: {  	[sflag:s14] =	ssyncset.done $0x0;
	(pc) =	sbr.rel @p0 .LBB2_6-.Ltmp2, $4  }
0x52: {  	s20 =	sand.u32 $0x3C00, s22;
	[sflag:s14] =	ssyncadd.s32 $0xFFFFFF80  }
0x53: {  	[spmem:s2] =	stream.indirect.scatter.add.f32 [tilespmem:s13], [sflag:$0x1], $0x80, s15, s16, $0xb8;
	[tilespmem:$0x18080] =	vst v63  }
0x54: {  	s21 =	sand.u32 $0x380, s22;
	s20 =	sadd.s32 s10, s20;
	_ =	swait.ge [sflag:s14], $0x4000  }
0x55: {  	s21 =	sor.u32 s21, s20;
	s20 =	smov.u32 s23;
	[sflag:s14] =	ssyncset.done $0x0  }
0x56: {  	s20 =	sshrl.u32 s21, $0x3  }
0x57: {  	[sflag:s14] =	ssyncadd.s32 $0xFFFFC000;
	s20 =	sadd.s32 s4, s20  }
0x58: {  	[tilespmem:s15], [sflag:$0x1] =	stream.linear.gather [hbm4b:s20+s3], $0x80, $0x38;
	[tilespmem:$0x18080] =	vst v63  }
0x59: {  	_ =	swait.ge [sflag:s14], $0x80  }
0x5a: {  	[sflag:s14] =	ssyncset.done $0x0  }
0x5b: {  	[sflag:s14] =	ssyncadd.s32 $0xFFFFFF80  }
0x5c: {  	[spmem:s2] =	stream.indirect.scatter.add.f32 [tilespmem:s13], [sflag:$0x1], $0x80, s15, s16, $0xb8;
	[tilespmem:$0x18080] =	vst v63  }
0x5d: {  	_ =	swait.ge [sflag:s14], $0x4000  }
0x5e: {  	s19 =	sadd.s32 $0x1, s19;
	[sflag:s14] =	ssyncset.done $0x0  }
0x5f: {  	p0 =	sne.s32 s19, s12;
	[sflag:s14] =	ssyncadd.s32 $0xFFFFC000  }
.Ltmp3:
0x60: {  	[bflag:$0x0] =	sbarrier.arrive $0xFFFF;
	(pc) =	sbr.rel @p0 .LBB2_1-.Ltmp3, $4  }
0x61: {  	[hbm:s11], [sflag:s17] =	dma.local [spmem:s18], $0x2800  }
0x62: {  	_ =	swait.ge [sflag:s14], $0x2800  }
0x63: {  	[sflag:s14] =	ssyncset.done $0x0  }
0x64: {  	[sflag:s14] =	ssyncadd.s32 $0xFFFFD800  }
0x65: {  	_ =	sfence.sel $0x180000  }
0x66: {  	[bflag:$0x0] =	sbarrier.arrive $0xFFFF  }
0x67: {  	p0 =	sne.s32 s0, $0x0;
	_ =	strace $0x9000004A  }
0x68: {  	s0 =	sadd.s32 @!p0 $0x100000, s1;
	[bflag:$0x2] =	sbarrier.arrive $0xFFFF  }
0x69: {  	[sflag:s0] =	ssyncadd.tile.s32 @!p0 $0x1;
	_ =	shalt  }
.Lfunc_end2:
_tile_overlayer_lowered:
.L_overlay_start_2:
0x6a: {  	(tag) =	ssettag $0x2  }
0x6b: {  	s0 =	rddreg [dreg:$0x0];
	s2 =	stileid.u32  }
0x6c: {  	s1 =	rddreg [dreg:$0x1];
	p0 =	sne.s32 s2, $0x0  }
0x6d: {  	s3 =	rddreg [dreg:$0x2];
	[bflag:$0x3] =	sbarrier.arrive $0xFFFF;
	s2 =	simm.s32 @!p0 $0x1C01  }
0x6e: {  	[timem:s3], [sflag:s2] =	dma.local @!p0 [hbm:s0], s1  }
0x6f: {  	s0 =	simm.s32 @!p0 $0x1  }
0x70: {  	_ =	swait.ge @!p0 [sflag:s0], s1  }
0x71: {  	s1 =	ssub.s32 @!p0 $0x0, s1;
	[sflag:s0] =	ssyncset.done @!p0 $0x0  }
0x72: {  	[sflag:s0] =	ssyncadd.s32 @!p0 s1  }
0x73: {  	[bflag:$0x3] =	sbarrier.arrive $0xFFFF  }
0x74: {  	_ =	shalt  }

// kernel: kernel.15.cloned.1.call-start
scs
__scs_entry_jumppad:
0x0: {  	(pc) =	sbr.rel $0x88, $3  }
0x1: {  	(tag) =	ssettag $0x0;
	lr =	simm.s32 $0x1  }
0x2: {  	[smem:$0x3F9A] =	sst lr;
	_ =	strace $0xD0000000  }
0x3: {  	_ = 	snop  }
0x4: {  	_ = 	snop  }
0x5: {  	_ = 	snop  }
0x6: {  	_ = 	snop  }
0x7: {  	_ = 	snop  }
__scs_overlays_trampoline_lowered:
0x8: {  	[smem:$0x3FA9] =	sst s0  }
0x9: {  	[smem:$0x3FAA] =	sst s1  }
0xa: {  	[smem:$0x3FAB] =	sst s2  }
0xb: {  	[smem:$0x3FAC] =	sst s3  }
0xc: {  	[smem:$0x3FAD] =	sst s4  }
0xd: {  	[smem:$0x3FAE] =	sst s5  }
0xe: {  	[smem:$0x3FAF] =	sst s6  }
0xf: {  	[smem:$0x3FB0] =	sst s7  }
0x10: {  	[smem:$0x3FB1] =	sst s8  }
0x11: {  	[smem:$0x3FB2] =	sst s9;
	s0 =	simm.s32 @!p0 $0x0  }
0x12: {  	s1 =	sld [smem:$0x3F98];
	s0 =	simm.s32 @p0 $0x1  }
0x13: {  	[smem:$0x3FB3] =	sst s0;
	s0 =	simm.s32 @!p1 $0x0  }
0x14: {  	s2 =	sld [smem:$0x3F97];
	s0 =	simm.s32 @p1 $0x1  }
0x15: {  	[smem:$0x3FB4] =	sst s0;
	s0 =	simm.s32 @!p2 $0x0  }
0x16: {  	s3 =	sld [smem:$0x3FDB];
	s0 =	simm.s32 @p2 $0x1  }
0x17: {  	s4 =	simm.s32 $0x1BF5;
	[smem:$0x3FB6] =	sst s0  }
0x18: {  	s0 =	sld [smem:$0x3F99];
	_ =	swait.ge [sflag:s4], $0x0  }
0x19: {  	s7 =	sld [smem:$0x3F9A]  }
0x1a: {  	s8 =	sadd.s32 $0xFFFFE003, lr  }
0x1b: {  	s9 =	sadd.s32 $0xFFFFFEF7, lr;
	s5 =	simm.s32 $0xFFFFFFFF;
	p2 =	slt.u32 s8, $0xFFFFF086  }
0x1c: {  	p1 =	slt.u32 s9, $0xF7A;
	s5 =	simm.s32 @!p2 $0x0  }
0x1d: {  	s5 =	simm.s32 @p1 $0x1;
	p0 =	seq.s32 s7, s2  }
0x1e: {  	s7 =	smul.u32 @!p0 $0xF7A, s2;
	p2 =	seq.s32 @!p0 s5, $0x0  }
0x1f: {  	s9 =	smul.u32 $0xF7A, s1;
	s8 =	simm.s32 @!p0 $0x1BF5;
	p2 =	por !p2, p0  }
0x20: {  	[sflag:s8] =	ssyncset.s32 @!p0 $0xFFFFF086;
	s6 =	sadd.s32 @!p0 s3, s7;
	s7 =	simm.s32 @!p0 $0x108  }
0x21: {  	s3 =	sadd.s32 s3, s9;
	s6 =	sadd.s32 @!p0 $0x88, s6;
	s7 =	simm.s32 @p2 $0x1082  }
0x22: {  	[simem:s7], [sflag:s8] =	dma.local @!p0 [hbm:s6], $0xF7A  }
0x23: {  	s9 =	sor.u32 $0xD0000000, s2;
	s6 =	simm.s32 $0x108;
	_ =	swait.ge @!p0 [sflag:s8], $0x0  }
0x24: {  	s3 =	sadd.s32 $0x88, s3;
	s6 =	simm.s32 @!p1 $0x1082;
	[sflag:s4] =	ssyncset.s32 $0xFFFFF086  }
0x25: {  	[simem:s6], [sflag:s4] =	dma.local [hbm:s3], $0xF7A  }
0x26: {  	[smem:$0x3F9A] =	sst s1;
	(tag) =	ssettag s2;
	_ =	strace s9  }
0x27: {  	s1 =	sld [smem:$0x3FAA]  }
0x28: {  	s2 =	sld [smem:$0x3FAB]  }
0x29: {  	s4 =	sld [smem:$0x3FAD]  }
0x2a: {  	p0 =	seq.s32 s5, $0x0;
	s5 =	sld [smem:$0x3FAE]  }
0x2b: {  	s6 =	sld [smem:$0x3FAF]  }
0x2c: {  	s7 =	sld [smem:$0x3FB0]  }
0x2d: {  	s3 =	simm.s32 $0x108;
	s8 =	sld [smem:$0x3FB1]  }
0x2e: {  	s3 =	simm.s32 @!p0 $0x1082;
	s9 =	sld [smem:$0x3FB2]  }
0x2f: {  	lr =	sadd.s32 s0, s3;
	s0 =	sld [smem:$0x3FA9]  }
0x30: {  	s3 =	sld [smem:$0x3FAC]  }
0x31: {  	[smem:$0x3FB5] =	sst s10  }
0x32: {  	s10 =	sld [smem:$0x3FB3];
	_ =	sdelay $0x3  }
0x33: {  	p0 =	seq.s32 s10, $0x1;
	s10 =	sld [smem:$0x3FB5];
	_ =	sdelay $0x3  }
0x34: {  	[smem:$0x3FB5] =	sst s10  }
0x35: {  	s10 =	sld [smem:$0x3FB4];
	_ =	sdelay $0x3  }
0x36: {  	p1 =	seq.s32 s10, $0x1;
	s10 =	sld [smem:$0x3FB5];
	_ =	sdelay $0x3  }
0x37: {  	[smem:$0x3FB5] =	sst s10  }
0x38: {  	s10 =	sld [smem:$0x3FB6]  }
0x39: {  	_ = 	snop;
	(pc) =	sbr.ind lr, $3  }
0x3a: {  	_ = 	snop  }
0x3b: {  	_ = 	snop  }
0x3c: {  	p2 =	seq.s32 s10, $0x1;
	s10 =	sld [smem:$0x3FB5]  }
0x3d: {  	_ =	shalt  }
0x3e: {  	_ =	shalt  }
0x3f: {  	_ =	shalt  }
0x40: {  	_ =	shalt  }
0x41: {  	_ =	shalt  }
0x42: {  	_ =	shalt  }
0x43: {  	_ =	shalt  }
0x44: {  	_ =	shalt  }
0x45: {  	_ =	shalt  }
0x46: {  	_ =	shalt  }
0x47: {  	_ =	shalt  }
0x48: {  	_ =	shalt  }
0x49: {  	_ =	shalt  }
0x4a: {  	_ =	shalt  }
0x4b: {  	_ =	shalt  }
0x4c: {  	_ =	shalt  }
0x4d: {  	_ =	shalt  }
0x4e: {  	_ =	shalt  }
0x4f: {  	_ =	shalt  }
0x50: {  	_ =	shalt  }
0x51: {  	_ =	shalt  }
0x52: {  	_ =	shalt  }
0x53: {  	_ =	shalt  }
0x54: {  	_ =	shalt  }
0x55: {  	_ =	shalt  }
0x56: {  	_ =	shalt  }
0x57: {  	_ =	shalt  }
0x58: {  	_ =	shalt  }
0x59: {  	_ =	shalt  }
0x5a: {  	_ =	shalt  }
0x5b: {  	_ =	shalt  }
0x5c: {  	_ =	shalt  }
0x5d: {  	_ =	shalt  }
0x5e: {  	_ =	shalt  }
0x5f: {  	_ =	shalt  }
0x60: {  	_ =	shalt  }
0x61: {  	_ =	shalt  }
0x62: {  	_ =	shalt  }
0x63: {  	_ =	shalt  }
0x64: {  	_ =	shalt  }
0x65: {  	_ =	shalt  }
0x66: {  	_ =	shalt  }
0x67: {  	_ =	shalt  }
0x68: {  	_ =	shalt  }
0x69: {  	_ =	shalt  }
0x6a: {  	_ =	shalt  }
0x6b: {  	_ =	shalt  }
0x6c: {  	_ =	shalt  }
0x6d: {  	_ =	shalt  }
0x6e: {  	_ =	shalt  }
0x6f: {  	_ =	shalt  }
0x70: {  	_ =	shalt  }
0x71: {  	_ =	shalt  }
0x72: {  	_ =	shalt  }
0x73: {  	_ =	shalt  }
0x74: {  	_ =	shalt  }
0x75: {  	_ =	shalt  }
0x76: {  	_ =	shalt  }
0x77: {  	_ =	shalt  }
0x78: {  	_ =	shalt  }
0x79: {  	_ =	shalt  }
0x7a: {  	_ =	shalt  }
0x7b: {  	_ =	shalt  }
0x7c: {  	_ =	shalt  }
0x7d: {  	_ =	shalt  }
0x7e: {  	_ =	shalt  }
0x7f: {  	_ =	shalt  }
0x80: {  	_ =	shalt  }
0x81: {  	_ =	shalt  }
0x82: {  	_ =	shalt  }
0x83: {  	_ =	shalt  }
0x84: {  	_ =	shalt  }
0x85: {  	_ =	shalt  }
0x86: {  	_ =	shalt  }
0x87: {  	_ =	shalt  }
.Lfunc_end0:
.L_simem_size_0:
called_computation.2_lowered:
.L_overlay_start_0:
0x88: {  	s2 =	sld [smem:$0x3FD9]  }
0x89: {  	s3 =	sld [smem:$0x3FFE];
	_ =	sdelay $0x1  }
0x8a: {  	s1 =	srdreg.scid  }
0x8b: {  	s0 =	sand.u32 $0x1, s1  }
0x8c: {  	s17 =	sshll.u32 s0, $0xA;
	s2 =	sadd.s32 s3, s2  }
0x8d: {  	s2 =	sadd.s32 s2, s17  }
0x8e: {  	[smem:$0x3FC1] =	sst s2  }
0x8f: {  	_ = 	snop  }
0x90: {  	s2 =	sld [smem:$0x3FD0];
	(tm) =	ssettm $0x1  }
0x91: {  	s18 =	sld [smem:$0x3FFB];
	_ =	sdelay $0x3  }
0x92: {  	_ =	strace s18  }
0x93: {  	s3 =	sld [smem:$0x3FFC];
	_ =	sdelay $0x3  }
0x94: {  	_ =	strace s3  }
0x95: {  	s3 =	sld [smem:$0x3FFD];
	_ =	sdelay $0x3  }
0x96: {  	_ =	strace s3  }
0x97: {  	_ =	strace $0x8FFFFFFF  }
0x98: {  	s19 =	sld [smem:$0x3FDB];
	_ =	sdelay $0x1  }
0x99: {  	s4 =	simm.s32 $_scs_section_size  }
0x9a: {  	s5 =	simm.s32 $_size__tile_overlayer_lowered;
	s6 =	simm.s32 $_tile_overlayer_lowered  }
0x9b: {  	s22 =	simm.s32 $0x1BFF;
	s21 =	sshll.u32 s6, $0x1;
	s3 =	sadd.s32 s4, s19  }
0x9c: {  	s7 =	simm.s32 $0x0;
	s20 =	sshll.u32 s5, $0x1;
	s5 =	sadd.s32 s21, s3  }
0x9d: {  	[timem:s7], [sflag:s22] =	dma.local [hbm:s5], s20  }
0x9e: {  	_ =	swait.ge [sflag:s22], s20  }
0x9f: {  	s4 =	ssub.s32 $0x0, s20;
	[sflag:s22] =	ssyncset.done $0x0  }
0xa0: {  	[sflag:s22] =	ssyncadd.s32 s4;
	_ =	sdelay $0x1  }
0xa1: {  	s23 =	simm.s32 $0x1B8B  }
0xa2: {  	_ =	swait.ge [sflag:s23], $0x1  }
0xa3: {  	[sflag:s23] =	ssyncset.done $0x0  }
0xa4: {  	s25 =	simm.s32 $0x1B8E;
	s24 =	sld [smem:$0x3FFE];
	[sflag:s23] =	ssyncadd.s32 $0xFFFFFFFF  }
0xa5: {  	s26 =	simm.s32 $execute0_lowered;
	[smem:$0x3FD2] =	sst s25  }
0xa6: {  	s5 =	sshll.u32 s26, $0x1;
	_ =	strace $0x8000004C;
	[dreg:$0x1] =	wrdreg $0xFFFFFFFF  }
0xa7: {  	s28 =	simm.s32 $_size_execute0_lowered;
	s3 =	sadd.s32 s3, s5;
	[dreg:$0x0] =	wrdreg $0x0  }
0xa8: {  	s5 =	sshll.u32 s28, $0x1;
	[dreg:$0x2] =	wrdreg s3  }
0xa9: {  	[dreg:$0x3] =	wrdreg s5  }
0xaa: {  	[dreg:$0x4] =	wrdreg $0xC0  }
0xab: {  	_ =	task [dreg:s7], $0x5FFFF  }
0xac: {  	[dreg:$0x1] =	wrdreg $0xFFFFFFFF  }
0xad: {  	[dreg:$0x0] =	wrdreg $0x60  }
0xae: {  	[dreg:$0x2] =	wrdreg s2  }
0xaf: {  	[dreg:$0x3] =	wrdreg s24  }
0xb0: {  	[dreg:$0x4] =	wrdreg $0x0  }
0xb1: {  	[dreg:$0x5] =	wrdreg $0x9  }
0xb2: {  	_ =	task.clear_ibuf [dreg:s7], $0x6FFFF;
	_ =	strace $0x9000004C  }
0xb3: {  	s29 =	simm.s32 $0x9;
	_ =	strace $0x8000004E  }
0xb4: {  	_ =	swait.ge [sflag:s29], $0x1  }
0xb5: {  	[sflag:s29] =	ssyncadd.s32 $0xFFFFFFFF  }
0xb6: {  	_ =	strace $0x9000004E  }
0xb7: {  	_ =	sfence  }
0xb8: {  	s30 =	sld [smem:$0x0];
	_ =	sdelay $0x2  }
0xb9: {  	s31 =	sshll.u32 s1, $0xD;
	s1 =	sshrl.u32 s1, $0x2  }
0xba: {  	s3 =	sand.u32 $0x4000, s31;
	s1 =	sadd.s32 s1, s30  }
0xbb: {  	s0 =	sor.u32 s3, s0;
	s1 =	sshll.u32 s1, $0x11  }
0xbc: {  	s0 =	sor.u32 s1, s0  }
0xbd: {  	s0 =	sadd.s32 $0x8F2B, s0  }
0xbe: {  	[sflag:s0] =	ssyncadd.remote.s32 $0x1  }
0xbf: {  	_ =	sfence.sel $0xFFFF  }
0xc0: {  	[dreg:$0x0] =	wrdreg $0xFFFFFFFF;
	(pc) =	sbr.abs _section_cstart, $3  }
0xc1: {  	[dreg:$0x1] =	wrdreg $0xFFFFFFFF  }
0xc2: {  	_ =	task.clear_ibuf [dreg:s7], $0x2FFFF;
	_ =	strace $0x9FFFFFFF  }
0xc3: {  	(tm) =	ssettm $0x7FFFFFFF  }
tec
execute0_lowered:
.L_overlay_start_1:
0x0: {  	(tag) =	ssettag $0x1  }
0x1: {  	s1 =	rddreg [dreg:$0x0]  }
0x2: {  	s7 =	rddreg [dreg:$0x1]  }
0x3: {  	s2 =	rddreg [dreg:$0x2]  }
0x4: {  	s3 =	srdreg.scid;
	s0 =	rddreg [dreg:$0x3];
	s4 =	simm.s32 $0x0  }
0x5: {  	s15 =	simm.s32 $0x14100;
	s16 =	simm.s32 $0x2;
	s17 =	simm.s32 $0x14000  }
0x6: {  	s18 =	simm.s32 $0x14080;
	s19 =	simm.s32 $0x80;
	s8 =	sand.u32 $0x1, s3  }
0x7: {  	s20 =	simm.s32 $0x1;
	s3 =	stileid.u32;
	s6 =	smul.u32 $0x140000, s8  }
0x8: {  	s23 =	simm.s32 $0x0;
	[smem:$0x7FF] =	sst s4;
	s9 =	smul.u32 $0x14000, s3  }
0x9: {  	s5 =	sadd.s32 $0x3400, s7;
	_ =	strace $0x8000004D;
	s10 =	smul.u32 $0x50000, s3  }
0xa: {  	s11 =	ssub.s32 $0x2, s8;
	s8 =	sshll.u32 s8, $0x4;
	s21 =	sshll.u32 s3, $0x6  }
0xb: {  	s30 =	sshrl.u32 s11, $0x1;
	s12 =	sor.u32 s3, s8;
	s21 =	sor.u32 $0x1C02, s21  }
0xc: {  	s9 =	sadd.s32 s9, s6;
	s6 =	sadd.s32 $0xD400, s7;
	s31 =	sshrl.u32 s10, $0x2  }
0xd: {  	s14 =	ssub.s32 s11, s30;
	s12 =	smul.u32 $0x2800, s12;
	s9 =	sshrl.u32 s9, $0x3  }
0xe: {  	s14 =	smax.u32 s14, $0x1;
	s13 =	sadd.s32 s9, s7;
	s7 =	sadd.s32 s31, s2  }
0xf: {  	s8 =	sadd.s32 $0x4000, s7;
	s9 =	sadd.s32 $0x8000, s7;
	s10 =	sadd.s32 $0xC000, s7  }
0x10: {  	v0 =	vimm.f32 $0.0e+00;
	s11 =	sadd.s32 $0x10000, s7;
	s13 =	sadd.s32 $0x65600, s13;
	s22 =	sshrl.u32 s7, $0x3  }
.LBB2_1:
0x11: {  	s24 =	simm.s32 $0x0;
	s25 =	simm.s32 $0x200  }
.LBB2_2:
0x12: {  	p0 =	sne.s32 s25, $0xFE00;
	[tilespmem:s24+$0x14170] =	vst v0  }
0x13: {  	[tilespmem:s24+$0x14100] =	vst v0  }
0x14: {  	[tilespmem:s24+$0x14110] =	vst v0  }
.Ltmp0:
0x15: {  	[tilespmem:s24+$0x14120] =	vst v0;
	(pc) =	sbr.rel @p0 .LBB2_2-.Ltmp0, $4  }
0x16: {  	[tilespmem:s24+$0x14130] =	vst v0  }
0x17: {  	[tilespmem:s24+$0x14140] =	vst v0  }
0x18: {  	[tilespmem:s24+$0x14150] =	vst v0  }
0x19: {  	[tilespmem:s24+$0x14160] =	vst v0;
	s24 =	sshra.s32 s25, $0x2;
	s25 =	sadd.s32 $0x200, s25  }
0x1a: {  	[tilespmem:s24+$0x14170] =	vst v0  }
0x1b: {  	[tilespmem:s24+$0x14100] =	vst v0  }
0x1c: {  	[tilespmem:s24+$0x14110] =	vst v0  }
0x1d: {  	[tilespmem:s24+$0x14120] =	vst v0  }
0x1e: {  	[tilespmem:s24+$0x14130] =	vst v0  }
0x1f: {  	[tilespmem:s24+$0x14140] =	vst v0  }
0x20: {  	[tilespmem:s24+$0x14150] =	vst v0  }
0x21: {  	[tilespmem:s24+$0x14160] =	vst v0  }
0x22: {  	[spmem:s7] =	stream.linear.scatter [tilespmem:s15], [sflag:$0x2], $0x4000, $0x38;
	[tilespmem:$0x18100] =	vst v63  }
0x23: {  	_ =	swait.ge [sflag:s16], $0x4000  }
0x24: {  	[sflag:s16] =	ssyncset.done $0x0  }
0x25: {  	[sflag:s16] =	ssyncadd.s32 $0xFFFFC000  }
0x26: {  	[spmem:s8] =	stream.linear.scatter [tilespmem:s15], [sflag:$0x2], $0x4000, $0x38;
	[tilespmem:$0x18100] =	vst v63  }
0x27: {  	_ =	swait.ge [sflag:s16], $0x4000  }
0x28: {  	[sflag:s16] =	ssyncset.done $0x0  }
0x29: {  	[sflag:s16] =	ssyncadd.s32 $0xFFFFC000  }
0x2a: {  	[spmem:s9] =	stream.linear.scatter [tilespmem:s15], [sflag:$0x2], $0x4000, $0x38;
	[tilespmem:$0x18100] =	vst v63  }
0x2b: {  	_ =	swait.ge [sflag:s16], $0x4000  }
0x2c: {  	[sflag:s16] =	ssyncset.done $0x0  }
0x2d: {  	[sflag:s16] =	ssyncadd.s32 $0xFFFFC000  }
0x2e: {  	[spmem:s10] =	stream.linear.scatter [tilespmem:s15], [sflag:$0x2], $0x4000, $0x38;
	[tilespmem:$0x18100] =	vst v63  }
0x2f: {  	_ =	swait.ge [sflag:s16], $0x4000  }
0x30: {  	s28 =	simm.s32 $0x0;
	[sflag:s16] =	ssyncset.done $0x0  }
0x31: {  	s25 =	sand.u32 $0x3C00, s28;
	[sflag:s16] =	ssyncadd.s32 $0xFFFFC000  }
0x32: {  	[spmem:s11] =	stream.linear.scatter [tilespmem:s15], [sflag:$0x2], $0x4000, $0x38;
	[tilespmem:$0x18100] =	vst v63  }
0x33: {  	s24 =	sand.u32 $0x380, s28;
	s25 =	sadd.s32 s12, s25;
	_ =	swait.ge [sflag:s16], $0x4000  }
0x34: {  	s24 =	sor.u32 s24, s25;
	[sflag:s16] =	ssyncset.done $0x0  }
0x35: {  	s24 =	sshrl.u32 s24, $0x3;
	[sflag:s16] =	ssyncadd.s32 $0xFFFFC000  }
0x36: {  	s29 =	sadd.s32 s5, s24;
	[bflag:$0x0] =	sbarrier.arrive $0xFFFF  }
0x37: {  	[tilespmem:s17], [sflag:$0x2] =	stream.linear.gather [hbm4b:s29+s4], $0x80, $0x38;
	[tilespmem:$0x18100] =	vst v63  }
0x38: {  	_ =	swait.ge [sflag:s16], $0x80  }
0x39: {  	[sflag:s16] =	ssyncset.done $0x0  }
0x3a: {  	s24 =	sadd.s32 s6, s24;
	[sflag:s16] =	ssyncadd.s32 $0xFFFFFF80  }
0x3b: {  	[tilespmem:s18], [sflag:$0x2] =	stream.linear.gather [hbm4b:s24+s4], $0x80, $0x38;
	[tilespmem:$0x18100] =	vst v63  }
0x3c: {  	_ =	swait.ge [sflag:s16], $0x80  }
0x3d: {  	[sflag:s16] =	ssyncset.done $0x0  }
0x3e: {  	[sflag:s16] =	ssyncadd.s32 $0xFFFFFF80  }
0x3f: {  	[tilespmem:s15], [sflag:$0x1] =	stream.indirect.gather [hbm4b:s1+s19], $0x80, s17, s19, $0xb8;
	[tilespmem:$0x18100] =	vst v63  }
0x40: {  	_ =	swait.ge [sflag:s20], $0x4000  }
0x41: {  	s30 =	simm.s32 $0x80;
	[sflag:s20] =	ssyncset.done $0x0  }
0x42: {  	s31 =	sand.u32 $0x3C00, s30;
	[sflag:s20] =	ssyncadd.s32 $0xFFFFC000  }
0x43: {  	[spmem:s2] =	stream.indirect.scatter.add.f32 [tilespmem:s15], [sflag:$0x2], $0x80, s18, s19, $0xb8;
	[tilespmem:$0x18100] =	vst v63  }
0x44: {  	s26 =	sand.u32 $0x380, s30;
	s25 =	sadd.s32 s12, s31;
	_ =	swait.ge [sflag:s16], $0x4000  }
0x45: {  	s25 =	sor.u32 s26, s25;
	s24 =	simm.s32 $0x100;
	[sflag:s16] =	ssyncset.done $0x0  }
.LBB2_4:
0x46: {  	s25 =	sshrl.u32 s25, $0x3  }
0x47: {  	[sflag:s16] =	ssyncadd.s32 $0xFFFFC000;
	s26 =	smov.u32 s24;
	s28 =	sadd.s32 $0x80, s24  }
0x48: {  	p0 =	sne.s32 s24, $0x2700;
	s24 =	sadd.s32 s5, s25  }
0x49: {  	[tilespmem:s17], [sflag:$0x2] =	stream.linear.gather [hbm4b:s24+s4], $0x80, $0x38;
	[tilespmem:$0x18100] =	vst v63  }
0x4a: {  	_ =	swait.ge [sflag:s16], $0x80  }
0x4b: {  	[sflag:s16] =	ssyncset.done $0x0  }
0x4c: {  	s24 =	sadd.s32 s6, s25;
	[sflag:s16] =	ssyncadd.s32 $0xFFFFFF80  }
0x4d: {  	[tilespmem:s18], [sflag:$0x2] =	stream.linear.gather [hbm4b:s24+s4], $0x80, $0x38;
	[tilespmem:$0x18100] =	vst v63  }
0x4e: {  	_ =	swait.ge [sflag:s16], $0x80  }
0x4f: {  	[sflag:s16] =	ssyncset.done $0x0  }
0x50: {  	[sflag:s16] =	ssyncadd.s32 $0xFFFFFF80  }
0x51: {  	[tilespmem:s15], [sflag:$0x1] =	stream.indirect.gather [hbm4b:s1+s19], $0x80, s17, s19, $0xb8;
	[tilespmem:$0x18100] =	vst v63  }
0x52: {  	_ =	swait.ge [sflag:s20], $0x4000  }
.Ltmp1:
0x53: {  	[sflag:s20] =	ssyncset.done $0x0;
	(pc) =	sbr.rel @p0 .LBB2_4-.Ltmp1, $4  }
0x54: {  	s24 =	sand.u32 $0x3C00, s26;
	[sflag:s20] =	ssyncadd.s32 $0xFFFFC000  }
0x55: {  	[spmem:s2] =	stream.indirect.scatter.add.f32 [tilespmem:s15], [sflag:$0x2], $0x80, s18, s19, $0xb8;
	[tilespmem:$0x18100] =	vst v63  }
0x56: {  	s25 =	sand.u32 $0x380, s26;
	s24 =	sadd.s32 s12, s24;
	_ =	swait.ge [sflag:s16], $0x4000  }
0x57: {  	s25 =	sor.u32 s25, s24;
	s24 =	smov.u32 s28;
	[sflag:s16] =	ssyncset.done $0x0  }
0x58: {  	s24 =	sshrl.u32 s25, $0x3  }
0x59: {  	[sflag:s16] =	ssyncadd.s32 $0xFFFFC000;
	s25 =	sadd.s32 s5, s24  }
0x5a: {  	[tilespmem:s17], [sflag:$0x2] =	stream.linear.gather [hbm4b:s25+s4], $0x80, $0x38;
	[tilespmem:$0x18100] =	vst v63  }
0x5b: {  	_ =	swait.ge [sflag:s16], $0x80  }
0x5c: {  	[sflag:s16] =	ssyncset.done $0x0  }
0x5d: {  	s24 =	sadd.s32 s6, s24;
	[sflag:s16] =	ssyncadd.s32 $0xFFFFFF80  }
0x5e: {  	[tilespmem:s18], [sflag:$0x2] =	stream.linear.gather [hbm4b:s24+s4], $0x80, $0x38;
	[tilespmem:$0x18100] =	vst v63  }
0x5f: {  	_ =	swait.ge [sflag:s16], $0x80  }
0x60: {  	[sflag:s16] =	ssyncset.done $0x0  }
0x61: {  	[sflag:s16] =	ssyncadd.s32 $0xFFFFFF80  }
0x62: {  	[tilespmem:s15], [sflag:$0x1] =	stream.indirect.gather [hbm4b:s1+s19], $0x80, s17, s19, $0xb8;
	[tilespmem:$0x18100] =	vst v63  }
0x63: {  	_ =	swait.ge [sflag:s20], $0x4000  }
0x64: {  	[sflag:s20] =	ssyncset.done $0x0  }
0x65: {  	[sflag:s20] =	ssyncadd.s32 $0xFFFFC000  }
0x66: {  	[spmem:s2] =	stream.indirect.scatter.add.f32 [tilespmem:s15], [sflag:$0x2], $0x80, s18, s19, $0xb8;
	[tilespmem:$0x18100] =	vst v63  }
0x67: {  	_ =	swait.ge [sflag:s16], $0x4000  }
0x68: {  	s23 =	sadd.s32 $0x1, s23;
	[sflag:s16] =	ssyncset.done $0x0  }
0x69: {  	p0 =	sne.s32 s23, s14;
	[sflag:s16] =	ssyncadd.s32 $0xFFFFC000  }
.Ltmp2:
0x6a: {  	[bflag:$0x0] =	sbarrier.arrive $0xFFFF;
	(pc) =	sbr.rel @p0 .LBB2_1-.Ltmp2, $4  }
0x6b: {  	[hbm:s13], [sflag:s21] =	dma.local [spmem:s22], $0x2800  }
0x6c: {  	_ =	swait.ge [sflag:s16], $0x2800  }
0x6d: {  	[sflag:s16] =	ssyncset.done $0x0  }
0x6e: {  	[sflag:s16] =	ssyncadd.s32 $0xFFFFD800  }
0x6f: {  	_ =	sfence.sel $0x180000  }
0x70: {  	[bflag:$0x0] =	sbarrier.arrive $0xFFFF  }
0x71: {  	p0 =	sne.s32 s3, $0x0;
	_ =	strace $0x9000004D  }
0x72: {  	s0 =	sadd.s32 @!p0 $0x100000, s0;
	[bflag:$0x2] =	sbarrier.arrive $0xFFFF  }
0x73: {  	[sflag:s0] =	ssyncadd.tile.s32 @!p0 $0x1;
	_ =	shalt  }
.Lfunc_end2:
_tile_overlayer_lowered:
.L_overlay_start_2:
0x74: {  	(tag) =	ssettag $0x2  }
0x75: {  	s0 =	rddreg [dreg:$0x0];
	s2 =	stileid.u32  }
0x76: {  	s1 =	rddreg [dreg:$0x1];
	p0 =	sne.s32 s2, $0x0  }
0x77: {  	s3 =	rddreg [dreg:$0x2];
	[bflag:$0x3] =	sbarrier.arrive $0xFFFF;
	s2 =	simm.s32 @!p0 $0x1C02  }
0x78: {  	[timem:s3], [sflag:s2] =	dma.local @!p0 [hbm:s0], s1  }
0x79: {  	s0 =	simm.s32 @!p0 $0x2  }
0x7a: {  	_ =	swait.ge @!p0 [sflag:s0], s1  }
0x7b: {  	s1 =	ssub.s32 @!p0 $0x0, s1;
	[sflag:s0] =	ssyncset.done @!p0 $0x0  }
0x7c: {  	[sflag:s0] =	ssyncadd.s32 @!p0 s1  }
0x7d: {  	[bflag:$0x3] =	sbarrier.arrive $0xFFFF  }
0x7e: {  	_ =	shalt  }

// kernel: kernel.7.cloned.1.call-start
scs
__scs_entry_jumppad:
0x0: {  	(pc) =	sbr.rel $0x88, $3  }
0x1: {  	(tag) =	ssettag $0x0;
	lr =	simm.s32 $0x1  }
0x2: {  	[smem:$0x3F9A] =	sst lr;
	_ =	strace $0xD0000000  }
0x3: {  	_ = 	snop  }
0x4: {  	_ = 	snop  }
0x5: {  	_ = 	snop  }
0x6: {  	_ = 	snop  }
0x7: {  	_ = 	snop  }
__scs_overlays_trampoline_lowered:
0x8: {  	[smem:$0x3FA9] =	sst s0  }
0x9: {  	[smem:$0x3FAA] =	sst s1  }
0xa: {  	[smem:$0x3FAB] =	sst s2  }
0xb: {  	[smem:$0x3FAC] =	sst s3  }
0xc: {  	[smem:$0x3FAD] =	sst s4  }
0xd: {  	[smem:$0x3FAE] =	sst s5  }
0xe: {  	[smem:$0x3FAF] =	sst s6  }
0xf: {  	[smem:$0x3FB0] =	sst s7  }
0x10: {  	[smem:$0x3FB1] =	sst s8  }
0x11: {  	[smem:$0x3FB2] =	sst s9;
	s0 =	simm.s32 @!p0 $0x0  }
0x12: {  	s1 =	sld [smem:$0x3F98];
	s0 =	simm.s32 @p0 $0x1  }
0x13: {  	[smem:$0x3FB3] =	sst s0;
	s0 =	simm.s32 @!p1 $0x0  }
0x14: {  	s2 =	sld [smem:$0x3F97];
	s0 =	simm.s32 @p1 $0x1  }
0x15: {  	[smem:$0x3FB4] =	sst s0;
	s0 =	simm.s32 @!p2 $0x0  }
0x16: {  	s3 =	sld [smem:$0x3FDB];
	s0 =	simm.s32 @p2 $0x1  }
0x17: {  	s4 =	simm.s32 $0x1BF5;
	[smem:$0x3FB6] =	sst s0  }
0x18: {  	s0 =	sld [smem:$0x3F99];
	_ =	swait.ge [sflag:s4], $0x0  }
0x19: {  	s7 =	sld [smem:$0x3F9A]  }
0x1a: {  	s8 =	sadd.s32 $0xFFFFE003, lr  }
0x1b: {  	s9 =	sadd.s32 $0xFFFFFEF7, lr;
	s5 =	simm.s32 $0xFFFFFFFF;
	p2 =	slt.u32 s8, $0xFFFFF086  }
0x1c: {  	p1 =	slt.u32 s9, $0xF7A;
	s5 =	simm.s32 @!p2 $0x0  }
0x1d: {  	s5 =	simm.s32 @p1 $0x1;
	p0 =	seq.s32 s7, s2  }
0x1e: {  	s7 =	smul.u32 @!p0 $0xF7A, s2;
	p2 =	seq.s32 @!p0 s5, $0x0  }
0x1f: {  	s9 =	smul.u32 $0xF7A, s1;
	s8 =	simm.s32 @!p0 $0x1BF5;
	p2 =	por !p2, p0  }
0x20: {  	[sflag:s8] =	ssyncset.s32 @!p0 $0xFFFFF086;
	s6 =	sadd.s32 @!p0 s3, s7;
	s7 =	simm.s32 @!p0 $0x108  }
0x21: {  	s3 =	sadd.s32 s3, s9;
	s6 =	sadd.s32 @!p0 $0x88, s6;
	s7 =	simm.s32 @p2 $0x1082  }
0x22: {  	[simem:s7], [sflag:s8] =	dma.local @!p0 [hbm:s6], $0xF7A  }
0x23: {  	s9 =	sor.u32 $0xD0000000, s2;
	s6 =	simm.s32 $0x108;
	_ =	swait.ge @!p0 [sflag:s8], $0x0  }
0x24: {  	s3 =	sadd.s32 $0x88, s3;
	s6 =	simm.s32 @!p1 $0x1082;
	[sflag:s4] =	ssyncset.s32 $0xFFFFF086  }
0x25: {  	[simem:s6], [sflag:s4] =	dma.local [hbm:s3], $0xF7A  }
0x26: {  	[smem:$0x3F9A] =	sst s1;
	(tag) =	ssettag s2;
	_ =	strace s9  }
0x27: {  	s1 =	sld [smem:$0x3FAA]  }
0x28: {  	s2 =	sld [smem:$0x3FAB]  }
0x29: {  	s4 =	sld [smem:$0x3FAD]  }
0x2a: {  	p0 =	seq.s32 s5, $0x0;
	s5 =	sld [smem:$0x3FAE]  }
0x2b: {  	s6 =	sld [smem:$0x3FAF]  }
0x2c: {  	s7 =	sld [smem:$0x3FB0]  }
0x2d: {  	s3 =	simm.s32 $0x108;
	s8 =	sld [smem:$0x3FB1]  }
0x2e: {  	s3 =	simm.s32 @!p0 $0x1082;
	s9 =	sld [smem:$0x3FB2]  }
0x2f: {  	lr =	sadd.s32 s0, s3;
	s0 =	sld [smem:$0x3FA9]  }
0x30: {  	s3 =	sld [smem:$0x3FAC]  }
0x31: {  	[smem:$0x3FB5] =	sst s10  }
0x32: {  	s10 =	sld [smem:$0x3FB3];
	_ =	sdelay $0x3  }
0x33: {  	p0 =	seq.s32 s10, $0x1;
	s10 =	sld [smem:$0x3FB5];
	_ =	sdelay $0x3  }
0x34: {  	[smem:$0x3FB5] =	sst s10  }
0x35: {  	s10 =	sld [smem:$0x3FB4];
	_ =	sdelay $0x3  }
0x36: {  	p1 =	seq.s32 s10, $0x1;
	s10 =	sld [smem:$0x3FB5];
	_ =	sdelay $0x3  }
0x37: {  	[smem:$0x3FB5] =	sst s10  }
0x38: {  	s10 =	sld [smem:$0x3FB6]  }
0x39: {  	_ = 	snop;
	(pc) =	sbr.ind lr, $3  }
0x3a: {  	_ = 	snop  }
0x3b: {  	_ = 	snop  }
0x3c: {  	p2 =	seq.s32 s10, $0x1;
	s10 =	sld [smem:$0x3FB5]  }
0x3d: {  	_ =	shalt  }
0x3e: {  	_ =	shalt  }
0x3f: {  	_ =	shalt  }
0x40: {  	_ =	shalt  }
0x41: {  	_ =	shalt  }
0x42: {  	_ =	shalt  }
0x43: {  	_ =	shalt  }
0x44: {  	_ =	shalt  }
0x45: {  	_ =	shalt  }
0x46: {  	_ =	shalt  }
0x47: {  	_ =	shalt  }
0x48: {  	_ =	shalt  }
0x49: {  	_ =	shalt  }
0x4a: {  	_ =	shalt  }
0x4b: {  	_ =	shalt  }
0x4c: {  	_ =	shalt  }
0x4d: {  	_ =	shalt  }
0x4e: {  	_ =	shalt  }
0x4f: {  	_ =	shalt  }
0x50: {  	_ =	shalt  }
0x51: {  	_ =	shalt  }
0x52: {  	_ =	shalt  }
0x53: {  	_ =	shalt  }
0x54: {  	_ =	shalt  }
0x55: {  	_ =	shalt  }
0x56: {  	_ =	shalt  }
0x57: {  	_ =	shalt  }
0x58: {  	_ =	shalt  }
0x59: {  	_ =	shalt  }
0x5a: {  	_ =	shalt  }
0x5b: {  	_ =	shalt  }
0x5c: {  	_ =	shalt  }
0x5d: {  	_ =	shalt  }
0x5e: {  	_ =	shalt  }
0x5f: {  	_ =	shalt  }
0x60: {  	_ =	shalt  }
0x61: {  	_ =	shalt  }
0x62: {  	_ =	shalt  }
0x63: {  	_ =	shalt  }
0x64: {  	_ =	shalt  }
0x65: {  	_ =	shalt  }
0x66: {  	_ =	shalt  }
0x67: {  	_ =	shalt  }
0x68: {  	_ =	shalt  }
0x69: {  	_ =	shalt  }
0x6a: {  	_ =	shalt  }
0x6b: {  	_ =	shalt  }
0x6c: {  	_ =	shalt  }
0x6d: {  	_ =	shalt  }
0x6e: {  	_ =	shalt  }
0x6f: {  	_ =	shalt  }
0x70: {  	_ =	shalt  }
0x71: {  	_ =	shalt  }
0x72: {  	_ =	shalt  }
0x73: {  	_ =	shalt  }
0x74: {  	_ =	shalt  }
0x75: {  	_ =	shalt  }
0x76: {  	_ =	shalt  }
0x77: {  	_ =	shalt  }
0x78: {  	_ =	shalt  }
0x79: {  	_ =	shalt  }
0x7a: {  	_ =	shalt  }
0x7b: {  	_ =	shalt  }
0x7c: {  	_ =	shalt  }
0x7d: {  	_ =	shalt  }
0x7e: {  	_ =	shalt  }
0x7f: {  	_ =	shalt  }
0x80: {  	_ =	shalt  }
0x81: {  	_ =	shalt  }
0x82: {  	_ =	shalt  }
0x83: {  	_ =	shalt  }
0x84: {  	_ =	shalt  }
0x85: {  	_ =	shalt  }
0x86: {  	_ =	shalt  }
0x87: {  	_ =	shalt  }
.Lfunc_end0:
.L_simem_size_0:
called_computation_lowered:
.L_overlay_start_0:
0x88: {  	s2 =	sld [smem:$0x3FD9]  }
0x89: {  	s3 =	sld [smem:$0x3FFE];
	_ =	sdelay $0x1  }
0x8a: {  	s1 =	srdreg.scid  }
0x8b: {  	s0 =	sand.u32 $0x1, s1  }
0x8c: {  	s17 =	sshll.u32 s0, $0xA;
	s2 =	sadd.s32 s3, s2  }
0x8d: {  	s2 =	sadd.s32 s2, s17  }
0x8e: {  	[smem:$0x3FC1] =	sst s2  }
0x8f: {  	_ = 	snop  }
0x90: {  	s2 =	sld [smem:$0x3FC9];
	(tm) =	ssettm $0x1  }
0x91: {  	s18 =	sld [smem:$0x3FFB];
	_ =	sdelay $0x3  }
0x92: {  	_ =	strace s18  }
0x93: {  	s3 =	sld [smem:$0x3FFC];
	_ =	sdelay $0x3  }
0x94: {  	_ =	strace s3  }
0x95: {  	s3 =	sld [smem:$0x3FFD];
	_ =	sdelay $0x3  }
0x96: {  	_ =	strace s3  }
0x97: {  	_ =	strace $0x8FFFFFFF  }
0x98: {  	s19 =	sld [smem:$0x3FDB];
	_ =	sdelay $0x1  }
0x99: {  	s4 =	simm.s32 $_scs_section_size  }
0x9a: {  	s5 =	simm.s32 $_size__tile_overlayer_lowered;
	s6 =	simm.s32 $_tile_overlayer_lowered  }
0x9b: {  	s22 =	simm.s32 $0x1BFF;
	s21 =	sshll.u32 s6, $0x1;
	s3 =	sadd.s32 s4, s19  }
0x9c: {  	s7 =	simm.s32 $0x0;
	s20 =	sshll.u32 s5, $0x1;
	s5 =	sadd.s32 s21, s3  }
0x9d: {  	[timem:s7], [sflag:s22] =	dma.local [hbm:s5], s20  }
0x9e: {  	_ =	swait.ge [sflag:s22], s20  }
0x9f: {  	s4 =	ssub.s32 $0x0, s20;
	[sflag:s22] =	ssyncset.done $0x0  }
0xa0: {  	[sflag:s22] =	ssyncadd.s32 s4;
	_ =	sdelay $0x1  }
0xa1: {  	s23 =	simm.s32 $0x1B8B  }
0xa2: {  	_ =	swait.ge [sflag:s23], $0x1  }
0xa3: {  	[sflag:s23] =	ssyncset.done $0x0  }
0xa4: {  	s25 =	simm.s32 $0x1B8E;
	s24 =	sld [smem:$0x3FFE];
	[sflag:s23] =	ssyncadd.s32 $0xFFFFFFFF  }
0xa5: {  	s26 =	simm.s32 $execute0_lowered;
	[smem:$0x3FD2] =	sst s25  }
0xa6: {  	s5 =	sshll.u32 s26, $0x1;
	_ =	strace $0x80000046;
	[dreg:$0x1] =	wrdreg $0xFFFFFFFF  }
0xa7: {  	s28 =	simm.s32 $_size_execute0_lowered;
	s3 =	sadd.s32 s3, s5;
	[dreg:$0x0] =	wrdreg $0x0  }
0xa8: {  	s5 =	sshll.u32 s28, $0x1;
	[dreg:$0x2] =	wrdreg s3  }
0xa9: {  	[dreg:$0x3] =	wrdreg s5  }
0xaa: {  	[dreg:$0x4] =	wrdreg $0xC0  }
0xab: {  	_ =	task [dreg:s7], $0x5FFFF  }
0xac: {  	[dreg:$0x1] =	wrdreg $0xFFFFFFFF  }
0xad: {  	[dreg:$0x0] =	wrdreg $0x60  }
0xae: {  	[dreg:$0x2] =	wrdreg s2  }
0xaf: {  	[dreg:$0x3] =	wrdreg s24  }
0xb0: {  	[dreg:$0x4] =	wrdreg $0x0  }
0xb1: {  	[dreg:$0x5] =	wrdreg $0x9  }
0xb2: {  	_ =	task.clear_ibuf [dreg:s7], $0x6FFFF;
	_ =	strace $0x90000046  }
0xb3: {  	s29 =	simm.s32 $0x9;
	_ =	strace $0x80000048  }
0xb4: {  	_ =	swait.ge [sflag:s29], $0x1  }
0xb5: {  	[sflag:s29] =	ssyncadd.s32 $0xFFFFFFFF  }
0xb6: {  	_ =	strace $0x90000048  }
0xb7: {  	_ =	sfence  }
0xb8: {  	s30 =	sld [smem:$0x0];
	_ =	sdelay $0x2  }
0xb9: {  	s31 =	sshll.u32 s1, $0xD;
	s1 =	sshrl.u32 s1, $0x2  }
0xba: {  	s3 =	sand.u32 $0x4000, s31;
	s1 =	sadd.s32 s1, s30  }
0xbb: {  	s0 =	sor.u32 s3, s0;
	s1 =	sshll.u32 s1, $0x11  }
0xbc: {  	s0 =	sor.u32 s1, s0  }
0xbd: {  	s0 =	sadd.s32 $0x8F2B, s0  }
0xbe: {  	[sflag:s0] =	ssyncadd.remote.s32 $0x1  }
0xbf: {  	_ =	sfence.sel $0xFFFF  }
0xc0: {  	[dreg:$0x0] =	wrdreg $0xFFFFFFFF;
	(pc) =	sbr.abs _section_cstart, $3  }
0xc1: {  	[dreg:$0x1] =	wrdreg $0xFFFFFFFF  }
0xc2: {  	_ =	task.clear_ibuf [dreg:s7], $0x2FFFF;
	_ =	strace $0x9FFFFFFF  }
0xc3: {  	(tm) =	ssettm $0x7FFFFFFF  }
tec
execute0_lowered:
.L_overlay_start_1:
0x0: {  	(tag) =	ssettag $0x1  }
0x1: {  	s1 =	rddreg [dreg:$0x0]  }
0x2: {  	s7 =	rddreg [dreg:$0x1]  }
0x3: {  	s2 =	rddreg [dreg:$0x2]  }
0x4: {  	s3 =	srdreg.scid;
	s0 =	rddreg [dreg:$0x3];
	s4 =	simm.s32 $0x0  }
0x5: {  	s15 =	simm.s32 $0x14100;
	s16 =	simm.s32 $0x2;
	s17 =	simm.s32 $0x14000  }
0x6: {  	s18 =	simm.s32 $0x14080;
	s19 =	simm.s32 $0x80;
	s8 =	sand.u32 $0x1, s3  }
0x7: {  	s20 =	simm.s32 $0x1;
	s3 =	stileid.u32;
	s6 =	smul.u32 $0x140000, s8  }
0x8: {  	s23 =	simm.s32 $0x0;
	[smem:$0x7FF] =	sst s4;
	s9 =	smul.u32 $0x14000, s3  }
0x9: {  	s5 =	sadd.s32 $0x3400, s7;
	_ =	strace $0x80000047;
	s10 =	smul.u32 $0x50000, s3  }
0xa: {  	s11 =	ssub.s32 $0x2, s8;
	s8 =	sshll.u32 s8, $0x4;
	s21 =	sshll.u32 s3, $0x6  }
0xb: {  	s30 =	sshrl.u32 s11, $0x1;
	s12 =	sor.u32 s3, s8;
	s21 =	sor.u32 $0x1C02, s21  }
0xc: {  	s9 =	sadd.s32 s9, s6;
	s6 =	sadd.s32 $0xD400, s7;
	s31 =	sshrl.u32 s10, $0x2  }
0xd: {  	s14 =	ssub.s32 s11, s30;
	s12 =	smul.u32 $0x2800, s12;
	s9 =	sshrl.u32 s9, $0x3  }
0xe: {  	s14 =	smax.u32 s14, $0x1;
	s13 =	sadd.s32 s9, s7;
	s7 =	sadd.s32 s31, s2  }
0xf: {  	s8 =	sadd.s32 $0x4000, s7;
	s9 =	sadd.s32 $0x8000, s7;
	s10 =	sadd.s32 $0xC000, s7  }
0x10: {  	v0 =	vimm.f32 $0.0e+00;
	s11 =	sadd.s32 $0x10000, s7;
	s13 =	sadd.s32 $0x17400, s13;
	s22 =	sshrl.u32 s7, $0x3  }
.LBB2_1:
0x11: {  	s24 =	simm.s32 $0x0;
	s25 =	simm.s32 $0x200  }
.LBB2_2:
0x12: {  	p0 =	sne.s32 s25, $0xFE00;
	[tilespmem:s24+$0x14170] =	vst v0  }
0x13: {  	[tilespmem:s24+$0x14100] =	vst v0  }
0x14: {  	[tilespmem:s24+$0x14110] =	vst v0  }
.Ltmp0:
0x15: {  	[tilespmem:s24+$0x14120] =	vst v0;
	(pc) =	sbr.rel @p0 .LBB2_2-.Ltmp0, $4  }
0x16: {  	[tilespmem:s24+$0x14130] =	vst v0  }
0x17: {  	[tilespmem:s24+$0x14140] =	vst v0  }
0x18: {  	[tilespmem:s24+$0x14150] =	vst v0  }
0x19: {  	[tilespmem:s24+$0x14160] =	vst v0;
	s24 =	sshra.s32 s25, $0x2;
	s25 =	sadd.s32 $0x200, s25  }
0x1a: {  	[tilespmem:s24+$0x14170] =	vst v0  }
0x1b: {  	[tilespmem:s24+$0x14100] =	vst v0  }
0x1c: {  	[tilespmem:s24+$0x14110] =	vst v0  }
0x1d: {  	[tilespmem:s24+$0x14120] =	vst v0  }
0x1e: {  	[tilespmem:s24+$0x14130] =	vst v0  }
0x1f: {  	[tilespmem:s24+$0x14140] =	vst v0  }
0x20: {  	[tilespmem:s24+$0x14150] =	vst v0  }
0x21: {  	[tilespmem:s24+$0x14160] =	vst v0  }
0x22: {  	[spmem:s7] =	stream.linear.scatter [tilespmem:s15], [sflag:$0x2], $0x4000, $0x38;
	[tilespmem:$0x18100] =	vst v63  }
0x23: {  	_ =	swait.ge [sflag:s16], $0x4000  }
0x24: {  	[sflag:s16] =	ssyncset.done $0x0  }
0x25: {  	[sflag:s16] =	ssyncadd.s32 $0xFFFFC000  }
0x26: {  	[spmem:s8] =	stream.linear.scatter [tilespmem:s15], [sflag:$0x2], $0x4000, $0x38;
	[tilespmem:$0x18100] =	vst v63  }
0x27: {  	_ =	swait.ge [sflag:s16], $0x4000  }
0x28: {  	[sflag:s16] =	ssyncset.done $0x0  }
0x29: {  	[sflag:s16] =	ssyncadd.s32 $0xFFFFC000  }
0x2a: {  	[spmem:s9] =	stream.linear.scatter [tilespmem:s15], [sflag:$0x2], $0x4000, $0x38;
	[tilespmem:$0x18100] =	vst v63  }
0x2b: {  	_ =	swait.ge [sflag:s16], $0x4000  }
0x2c: {  	[sflag:s16] =	ssyncset.done $0x0  }
0x2d: {  	[sflag:s16] =	ssyncadd.s32 $0xFFFFC000  }
0x2e: {  	[spmem:s10] =	stream.linear.scatter [tilespmem:s15], [sflag:$0x2], $0x4000, $0x38;
	[tilespmem:$0x18100] =	vst v63  }
0x2f: {  	_ =	swait.ge [sflag:s16], $0x4000  }
0x30: {  	s28 =	simm.s32 $0x0;
	[sflag:s16] =	ssyncset.done $0x0  }
0x31: {  	s25 =	sand.u32 $0x3C00, s28;
	[sflag:s16] =	ssyncadd.s32 $0xFFFFC000  }
0x32: {  	[spmem:s11] =	stream.linear.scatter [tilespmem:s15], [sflag:$0x2], $0x4000, $0x38;
	[tilespmem:$0x18100] =	vst v63  }
0x33: {  	s24 =	sand.u32 $0x380, s28;
	s25 =	sadd.s32 s12, s25;
	_ =	swait.ge [sflag:s16], $0x4000  }
0x34: {  	s24 =	sor.u32 s24, s25;
	[sflag:s16] =	ssyncset.done $0x0  }
0x35: {  	s24 =	sshrl.u32 s24, $0x3;
	[sflag:s16] =	ssyncadd.s32 $0xFFFFC000  }
0x36: {  	s29 =	sadd.s32 s5, s24;
	[bflag:$0x0] =	sbarrier.arrive $0xFFFF  }
0x37: {  	[tilespmem:s17], [sflag:$0x2] =	stream.linear.gather [hbm4b:s29+s4], $0x80, $0x38;
	[tilespmem:$0x18100] =	vst v63  }
0x38: {  	_ =	swait.ge [sflag:s16], $0x80  }
0x39: {  	[sflag:s16] =	ssyncset.done $0x0  }
0x3a: {  	s24 =	sadd.s32 s6, s24;
	[sflag:s16] =	ssyncadd.s32 $0xFFFFFF80  }
0x3b: {  	[tilespmem:s18], [sflag:$0x2] =	stream.linear.gather [hbm4b:s24+s4], $0x80, $0x38;
	[tilespmem:$0x18100] =	vst v63  }
0x3c: {  	_ =	swait.ge [sflag:s16], $0x80  }
0x3d: {  	[sflag:s16] =	ssyncset.done $0x0  }
0x3e: {  	[sflag:s16] =	ssyncadd.s32 $0xFFFFFF80  }
0x3f: {  	[tilespmem:s15], [sflag:$0x1] =	stream.indirect.gather [hbm4b:s1+s19], $0x80, s17, s19, $0xb8;
	[tilespmem:$0x18100] =	vst v63  }
0x40: {  	_ =	swait.ge [sflag:s20], $0x4000  }
0x41: {  	s30 =	simm.s32 $0x80;
	[sflag:s20] =	ssyncset.done $0x0  }
0x42: {  	s31 =	sand.u32 $0x3C00, s30;
	[sflag:s20] =	ssyncadd.s32 $0xFFFFC000  }
0x43: {  	[spmem:s2] =	stream.indirect.scatter.add.f32 [tilespmem:s15], [sflag:$0x2], $0x80, s18, s19, $0xb8;
	[tilespmem:$0x18100] =	vst v63  }
0x44: {  	s26 =	sand.u32 $0x380, s30;
	s25 =	sadd.s32 s12, s31;
	_ =	swait.ge [sflag:s16], $0x4000  }
0x45: {  	s25 =	sor.u32 s26, s25;
	s24 =	simm.s32 $0x100;
	[sflag:s16] =	ssyncset.done $0x0  }
.LBB2_4:
0x46: {  	s25 =	sshrl.u32 s25, $0x3  }
0x47: {  	[sflag:s16] =	ssyncadd.s32 $0xFFFFC000;
	s26 =	smov.u32 s24;
	s28 =	sadd.s32 $0x80, s24  }
0x48: {  	p0 =	sne.s32 s24, $0x2700;
	s24 =	sadd.s32 s5, s25  }
0x49: {  	[tilespmem:s17], [sflag:$0x2] =	stream.linear.gather [hbm4b:s24+s4], $0x80, $0x38;
	[tilespmem:$0x18100] =	vst v63  }
0x4a: {  	_ =	swait.ge [sflag:s16], $0x80  }
0x4b: {  	[sflag:s16] =	ssyncset.done $0x0  }
0x4c: {  	s24 =	sadd.s32 s6, s25;
	[sflag:s16] =	ssyncadd.s32 $0xFFFFFF80  }
0x4d: {  	[tilespmem:s18], [sflag:$0x2] =	stream.linear.gather [hbm4b:s24+s4], $0x80, $0x38;
	[tilespmem:$0x18100] =	vst v63  }
0x4e: {  	_ =	swait.ge [sflag:s16], $0x80  }
0x4f: {  	[sflag:s16] =	ssyncset.done $0x0  }
0x50: {  	[sflag:s16] =	ssyncadd.s32 $0xFFFFFF80  }
0x51: {  	[tilespmem:s15], [sflag:$0x1] =	stream.indirect.gather [hbm4b:s1+s19], $0x80, s17, s19, $0xb8;
	[tilespmem:$0x18100] =	vst v63  }
0x52: {  	_ =	swait.ge [sflag:s20], $0x4000  }
.Ltmp1:
0x53: {  	[sflag:s20] =	ssyncset.done $0x0;
	(pc) =	sbr.rel @p0 .LBB2_4-.Ltmp1, $4  }
0x54: {  	s24 =	sand.u32 $0x3C00, s26;
	[sflag:s20] =	ssyncadd.s32 $0xFFFFC000  }
0x55: {  	[spmem:s2] =	stream.indirect.scatter.add.f32 [tilespmem:s15], [sflag:$0x2], $0x80, s18, s19, $0xb8;
	[tilespmem:$0x18100] =	vst v63  }
0x56: {  	s25 =	sand.u32 $0x380, s26;
	s24 =	sadd.s32 s12, s24;
	_ =	swait.ge [sflag:s16], $0x4000  }
0x57: {  	s25 =	sor.u32 s25, s24;
	s24 =	smov.u32 s28;
	[sflag:s16] =	ssyncset.done $0x0  }
0x58: {  	s24 =	sshrl.u32 s25, $0x3  }
0x59: {  	[sflag:s16] =	ssyncadd.s32 $0xFFFFC000;
	s25 =	sadd.s32 s5, s24  }
0x5a: {  	[tilespmem:s17], [sflag:$0x2] =	stream.linear.gather [hbm4b:s25+s4], $0x80, $0x38;
	[tilespmem:$0x18100] =	vst v63  }
0x5b: {  	_ =	swait.ge [sflag:s16], $0x80  }
0x5c: {  	[sflag:s16] =	ssyncset.done $0x0  }
0x5d: {  	s24 =	sadd.s32 s6, s24;
	[sflag:s16] =	ssyncadd.s32 $0xFFFFFF80  }
0x5e: {  	[tilespmem:s18], [sflag:$0x2] =	stream.linear.gather [hbm4b:s24+s4], $0x80, $0x38;
	[tilespmem:$0x18100] =	vst v63  }
0x5f: {  	_ =	swait.ge [sflag:s16], $0x80  }
0x60: {  	[sflag:s16] =	ssyncset.done $0x0  }
0x61: {  	[sflag:s16] =	ssyncadd.s32 $0xFFFFFF80  }
0x62: {  	[tilespmem:s15], [sflag:$0x1] =	stream.indirect.gather [hbm4b:s1+s19], $0x80, s17, s19, $0xb8;
	[tilespmem:$0x18100] =	vst v63  }
0x63: {  	_ =	swait.ge [sflag:s20], $0x4000  }
0x64: {  	[sflag:s20] =	ssyncset.done $0x0  }
0x65: {  	[sflag:s20] =	ssyncadd.s32 $0xFFFFC000  }
0x66: {  	[spmem:s2] =	stream.indirect.scatter.add.f32 [tilespmem:s15], [sflag:$0x2], $0x80, s18, s19, $0xb8;
	[tilespmem:$0x18100] =	vst v63  }
0x67: {  	_ =	swait.ge [sflag:s16], $0x4000  }
0x68: {  	s23 =	sadd.s32 $0x1, s23;
	[sflag:s16] =	ssyncset.done $0x0  }
0x69: {  	p0 =	sne.s32 s23, s14;
	[sflag:s16] =	ssyncadd.s32 $0xFFFFC000  }
.Ltmp2:
0x6a: {  	[bflag:$0x0] =	sbarrier.arrive $0xFFFF;
	(pc) =	sbr.rel @p0 .LBB2_1-.Ltmp2, $4  }
0x6b: {  	[hbm:s13], [sflag:s21] =	dma.local [spmem:s22], $0x2800  }
0x6c: {  	_ =	swait.ge [sflag:s16], $0x2800  }
0x6d: {  	[sflag:s16] =	ssyncset.done $0x0  }
0x6e: {  	[sflag:s16] =	ssyncadd.s32 $0xFFFFD800  }
0x6f: {  	_ =	sfence.sel $0x180000  }
0x70: {  	[bflag:$0x0] =	sbarrier.arrive $0xFFFF  }
0x71: {  	p0 =	sne.s32 s3, $0x0;
	_ =	strace $0x90000047  }
0x72: {  	s0 =	sadd.s32 @!p0 $0x100000, s0;
	[bflag:$0x2] =	sbarrier.arrive $0xFFFF  }
0x73: {  	[sflag:s0] =	ssyncadd.tile.s32 @!p0 $0x1;
	_ =	shalt  }
.Lfunc_end2:
_tile_overlayer_lowered:
.L_overlay_start_2:
0x74: {  	(tag) =	ssettag $0x2  }
0x75: {  	s0 =	rddreg [dreg:$0x0];
	s2 =	stileid.u32  }
0x76: {  	s1 =	rddreg [dreg:$0x1];
	p0 =	sne.s32 s2, $0x0  }
0x77: {  	s3 =	rddreg [dreg:$0x2];
	[bflag:$0x3] =	sbarrier.arrive $0xFFFF;
	s2 =	simm.s32 @!p0 $0x1C02  }
0x78: {  	[timem:s3], [sflag:s2] =	dma.local @!p0 [hbm:s0], s1  }
0x79: {  	s0 =	simm.s32 @!p0 $0x2  }
0x7a: {  	_ =	swait.ge @!p0 [sflag:s0], s1  }
0x7b: {  	s1 =	ssub.s32 @!p0 $0x0, s1;
	[sflag:s0] =	ssyncset.done @!p0 $0x0  }
0x7c: {  	[sflag:s0] =	ssyncadd.s32 @!p0 s1  }
0x7d: {  	[bflag:$0x3] =	sbarrier.arrive $0xFFFF  }
0x7e: {  	_ =	shalt  }

</sc_bundles>
